<compile_context>
chip_gen: v7x
topology: tpu7x:2x2x1
jax: 0.10.2.dev20260603
libtpu: 0.0.44.dev20260713+nightly
codegen_flags: <defaults>
</compile_context>

<pallas_src>
import functools

import jax
import jax.numpy as jnp
from jax import lax
from jax.experimental import pallas as pl
from jax.experimental.pallas import tpu as pltpu
from jax.experimental.pallas import tpu_sc as plsc

N_NODES = 10000
N_EDGES = 320000
D_IN = 128
D_HID = 64
D_OUT = 128

NC = 2
NS = 16
NW = NC * NS
EPT = N_EDGES // NW
N_PAD = 10240
ROWS_PER_TILE = N_PAD // NS
CHUNK_CNT = 400
CHUNK_HID = 400
CHUNK_OUT = 80
ROW_BLOCK = 1000
N_ROW_BLOCKS = N_NODES // ROW_BLOCK


def _mesh():
    return plsc.VectorSubcoreMesh(core_axis_name="c", subcore_axis_name="s",
                                  num_cores=NC, num_subcores=NS)



@functools.partial(
    pl.kernel,
    out_type=jax.ShapeDtypeStruct((NC * N_PAD,), jnp.float32),
    mesh=_mesh(),
    scratch_types=[
        pltpu.VMEM((EPT,), jnp.int32),
        pltpu.VMEM((CHUNK_CNT,), jnp.float32),
        pltpu.VMEM((ROWS_PER_TILE,), jnp.float32),
        pltpu.VMEM_SHARED((N_PAD,), jnp.float32),
    ],
    compiler_params=pltpu.CompilerParams(use_tc_tiling_on_sc=False),
)
def _count_kernel(edge_hbm, cnt_hbm, idx_v, ones_v, tmp_v, acc_s):
    c = lax.axis_index("c")
    s = lax.axis_index("s")
    wid = c * NS + s
    pltpu.sync_copy(edge_hbm.at[1, pl.ds(wid * EPT, EPT)], idx_v)

    def ones_body(i, carry):
        ones_v[pl.ds(i * 16, 16)] = jnp.ones((16,), jnp.float32)
        return carry

    lax.fori_loop(0, CHUNK_CNT // 16, ones_body, 0)

    def zero_body(i, carry):
        tmp_v[pl.ds(i * 16, 16)] = jnp.zeros((16,), jnp.float32)
        return carry

    lax.fori_loop(0, ROWS_PER_TILE // 16, zero_body, 0)
    tile_rows = pl.ds(s * ROWS_PER_TILE, ROWS_PER_TILE)
    pltpu.sync_copy(tmp_v, acc_s.at[tile_rows])
    plsc.subcore_barrier()

    def chunk_body(j, carry):
        pltpu.sync_copy(ones_v,
                        acc_s.at[idx_v.at[pl.ds(j * CHUNK_CNT, CHUNK_CNT)]],
                        add=True)
        return carry

    lax.fori_loop(0, EPT // CHUNK_CNT, chunk_body, 0)
    plsc.subcore_barrier()
    pltpu.sync_copy(acc_s.at[tile_rows], tmp_v)
    pltpu.sync_copy(tmp_v,
                    cnt_hbm.at[pl.ds(c * N_PAD + s * ROWS_PER_TILE,
                                     ROWS_PER_TILE)])


def _make_scatter(D, chunk):
    chunks = EPT // chunk
    assert EPT % chunk == 0 and chunks >= 3 and chunk % 8 == 0

    @functools.partial(
        pl.kernel,
        out_type=jax.ShapeDtypeStruct((NC, N_PAD, D), jnp.float32),
        mesh=_mesh(),
        scratch_types=[
            pltpu.VMEM((EPT,), jnp.int32),
            pltpu.VMEM((EPT,), jnp.int32),
            pltpu.VMEM((chunk, D), jnp.float32),
            pltpu.VMEM((chunk, D), jnp.float32),
            pltpu.VMEM_SHARED((N_PAD, D), jnp.float32),
            pltpu.SemaphoreType.DMA,
            pltpu.SemaphoreType.DMA,
        ],
        compiler_params=pltpu.CompilerParams(use_tc_tiling_on_sc=False),
    )
    def _scatter(edge_hbm, xh_hbm, out_hbm,
                 srcv, dstv, rows0, rows1, acc_s, sem0, sem1):
        c = lax.axis_index("c")
        s = lax.axis_index("s")
        wid = c * NS + s
        pltpu.sync_copy(edge_hbm.at[0, pl.ds(wid * EPT, EPT)], srcv)
        pltpu.sync_copy(edge_hbm.at[1, pl.ds(wid * EPT, EPT)], dstv)

        def sidx(ref, j):
            return ref.at[pl.ds(j * chunk, chunk)]

        def zero_body(r, carry):
            for i in range(D // 16):
                rows0[r, pl.ds(i * 16, 16)] = jnp.zeros((16,), jnp.float32)
            return carry

        lax.fori_loop(0, chunk, zero_body, 0)
        zchunks = ROWS_PER_TILE // chunk
        ztail = ROWS_PER_TILE % chunk

        def zslices():
            out = []
            for z in range(zchunks):
                out.append((pl.ds(s * ROWS_PER_TILE + z * chunk, chunk), None))
            if ztail:
                out.append((pl.ds(s * ROWS_PER_TILE + zchunks * chunk, ztail),
                            ztail))
            return out

        for sl, size in zslices():
            buf = rows0 if size is None else rows0.at[pl.ds(0, size)]
            pltpu.async_copy(buf, acc_s.at[sl], sem0)
        for sl, size in zslices():
            buf = rows0 if size is None else rows0.at[pl.ds(0, size)]
            pltpu.make_async_copy(buf, acc_s.at[sl], sem0).wait()
        plsc.subcore_barrier()

        pltpu.async_copy(xh_hbm.at[sidx(srcv, 0)], rows0, sem0)
        pltpu.async_copy(xh_hbm.at[sidx(srcv, 1)], rows1, sem1)

        def pair_body(p, carry):
            j0 = p * 2
            pltpu.make_async_copy(
                xh_hbm.at[sidx(srcv, j0)], rows0, sem0).wait()
            pltpu.sync_copy(rows0, acc_s.at[sidx(dstv, j0)], add=True)

            @pl.when(j0 + 2 < chunks)
            def _():
                pltpu.async_copy(xh_hbm.at[sidx(srcv, j0 + 2)], rows0, sem0)

            pltpu.make_async_copy(
                xh_hbm.at[sidx(srcv, j0 + 1)], rows1, sem1).wait()
            pltpu.sync_copy(rows1, acc_s.at[sidx(dstv, j0 + 1)], add=True)

            @pl.when(j0 + 3 < chunks)
            def _():
                pltpu.async_copy(xh_hbm.at[sidx(srcv, j0 + 3)], rows1, sem1)

            return carry

        lax.fori_loop(0, chunks // 2, pair_body, 0)
        if chunks % 2:
            jl = chunks - 1
            pltpu.make_async_copy(
                xh_hbm.at[sidx(srcv, jl)], rows0, sem0).wait()
            pltpu.sync_copy(rows0, acc_s.at[sidx(dstv, jl)], add=True)

        plsc.subcore_barrier()
        zs = zslices()
        for z, (sl, size) in enumerate(zs):
            buf = rows0 if z % 2 == 0 else rows1
            bufv = buf if size is None else buf.at[pl.ds(0, size)]
            pltpu.sync_copy(acc_s.at[sl], bufv)
            pltpu.sync_copy(bufv, out_hbm.at[c, sl])

    return _scatter


_scatter_hid = _make_scatter(D_HID, CHUNK_HID)
_scatter_out = _make_scatter(D_OUT, CHUNK_OUT)



def _col(v):
    return jnp.transpose(v.reshape(1, -1))


def _tc1_body(cnt0_ref, cnt1_ref, x_ref, w_ref, xh_ref, dinv_ref):
    cnt = cnt0_ref[...] + cnt1_ref[...]
    dinv = lax.rsqrt(cnt + 1.0)
    dinv_ref[...] = dinv
    h = jnp.dot(x_ref[...], w_ref[...], preferred_element_type=jnp.float32)
    xh_ref[...] = h * _col(dinv)


def _tc1(cnt0, cnt1, x, W1):
    return pl.pallas_call(
        _tc1_body,
        grid=(N_ROW_BLOCKS,),
        in_specs=[
            pl.BlockSpec((1, 1, ROW_BLOCK), lambda i: (i, 0, 0)),
            pl.BlockSpec((1, 1, ROW_BLOCK), lambda i: (i, 0, 0)),
            pl.BlockSpec((ROW_BLOCK, D_IN), lambda i: (i, 0)),
            pl.BlockSpec((D_IN, D_HID), lambda i: (0, 0)),
        ],
        out_specs=[
            pl.BlockSpec((ROW_BLOCK, D_HID), lambda i: (i, 0)),
            pl.BlockSpec((1, 1, ROW_BLOCK), lambda i: (i, 0, 0)),
        ],
        out_shape=[
            jax.ShapeDtypeStruct((N_NODES, D_HID), jnp.float32),
            jax.ShapeDtypeStruct((N_ROW_BLOCKS, 1, ROW_BLOCK), jnp.float32),
        ],
    )(cnt0, cnt1, x, W1)


def _tc2_body(acc_ref, xh_ref, dinv_ref, b_ref, w_ref, out_ref):
    dinv = _col(dinv_ref[...])
    z = (acc_ref[0] + acc_ref[1] + xh_ref[...]) * dinv + b_ref[...]
    a = jnp.maximum(z, 0.0)
    out_ref[...] = jnp.dot(
        a, w_ref[...], preferred_element_type=jnp.float32) * dinv


def _tc2(acc1, xh1, dinv, b1, W2):
    return pl.pallas_call(
        _tc2_body,
        grid=(N_ROW_BLOCKS,),
        in_specs=[
            pl.BlockSpec((NC, ROW_BLOCK, D_HID), lambda i: (0, i, 0)),
            pl.BlockSpec((ROW_BLOCK, D_HID), lambda i: (i, 0)),
            pl.BlockSpec((1, 1, ROW_BLOCK), lambda i: (i, 0, 0)),
            pl.BlockSpec((1, D_HID), lambda i: (0, 0)),
            pl.BlockSpec((D_HID, D_OUT), lambda i: (0, 0)),
        ],
        out_specs=pl.BlockSpec((ROW_BLOCK, D_OUT), lambda i: (i, 0)),
        out_shape=jax.ShapeDtypeStruct((N_NODES, D_OUT), jnp.float32),
    )(acc1, xh1, dinv, b1, W2)


def _tc3_body(acc_ref, xh_ref, dinv_ref, b_ref, out_ref):
    out_ref[...] = ((acc_ref[0] + acc_ref[1] + xh_ref[...])
                    * _col(dinv_ref[...]) + b_ref[...])


def _tc3(acc2, xh2, dinv, b2):
    return pl.pallas_call(
        _tc3_body,
        grid=(N_ROW_BLOCKS,),
        in_specs=[
            pl.BlockSpec((NC, ROW_BLOCK, D_OUT), lambda i: (0, i, 0)),
            pl.BlockSpec((ROW_BLOCK, D_OUT), lambda i: (i, 0)),
            pl.BlockSpec((1, 1, ROW_BLOCK), lambda i: (i, 0, 0)),
            pl.BlockSpec((1, D_OUT), lambda i: (0, 0)),
        ],
        out_specs=pl.BlockSpec((ROW_BLOCK, D_OUT), lambda i: (i, 0)),
        out_shape=jax.ShapeDtypeStruct((N_NODES, D_OUT), jnp.float32),
    )(acc2, xh2, dinv, b2)



def kernel(x, edge_index, W1, b1, W2, b2):
    edges = edge_index.astype(jnp.int32)

    cnt = _count_kernel(edges)
    cnt0 = cnt[:N_NODES].reshape(N_ROW_BLOCKS, 1, ROW_BLOCK)
    cnt1 = cnt[N_PAD:N_PAD + N_NODES].reshape(N_ROW_BLOCKS, 1, ROW_BLOCK)
    xh1, dinv = _tc1(cnt0, cnt1, x, W1)
    acc1 = _scatter_hid(edges, xh1)
    xh2 = _tc2(acc1, xh1, dinv, b1.reshape(1, D_HID), W2)
    acc2 = _scatter_out(edges, xh2)
    return _tc3(acc2, xh2, dinv, b2.reshape(1, D_OUT))

# --- scband reference (transcript-rebuilt; emitter-appended) ---
"""Pipeline reference for scband-net-35905926594573 (READ-ONLY COPY).

The authoritative reference and input builder live on the scoring server;
editing this copy changes nothing except your own understanding.
"""

import jax, jax.numpy as jnp
import numpy as np

N_NODES = 10000
N_EDGES = 320000
D_IN = 128
D_HID = 64
D_OUT = 128


def gcn_layer(x, W, b, src, dst, n_nodes):
    # add self loops
    loop = jnp.arange(n_nodes, dtype=src.dtype)
    s = jnp.concatenate([src, loop])
    d = jnp.concatenate([dst, loop])
    deg = jnp.zeros((n_nodes,), dtype=x.dtype).at[d].add(1.0)
    dinv = jax.lax.rsqrt(deg)
    norm = dinv[s] * dinv[d]
    h = x @ W
    msg = h[s] * norm[:, None]
    out = jax.ops.segment_sum(msg, d, num_segments=n_nodes)
    return out + b


def setup_inputs(seed: int = 0) -> dict:
    key = jax.random.key(seed)
    k1, k2, k3, k4, k5 = jax.random.split(key, 5)
    x = jax.random.normal(k1, (N_NODES, D_IN), dtype=jnp.float32)
    edge_index = jax.random.randint(k2, (2, N_EDGES), 0, N_NODES, dtype=jnp.int64)
    # Glorot-style init for GCNConv weights
    W1 = jax.random.normal(k3, (D_IN, D_HID), dtype=jnp.float32) * (1.0 / np.sqrt(D_IN))
    b1 = jnp.zeros((D_HID,), dtype=jnp.float32)
    W2 = jax.random.normal(k4, (D_HID, D_OUT), dtype=jnp.float32) * (1.0 / np.sqrt(D_HID))
    b2 = jnp.zeros((D_OUT,), dtype=jnp.float32)
    return {"x": x, "edge_index": edge_index, "W1": W1, "b1": b1, "W2": W2, "b2": b2}


def reference(x, edge_index, W1, b1, W2, b2):
    src = edge_index[0]
    dst = edge_index[1]
    h = gcn_layer(x, W1, b1, src, dst, N_NODES)
    h = jax.nn.relu(h)  # dropout p=0.0 is identity
    out = gcn_layer(h, W2, b2, src, dst, N_NODES)
    return out

if __name__ == "__main__":
    import jax
    _d = setup_inputs()
    print(jax.jit(kernel)(*tuple(_d.values())))

</pallas_src>

<mosaic_0001>
#map = affine_map<(d0, d1) -> (0, 0)>
#map1 = affine_map<(d0, d1) -> (0)>
module attributes {stable_mosaic.version = 14 : i64} {
  func.func @_count_kernel(%arg0: i32, %arg1: i32, %arg2: memref<2x320000xi32, #tpu.memory_space<hbm>>, %arg3: memref<20480xf32, #tpu.memory_space<hbm>>, %arg4: memref<10000xi32, #tpu.memory_space<vmem>>, %arg5: memref<400xf32, #tpu.memory_space<vmem>>, %arg6: memref<640xf32, #tpu.memory_space<vmem>>, %arg7: memref<10240xf32, #tpu.memory_space<vmem_shared>>) attributes {dimension_semantics = [#tpu.dimension_semantics<core_parallel>, #tpu.dimension_semantics<subcore_parallel>], iteration_bounds = array<i64: 2, 16>, scalar_prefetch = 0 : i64, scratch_operands = 4 : i64, tpu.core_type = #tpu.core_type<sc_vector_subcore>, window_params = [{transform_indices = #map}, {transform_indices = #map1}]} {
    %mul3A = arith.constant 16 : i32
    %mul3A_0 = arith.muli %arg0, %mul3A : i32
    %add3A = arith.addi %mul3A_0, %arg1 : i32
    %mul3A_1 = arith.constant 10000 : i32
    %mul3A_2 = arith.muli %add3A, %mul3A_1 : i32
    %run_scoped3A = arith.constant 1 : i32
    "tpu.region"() ({
      %run_scoped3A_28 = tpu.sem_alloc : memref<!tpu.dma_semaphore, #tpu.memory_space<semaphore_mem>>
      %dma_start3A = tpu.memref_slice %arg2[%run_scoped3A, %mul3A_2] : memref<2x320000xi32, #tpu.memory_space<hbm>> -> memref<1x10000xi32, #tpu.memory_space<hbm>>
      %dma_start3A_29 = tpu.memref_squeeze %dma_start3A : memref<1x10000xi32, #tpu.memory_space<hbm>> -> memref<10000xi32, #tpu.memory_space<hbm>>
      %dma_start3A_30 = tpu.memref_slice %arg2[%run_scoped3A, %mul3A_2] : memref<2x320000xi32, #tpu.memory_space<hbm>> -> memref<1x10000xi32, #tpu.memory_space<hbm>>
      %dma_start3A_31 = tpu.memref_squeeze %dma_start3A_30 : memref<1x10000xi32, #tpu.memory_space<hbm>> -> memref<10000xi32, #tpu.memory_space<hbm>>
      tpu.enqueue_dma source(%dma_start3A_31 : memref<10000xi32, #tpu.memory_space<hbm>>) target(%arg4 : memref<10000xi32, #tpu.memory_space<vmem>>) target_semaphore(%run_scoped3A_28 : memref<!tpu.dma_semaphore, #tpu.memory_space<semaphore_mem>>)
      %dma_wait3A = tpu.memref_slice %arg2[%run_scoped3A, %mul3A_2] : memref<2x320000xi32, #tpu.memory_space<hbm>> -> memref<1x10000xi32, #tpu.memory_space<hbm>>
      %dma_wait3A_32 = tpu.memref_squeeze %dma_wait3A : memref<1x10000xi32, #tpu.memory_space<hbm>> -> memref<10000xi32, #tpu.memory_space<hbm>>
      %dma_wait3A_33 = tpu.memref_slice %arg2[%run_scoped3A, %mul3A_2] : memref<2x320000xi32, #tpu.memory_space<hbm>> -> memref<1x10000xi32, #tpu.memory_space<hbm>>
      %dma_wait3A_34 = tpu.memref_squeeze %dma_wait3A_33 : memref<1x10000xi32, #tpu.memory_space<hbm>> -> memref<10000xi32, #tpu.memory_space<hbm>>
      tpu.wait_dma2 semaphore(%run_scoped3A_28 : memref<!tpu.dma_semaphore, #tpu.memory_space<semaphore_mem>>) src(%dma_wait3A_34 : memref<10000xi32, #tpu.memory_space<hbm>>) dst(%arg4 : memref<10000xi32, #tpu.memory_space<vmem>>)
      tpu.yield
    }) : () -> ()
    %scan3A = arith.constant 0 : i32
    %scan3A_3 = arith.constant 0 : i32
    %scan3A_4 = arith.constant 25 : i32
    %scan3A_5 = arith.addi %scan3A_3, %scan3A_4 : i32
    %scan3A_6 = arith.constant 1 : i32
    scf.for %scan3A_28 = %scan3A_3 to %scan3A_5 step %scan3A_6  : i32 {
      %broadcast_in_dim3A = arith.constant 1.000000e+00 : f32
      %broadcast_in_dim3A_29 = vector.broadcast %broadcast_in_dim3A : f32 to vector<16xf32>
      %mul3A_30 = arith.constant 16 : i32
      %mul3A_31 = arith.muli %scan3A_28, %mul3A_30 : i32
      %swap3A = arith.index_cast %mul3A_31 : i32 to index
      %swap3A_32 = tpu.vector_load %arg5[%swap3A] {strides = array<i32>} : memref<400xf32, #tpu.memory_space<vmem>>, vector<16xf32>,
      %swap3A_33 = vector.shape_cast %swap3A_32 : vector<16xf32> to vector<16xf32>
      %swap3A_34 = vector.shape_cast %broadcast_in_dim3A_29 : vector<16xf32> to vector<16xf32>
      tpu.vector_store %arg5[%swap3A], %swap3A_34 {strides = array<i32>} : memref<400xf32, #tpu.memory_space<vmem>>, vector<16xf32>,
    }
    %scan3A_7 = arith.constant 25 : i32
    %scan3A_8 = arith.constant 0 : i32
    %scan3A_9 = arith.constant 0 : i32
    %scan3A_10 = arith.constant 40 : i32
    %scan3A_11 = arith.addi %scan3A_9, %scan3A_10 : i32
    %scan3A_12 = arith.constant 1 : i32
    scf.for %scan3A_28 = %scan3A_9 to %scan3A_11 step %scan3A_12  : i32 {
      %broadcast_in_dim3A = arith.constant 0.000000e+00 : f32
      %broadcast_in_dim3A_29 = vector.broadcast %broadcast_in_dim3A : f32 to vector<16xf32>
      %mul3A_30 = arith.constant 16 : i32
      %mul3A_31 = arith.muli %scan3A_28, %mul3A_30 : i32
      %swap3A = arith.index_cast %mul3A_31 : i32 to index
      %swap3A_32 = tpu.vector_load %arg6[%swap3A] {strides = array<i32>} : memref<640xf32, #tpu.memory_space<vmem>>, vector<16xf32>,
      %swap3A_33 = vector.shape_cast %swap3A_32 : vector<16xf32> to vector<16xf32>
      %swap3A_34 = vector.shape_cast %broadcast_in_dim3A_29 : vector<16xf32> to vector<16xf32>
      tpu.vector_store %arg6[%swap3A], %swap3A_34 {strides = array<i32>} : memref<640xf32, #tpu.memory_space<vmem>>, vector<16xf32>,
    }
    %scan3A_13 = arith.constant 40 : i32
    %mul3A_14 = arith.constant 640 : i32
    %mul3A_15 = arith.muli %arg1, %mul3A_14 : i32
    "tpu.region"() ({
      %run_scoped3A_28 = tpu.sem_alloc : memref<!tpu.dma_semaphore, #tpu.memory_space<semaphore_mem>>
      %dma_start3A = tpu.memref_slice %arg7[%mul3A_15] : memref<10240xf32, #tpu.memory_space<vmem_shared>> -> memref<640xf32, #tpu.memory_space<vmem_shared>>
      %dma_start3A_29 = tpu.memref_slice %arg7[%mul3A_15] : memref<10240xf32, #tpu.memory_space<vmem_shared>> -> memref<640xf32, #tpu.memory_space<vmem_shared>>
      tpu.enqueue_dma source(%arg6 : memref<640xf32, #tpu.memory_space<vmem>>) target(%dma_start3A_29 : memref<640xf32, #tpu.memory_space<vmem_shared>>) target_semaphore(%run_scoped3A_28 : memref<!tpu.dma_semaphore, #tpu.memory_space<semaphore_mem>>)
      %dma_wait3A = tpu.memref_slice %arg7[%mul3A_15] : memref<10240xf32, #tpu.memory_space<vmem_shared>> -> memref<640xf32, #tpu.memory_space<vmem_shared>>
      %dma_wait3A_30 = tpu.memref_slice %arg7[%mul3A_15] : memref<10240xf32, #tpu.memory_space<vmem_shared>> -> memref<640xf32, #tpu.memory_space<vmem_shared>>
      tpu.wait_dma2 semaphore(%run_scoped3A_28 : memref<!tpu.dma_semaphore, #tpu.memory_space<semaphore_mem>>) src(%arg6 : memref<640xf32, #tpu.memory_space<vmem>>) dst(%dma_wait3A_30 : memref<640xf32, #tpu.memory_space<vmem_shared>>)
      tpu.yield
    }) : () -> ()
    %barrier3A = arith.constant 0 : index
    tpu.barrier barrier_id(%barrier3A)
    %scan3A_16 = arith.constant 0 : i32
    %scan3A_17 = arith.constant 0 : i32
    %scan3A_18 = arith.constant 25 : i32
    %scan3A_19 = arith.addi %scan3A_17, %scan3A_18 : i32
    %scan3A_20 = arith.constant 1 : i32
    scf.for %scan3A_28 = %scan3A_17 to %scan3A_19 step %scan3A_20  : i32 {
      %mul3A_29 = arith.constant 400 : i32
      %mul3A_30 = arith.muli %scan3A_28, %mul3A_29 : i32
      "tpu.region"() ({
        %run_scoped3A_31 = tpu.sem_alloc : memref<!tpu.dma_semaphore, #tpu.memory_space<semaphore_mem>>
        %dma_start3A = tpu.memref_slice %arg4[%mul3A_30] : memref<10000xi32, #tpu.memory_space<vmem>> -> memref<400xi32, #tpu.memory_space<vmem>>
        %dma_start3A_32 = arith.constant 0 : i32
        %dma_start3A_33 = tpu.memref_slice %arg7[%dma_start3A_32] : memref<10240xf32, #tpu.memory_space<vmem_shared>> -> memref<10240xf32, #tpu.memory_space<vmem_shared>>
        tpu.enqueue_indirect_dma source(%arg5 : memref<400xf32, #tpu.memory_space<vmem>>) target(%dma_start3A_33 : memref<10240xf32, #tpu.memory_space<vmem_shared>>) offsets(%dma_start3A : memref<400xi32, #tpu.memory_space<vmem>>) semaphore(%run_scoped3A_31 : memref<!tpu.dma_semaphore, #tpu.memory_space<semaphore_mem>>) {add = true}
        %dma_wait3A = tpu.memref_slice %arg4[%mul3A_30] : memref<10000xi32, #tpu.memory_space<vmem>> -> memref<400xi32, #tpu.memory_space<vmem>>
        %dma_wait3A_34 = arith.constant 0 : i32
        %dma_wait3A_35 = tpu.memref_slice %arg7[%dma_wait3A_34] : memref<10240xf32, #tpu.memory_space<vmem_shared>> -> memref<10240xf32, #tpu.memory_space<vmem_shared>>
        tpu.wait_indirect_dma semaphore(%run_scoped3A_31 : memref<!tpu.dma_semaphore, #tpu.memory_space<semaphore_mem>>) src(%arg5 : memref<400xf32, #tpu.memory_space<vmem>>) dst(%dma_wait3A_35 : memref<10240xf32, #tpu.memory_space<vmem_shared>>)
        tpu.yield
      }) : () -> ()
    }
    %scan3A_21 = arith.constant 25 : i32
    %barrier3A_22 = arith.constant 0 : index
    tpu.barrier barrier_id(%barrier3A_22)
    "tpu.region"() ({
      %run_scoped3A_28 = tpu.sem_alloc : memref<!tpu.dma_semaphore, #tpu.memory_space<semaphore_mem>>
      %dma_start3A = tpu.memref_slice %arg7[%mul3A_15] : memref<10240xf32, #tpu.memory_space<vmem_shared>> -> memref<640xf32, #tpu.memory_space<vmem_shared>>
      %dma_start3A_29 = tpu.memref_slice %arg7[%mul3A_15] : memref<10240xf32, #tpu.memory_space<vmem_shared>> -> memref<640xf32, #tpu.memory_space<vmem_shared>>
      tpu.enqueue_dma source(%dma_start3A_29 : memref<640xf32, #tpu.memory_space<vmem_shared>>) target(%arg6 : memref<640xf32, #tpu.memory_space<vmem>>) target_semaphore(%run_scoped3A_28 : memref<!tpu.dma_semaphore, #tpu.memory_space<semaphore_mem>>)
      %dma_wait3A = tpu.memref_slice %arg7[%mul3A_15] : memref<10240xf32, #tpu.memory_space<vmem_shared>> -> memref<640xf32, #tpu.memory_space<vmem_shared>>
      %dma_wait3A_30 = tpu.memref_slice %arg7[%mul3A_15] : memref<10240xf32, #tpu.memory_space<vmem_shared>> -> memref<640xf32, #tpu.memory_space<vmem_shared>>
      tpu.wait_dma2 semaphore(%run_scoped3A_28 : memref<!tpu.dma_semaphore, #tpu.memory_space<semaphore_mem>>) src(%dma_wait3A_30 : memref<640xf32, #tpu.memory_space<vmem_shared>>) dst(%arg6 : memref<640xf32, #tpu.memory_space<vmem>>)
      tpu.yield
    }) : () -> ()
    %mul3A_23 = arith.constant 10240 : i32
    %mul3A_24 = arith.muli %arg0, %mul3A_23 : i32
    %mul3A_25 = arith.constant 640 : i32
    %mul3A_26 = arith.muli %arg1, %mul3A_25 : i32
    %add3A_27 = arith.addi %mul3A_24, %mul3A_26 : i32
    "tpu.region"() ({
      %run_scoped3A_28 = tpu.sem_alloc : memref<!tpu.dma_semaphore, #tpu.memory_space<semaphore_mem>>
      %dma_start3A = tpu.memref_slice %arg3[%add3A_27] : memref<20480xf32, #tpu.memory_space<hbm>> -> memref<640xf32, #tpu.memory_space<hbm>>
      %dma_start3A_29 = tpu.memref_slice %arg3[%add3A_27] : memref<20480xf32, #tpu.memory_space<hbm>> -> memref<640xf32, #tpu.memory_space<hbm>>
      tpu.enqueue_dma source(%arg6 : memref<640xf32, #tpu.memory_space<vmem>>) target(%dma_start3A_29 : memref<640xf32, #tpu.memory_space<hbm>>) target_semaphore(%run_scoped3A_28 : memref<!tpu.dma_semaphore, #tpu.memory_space<semaphore_mem>>)
      %dma_wait3A = tpu.memref_slice %arg3[%add3A_27] : memref<20480xf32, #tpu.memory_space<hbm>> -> memref<640xf32, #tpu.memory_space<hbm>>
      %dma_wait3A_30 = tpu.memref_slice %arg3[%add3A_27] : memref<20480xf32, #tpu.memory_space<hbm>> -> memref<640xf32, #tpu.memory_space<hbm>>
      tpu.wait_dma2 semaphore(%run_scoped3A_28 : memref<!tpu.dma_semaphore, #tpu.memory_space<semaphore_mem>>) src(%arg6 : memref<640xf32, #tpu.memory_space<vmem>>) dst(%dma_wait3A_30 : memref<640xf32, #tpu.memory_space<hbm>>)
      tpu.yield
    }) : () -> ()
    return
  }
}

#map = affine_map<(d0, d1) -> (0, 0)>
#map1 = affine_map<(d0, d1) -> (0, 0, 0)>
module attributes {stable_mosaic.version = 14 : i64} {
  func.func @_scatter(%arg0: i32, %arg1: i32, %arg2: memref<2x320000xi32, #tpu.memory_space<hbm>>, %arg3: memref<10000x64xf32, #tpu.memory_space<hbm>>, %arg4: memref<2x10240x64xf32, #tpu.memory_space<hbm>>, %arg5: memref<10000xi32, #tpu.memory_space<vmem>>, %arg6: memref<10000xi32, #tpu.memory_space<vmem>>, %arg7: memref<400x64xf32, #tpu.memory_space<vmem>>, %arg8: memref<400x64xf32, #tpu.memory_space<vmem>>, %arg9: memref<10240x64xf32, #tpu.memory_space<vmem_shared>>, %arg10: memref<!tpu.dma_semaphore, #tpu.memory_space<semaphore_mem>>, %arg11: memref<!tpu.dma_semaphore, #tpu.memory_space<semaphore_mem>>) attributes {dimension_semantics = [#tpu.dimension_semantics<core_parallel>, #tpu.dimension_semantics<subcore_parallel>], iteration_bounds = array<i64: 2, 16>, scalar_prefetch = 0 : i64, scratch_operands = 7 : i64, tpu.core_type = #tpu.core_type<sc_vector_subcore>, window_params = [{transform_indices = #map}, {transform_indices = #map}, {transform_indices = #map1}]} {
    %mul3A = arith.constant 16 : i32
    %mul3A_0 = arith.muli %arg0, %mul3A : i32
    %add3A = arith.addi %mul3A_0, %arg1 : i32
    %mul3A_1 = arith.constant 10000 : i32
    %mul3A_2 = arith.muli %add3A, %mul3A_1 : i32
    %run_scoped3A = arith.constant 0 : i32
    "tpu.region"() ({
      %run_scoped3A_83 = tpu.sem_alloc : memref<!tpu.dma_semaphore, #tpu.memory_space<semaphore_mem>>
      %dma_start3A_84 = tpu.memref_slice %arg2[%run_scoped3A, %mul3A_2] : memref<2x320000xi32, #tpu.memory_space<hbm>> -> memref<1x10000xi32, #tpu.memory_space<hbm>>
      %dma_start3A_85 = tpu.memref_squeeze %dma_start3A_84 : memref<1x10000xi32, #tpu.memory_space<hbm>> -> memref<10000xi32, #tpu.memory_space<hbm>>
      %dma_start3A_86 = tpu.memref_slice %arg2[%run_scoped3A, %mul3A_2] : memref<2x320000xi32, #tpu.memory_space<hbm>> -> memref<1x10000xi32, #tpu.memory_space<hbm>>
      %dma_start3A_87 = tpu.memref_squeeze %dma_start3A_86 : memref<1x10000xi32, #tpu.memory_space<hbm>> -> memref<10000xi32, #tpu.memory_space<hbm>>
      tpu.enqueue_dma source(%dma_start3A_87 : memref<10000xi32, #tpu.memory_space<hbm>>) target(%arg5 : memref<10000xi32, #tpu.memory_space<vmem>>) target_semaphore(%run_scoped3A_83 : memref<!tpu.dma_semaphore, #tpu.memory_space<semaphore_mem>>)
      %dma_wait3A_88 = tpu.memref_slice %arg2[%run_scoped3A, %mul3A_2] : memref<2x320000xi32, #tpu.memory_space<hbm>> -> memref<1x10000xi32, #tpu.memory_space<hbm>>
      %dma_wait3A_89 = tpu.memref_squeeze %dma_wait3A_88 : memref<1x10000xi32, #tpu.memory_space<hbm>> -> memref<10000xi32, #tpu.memory_space<hbm>>
      %dma_wait3A_90 = tpu.memref_slice %arg2[%run_scoped3A, %mul3A_2] : memref<2x320000xi32, #tpu.memory_space<hbm>> -> memref<1x10000xi32, #tpu.memory_space<hbm>>
      %dma_wait3A_91 = tpu.memref_squeeze %dma_wait3A_90 : memref<1x10000xi32, #tpu.memory_space<hbm>> -> memref<10000xi32, #tpu.memory_space<hbm>>
      tpu.wait_dma2 semaphore(%run_scoped3A_83 : memref<!tpu.dma_semaphore, #tpu.memory_space<semaphore_mem>>) src(%dma_wait3A_91 : memref<10000xi32, #tpu.memory_space<hbm>>) dst(%arg5 : memref<10000xi32, #tpu.memory_space<vmem>>)
      tpu.yield
    }) : () -> ()
    %mul3A_3 = arith.constant 10000 : i32
    %mul3A_4 = arith.muli %add3A, %mul3A_3 : i32
    %run_scoped3A_5 = arith.constant 1 : i32
    "tpu.region"() ({
      %run_scoped3A_83 = tpu.sem_alloc : memref<!tpu.dma_semaphore, #tpu.memory_space<semaphore_mem>>
      %dma_start3A_84 = tpu.memref_slice %arg2[%run_scoped3A_5, %mul3A_4] : memref<2x320000xi32, #tpu.memory_space<hbm>> -> memref<1x10000xi32, #tpu.memory_space<hbm>>
      %dma_start3A_85 = tpu.memref_squeeze %dma_start3A_84 : memref<1x10000xi32, #tpu.memory_space<hbm>> -> memref<10000xi32, #tpu.memory_space<hbm>>
      %dma_start3A_86 = tpu.memref_slice %arg2[%run_scoped3A_5, %mul3A_4] : memref<2x320000xi32, #tpu.memory_space<hbm>> -> memref<1x10000xi32, #tpu.memory_space<hbm>>
      %dma_start3A_87 = tpu.memref_squeeze %dma_start3A_86 : memref<1x10000xi32, #tpu.memory_space<hbm>> -> memref<10000xi32, #tpu.memory_space<hbm>>
      tpu.enqueue_dma source(%dma_start3A_87 : memref<10000xi32, #tpu.memory_space<hbm>>) target(%arg6 : memref<10000xi32, #tpu.memory_space<vmem>>) target_semaphore(%run_scoped3A_83 : memref<!tpu.dma_semaphore, #tpu.memory_space<semaphore_mem>>)
      %dma_wait3A_88 = tpu.memref_slice %arg2[%run_scoped3A_5, %mul3A_4] : memref<2x320000xi32, #tpu.memory_space<hbm>> -> memref<1x10000xi32, #tpu.memory_space<hbm>>
      %dma_wait3A_89 = tpu.memref_squeeze %dma_wait3A_88 : memref<1x10000xi32, #tpu.memory_space<hbm>> -> memref<10000xi32, #tpu.memory_space<hbm>>
      %dma_wait3A_90 = tpu.memref_slice %arg2[%run_scoped3A_5, %mul3A_4] : memref<2x320000xi32, #tpu.memory_space<hbm>> -> memref<1x10000xi32, #tpu.memory_space<hbm>>
      %dma_wait3A_91 = tpu.memref_squeeze %dma_wait3A_90 : memref<1x10000xi32, #tpu.memory_space<hbm>> -> memref<10000xi32, #tpu.memory_space<hbm>>
      tpu.wait_dma2 semaphore(%run_scoped3A_83 : memref<!tpu.dma_semaphore, #tpu.memory_space<semaphore_mem>>) src(%dma_wait3A_91 : memref<10000xi32, #tpu.memory_space<hbm>>) dst(%arg6 : memref<10000xi32, #tpu.memory_space<vmem>>)
      tpu.yield
    }) : () -> ()
    %scan3A = arith.constant 0 : i32
    %scan3A_6 = arith.constant 0 : i32
    %scan3A_7 = arith.constant 400 : i32
    %scan3A_8 = arith.addi %scan3A_6, %scan3A_7 : i32
    %scan3A_9 = arith.constant 1 : i32
    scf.for %scan3A_83 = %scan3A_6 to %scan3A_8 step %scan3A_9  : i32 {
      %broadcast_in_dim3A = arith.constant 0.000000e+00 : f32
      %broadcast_in_dim3A_84 = vector.broadcast %broadcast_in_dim3A : f32 to vector<16xf32>
      %swap3A = arith.index_cast %scan3A_83 : i32 to index
      %swap3A_85 = arith.constant 0 : index
      %swap3A_86 = tpu.vector_load %arg7[%swap3A, %swap3A_85] {strides = array<i32>} : memref<400x64xf32, #tpu.memory_space<vmem>>, vector<1x16xf32>,
      %swap3A_87 = vector.shape_cast %swap3A_86 : vector<1x16xf32> to vector<16xf32>
      %swap3A_88 = vector.shape_cast %broadcast_in_dim3A_84 : vector<16xf32> to vector<1x16xf32>
      tpu.vector_store %arg7[%swap3A, %swap3A_85], %swap3A_88 {strides = array<i32>} : memref<400x64xf32, #tpu.memory_space<vmem>>, vector<1x16xf32>,
      %broadcast_in_dim3A_89 = arith.constant 0.000000e+00 : f32
      %broadcast_in_dim3A_90 = vector.broadcast %broadcast_in_dim3A_89 : f32 to vector<16xf32>
      %swap3A_91 = arith.index_cast %scan3A_83 : i32 to index
      %swap3A_92 = arith.constant 16 : index
      %swap3A_93 = tpu.vector_load %arg7[%swap3A_91, %swap3A_92] {strides = array<i32>} : memref<400x64xf32, #tpu.memory_space<vmem>>, vector<1x16xf32>,
      %swap3A_94 = vector.shape_cast %swap3A_93 : vector<1x16xf32> to vector<16xf32>
      %swap3A_95 = vector.shape_cast %broadcast_in_dim3A_90 : vector<16xf32> to vector<1x16xf32>
      tpu.vector_store %arg7[%swap3A_91, %swap3A_92], %swap3A_95 {strides = array<i32>} : memref<400x64xf32, #tpu.memory_space<vmem>>, vector<1x16xf32>,
      %broadcast_in_dim3A_96 = arith.constant 0.000000e+00 : f32
      %broadcast_in_dim3A_97 = vector.broadcast %broadcast_in_dim3A_96 : f32 to vector<16xf32>
      %swap3A_98 = arith.index_cast %scan3A_83 : i32 to index
      %swap3A_99 = arith.constant 32 : index
      %swap3A_100 = tpu.vector_load %arg7[%swap3A_98, %swap3A_99] {strides = array<i32>} : memref<400x64xf32, #tpu.memory_space<vmem>>, vector<1x16xf32>,
      %swap3A_101 = vector.shape_cast %swap3A_100 : vector<1x16xf32> to vector<16xf32>
      %swap3A_102 = vector.shape_cast %broadcast_in_dim3A_97 : vector<16xf32> to vector<1x16xf32>
      tpu.vector_store %arg7[%swap3A_98, %swap3A_99], %swap3A_102 {strides = array<i32>} : memref<400x64xf32, #tpu.memory_space<vmem>>, vector<1x16xf32>,
      %broadcast_in_dim3A_103 = arith.constant 0.000000e+00 : f32
      %broadcast_in_dim3A_104 = vector.broadcast %broadcast_in_dim3A_103 : f32 to vector<16xf32>
      %swap3A_105 = arith.index_cast %scan3A_83 : i32 to index
      %swap3A_106 = arith.constant 48 : index
      %swap3A_107 = tpu.vector_load %arg7[%swap3A_105, %swap3A_106] {strides = array<i32>} : memref<400x64xf32, #tpu.memory_space<vmem>>, vector<1x16xf32>,
      %swap3A_108 = vector.shape_cast %swap3A_107 : vector<1x16xf32> to vector<16xf32>
      %swap3A_109 = vector.shape_cast %broadcast_in_dim3A_104 : vector<16xf32> to vector<1x16xf32>
      tpu.vector_store %arg7[%swap3A_105, %swap3A_106], %swap3A_109 {strides = array<i32>} : memref<400x64xf32, #tpu.memory_space<vmem>>, vector<1x16xf32>,
    }
    %scan3A_10 = arith.constant 400 : i32
    %mul3A_11 = arith.constant 640 : i32
    %mul3A_12 = arith.muli %arg1, %mul3A_11 : i32
    %add3A_13 = arith.constant 0 : i32
    %add3A_14 = arith.addi %mul3A_12, %add3A_13 : i32
    %mul3A_15 = arith.constant 640 : i32
    %mul3A_16 = arith.muli %arg1, %mul3A_15 : i32
    %add3A_17 = arith.constant 400 : i32
    %add3A_18 = arith.addi %mul3A_16, %add3A_17 : i32
    %dma_start3A = arith.constant 0 : i32
    %dma_start3A_19 = tpu.memref_slice %arg9[%add3A_14, %dma_start3A] : memref<10240x64xf32, #tpu.memory_space<vmem_shared>> -> memref<400x64xf32, #tpu.memory_space<vmem_shared>>
    %dma_start3A_20 = arith.constant 0 : i32
    %dma_start3A_21 = tpu.memref_slice %arg9[%add3A_14, %dma_start3A_20] : memref<10240x64xf32, #tpu.memory_space<vmem_shared>> -> memref<400x64xf32, #tpu.memory_space<vmem_shared>>
    tpu.enqueue_dma source(%arg7 : memref<400x64xf32, #tpu.memory_space<vmem>>) target(%dma_start3A_21 : memref<400x64xf32, #tpu.memory_space<vmem_shared>>) target_semaphore(%arg10 : memref<!tpu.dma_semaphore, #tpu.memory_space<semaphore_mem>>)
    %dma_start3A_22 = arith.constant 0 : i32
    %dma_start3A_23 = arith.constant 0 : i32
    %dma_start3A_24 = tpu.memref_slice %arg7[%dma_start3A_22, %dma_start3A_23] : memref<400x64xf32, #tpu.memory_space<vmem>> -> memref<240x64xf32, #tpu.memory_space<vmem>>
    %dma_start3A_25 = arith.constant 0 : i32
    %dma_start3A_26 = tpu.memref_slice %arg9[%add3A_18, %dma_start3A_25] : memref<10240x64xf32, #tpu.memory_space<vmem_shared>> -> memref<240x64xf32, #tpu.memory_space<vmem_shared>>
    %dma_start3A_27 = arith.constant 0 : i32
    %dma_start3A_28 = tpu.memref_slice %arg9[%add3A_18, %dma_start3A_27] : memref<10240x64xf32, #tpu.memory_space<vmem_shared>> -> memref<240x64xf32, #tpu.memory_space<vmem_shared>>
    %dma_start3A_29 = arith.constant 0 : i32
    %dma_start3A_30 = arith.constant 0 : i32
    %dma_start3A_31 = tpu.memref_slice %arg7[%dma_start3A_29, %dma_start3A_30] : memref<400x64xf32, #tpu.memory_space<vmem>> -> memref<240x64xf32, #tpu.memory_space<vmem>>
    tpu.enqueue_dma source(%dma_start3A_31 : memref<240x64xf32, #tpu.memory_space<vmem>>) target(%dma_start3A_28 : memref<240x64xf32, #tpu.memory_space<vmem_shared>>) target_semaphore(%arg10 : memref<!tpu.dma_semaphore, #tpu.memory_space<semaphore_mem>>)
    %mul3A_32 = arith.constant 640 : i32
    %mul3A_33 = arith.muli %arg1, %mul3A_32 : i32
    %add3A_34 = arith.constant 0 : i32
    %add3A_35 = arith.addi %mul3A_33, %add3A_34 : i32
    %mul3A_36 = arith.constant 640 : i32
    %mul3A_37 = arith.muli %arg1, %mul3A_36 : i32
    %add3A_38 = arith.constant 400 : i32
    %add3A_39 = arith.addi %mul3A_37, %add3A_38 : i32
    %dma_wait3A = arith.constant 0 : i32
    %dma_wait3A_40 = tpu.memref_slice %arg9[%add3A_35, %dma_wait3A] : memref<10240x64xf32, #tpu.memory_space<vmem_shared>> -> memref<400x64xf32, #tpu.memory_space<vmem_shared>>
    %dma_wait3A_41 = arith.constant 0 : i32
    %dma_wait3A_42 = tpu.memref_slice %arg9[%add3A_35, %dma_wait3A_41] : memref<10240x64xf32, #tpu.memory_space<vmem_shared>> -> memref<400x64xf32, #tpu.memory_space<vmem_shared>>
    tpu.wait_dma2 semaphore(%arg10 : memref<!tpu.dma_semaphore, #tpu.memory_space<semaphore_mem>>) src(%arg7 : memref<400x64xf32, #tpu.memory_space<vmem>>) dst(%dma_wait3A_42 : memref<400x64xf32, #tpu.memory_space<vmem_shared>>)
    %dma_wait3A_43 = arith.constant 0 : i32
    %dma_wait3A_44 = arith.constant 0 : i32
    %dma_wait3A_45 = tpu.memref_slice %arg7[%dma_wait3A_43, %dma_wait3A_44] : memref<400x64xf32, #tpu.memory_space<vmem>> -> memref<240x64xf32, #tpu.memory_space<vmem>>
    %dma_wait3A_46 = arith.constant 0 : i32
    %dma_wait3A_47 = tpu.memref_slice %arg9[%add3A_39, %dma_wait3A_46] : memref<10240x64xf32, #tpu.memory_space<vmem_shared>> -> memref<240x64xf32, #tpu.memory_space<vmem_shared>>
    %dma_wait3A_48 = arith.constant 0 : i32
    %dma_wait3A_49 = tpu.memref_slice %arg9[%add3A_39, %dma_wait3A_48] : memref<10240x64xf32, #tpu.memory_space<vmem_shared>> -> memref<240x64xf32, #tpu.memory_space<vmem_shared>>
    %dma_wait3A_50 = arith.constant 0 : i32
    %dma_wait3A_51 = arith.constant 0 : i32
    %dma_wait3A_52 = tpu.memref_slice %arg7[%dma_wait3A_50, %dma_wait3A_51] : memref<400x64xf32, #tpu.memory_space<vmem>> -> memref<240x64xf32, #tpu.memory_space<vmem>>
    tpu.wait_dma2 semaphore(%arg10 : memref<!tpu.dma_semaphore, #tpu.memory_space<semaphore_mem>>) src(%dma_wait3A_52 : memref<240x64xf32, #tpu.memory_space<vmem>>) dst(%dma_wait3A_49 : memref<240x64xf32, #tpu.memory_space<vmem_shared>>)
    %barrier3A = arith.constant 0 : index
    tpu.barrier barrier_id(%barrier3A)
    %dma_start3A_53 = arith.constant 0 : i32
    %dma_start3A_54 = tpu.memref_slice %arg5[%dma_start3A_53] : memref<10000xi32, #tpu.memory_space<vmem>> -> memref<400xi32, #tpu.memory_space<vmem>>
    %dma_start3A_55 = arith.constant 0 : i32
    %dma_start3A_56 = arith.constant 0 : i32
    %dma_start3A_57 = tpu.memref_slice %arg3[%dma_start3A_55, %dma_start3A_56] : memref<10000x64xf32, #tpu.memory_space<hbm>> -> memref<10000x64xf32, #tpu.memory_space<hbm>>
    tpu.enqueue_indirect_dma source(%dma_start3A_57 : memref<10000x64xf32, #tpu.memory_space<hbm>>) target(%arg7 : memref<400x64xf32, #tpu.memory_space<vmem>>) offsets(%dma_start3A_54 : memref<400xi32, #tpu.memory_space<vmem>>) semaphore(%arg10 : memref<!tpu.dma_semaphore, #tpu.memory_space<semaphore_mem>>)
    %dma_start3A_58 = arith.constant 400 : i32
    %dma_start3A_59 = tpu.memref_slice %arg5[%dma_start3A_58] : memref<10000xi32, #tpu.memory_space<vmem>> -> memref<400xi32, #tpu.memory_space<vmem>>
    %dma_start3A_60 = arith.constant 0 : i32
    %dma_start3A_61 = arith.constant 0 : i32
    %dma_start3A_62 = tpu.memref_slice %arg3[%dma_start3A_60, %dma_start3A_61] : memref<10000x64xf32, #tpu.memory_space<hbm>> -> memref<10000x64xf32, #tpu.memory_space<hbm>>
    tpu.enqueue_indirect_dma source(%dma_start3A_62 : memref<10000x64xf32, #tpu.memory_space<hbm>>) target(%arg8 : memref<400x64xf32, #tpu.memory_space<vmem>>) offsets(%dma_start3A_59 : memref<400xi32, #tpu.memory_space<vmem>>) semaphore(%arg11 : memref<!tpu.dma_semaphore, #tpu.memory_space<semaphore_mem>>)
    %scan3A_63 = arith.constant 0 : i32
    %scan3A_64 = arith.constant 0 : i32
    %scan3A_65 = arith.constant 12 : i32
    %scan3A_66 = arith.addi %scan3A_64, %scan3A_65 : i32
    %scan3A_67 = arith.constant 1 : i32
    scf.for %scan3A_83 = %scan3A_64 to %scan3A_66 step %scan3A_67  : i32 {
      %mul3A_84 = arith.constant 2 : i32
      %mul3A_85 = arith.muli %scan3A_83, %mul3A_84 : i32
      %mul3A_86 = arith.constant 400 : i32
      %mul3A_87 = arith.muli %mul3A_85, %mul3A_86 : i32
      %dma_wait3A_88 = tpu.memref_slice %arg5[%mul3A_87] : memref<10000xi32, #tpu.memory_space<vmem>> -> memref<400xi32, #tpu.memory_space<vmem>>
      %dma_wait3A_89 = arith.constant 0 : i32
      %dma_wait3A_90 = arith.constant 0 : i32
      %dma_wait3A_91 = tpu.memref_slice %arg3[%dma_wait3A_89, %dma_wait3A_90] : memref<10000x64xf32, #tpu.memory_space<hbm>> -> memref<10000x64xf32, #tpu.memory_space<hbm>>
      tpu.wait_indirect_dma semaphore(%arg10 : memref<!tpu.dma_semaphore, #tpu.memory_space<semaphore_mem>>) src(%dma_wait3A_91 : memref<10000x64xf32, #tpu.memory_space<hbm>>) dst(%arg7 : memref<400x64xf32, #tpu.memory_space<vmem>>)
      %mul3A_92 = arith.constant 400 : i32
      %mul3A_93 = arith.muli %mul3A_85, %mul3A_92 : i32
      "tpu.region"() ({
        %run_scoped3A_117 = tpu.sem_alloc : memref<!tpu.dma_semaphore, #tpu.memory_space<semaphore_mem>>
        %dma_start3A_118 = tpu.memref_slice %arg6[%mul3A_93] : memref<10000xi32, #tpu.memory_space<vmem>> -> memref<400xi32, #tpu.memory_space<vmem>>
        %dma_start3A_119 = arith.constant 0 : i32
        %dma_start3A_120 = arith.constant 0 : i32
        %dma_start3A_121 = tpu.memref_slice %arg9[%dma_start3A_119, %dma_start3A_120] : memref<10240x64xf32, #tpu.memory_space<vmem_shared>> -> memref<10240x64xf32, #tpu.memory_space<vmem_shared>>
        tpu.enqueue_indirect_dma source(%arg7 : memref<400x64xf32, #tpu.memory_space<vmem>>) target(%dma_start3A_121 : memref<10240x64xf32, #tpu.memory_space<vmem_shared>>) offsets(%dma_start3A_118 : memref<400xi32, #tpu.memory_space<vmem>>) semaphore(%run_scoped3A_117 : memref<!tpu.dma_semaphore, #tpu.memory_space<semaphore_mem>>) {add = true}
        %dma_wait3A_122 = tpu.memref_slice %arg6[%mul3A_93] : memref<10000xi32, #tpu.memory_space<vmem>> -> memref<400xi32, #tpu.memory_space<vmem>>
        %dma_wait3A_123 = arith.constant 0 : i32
        %dma_wait3A_124 = arith.constant 0 : i32
        %dma_wait3A_125 = tpu.memref_slice %arg9[%dma_wait3A_123, %dma_wait3A_124] : memref<10240x64xf32, #tpu.memory_space<vmem_shared>> -> memref<10240x64xf32, #tpu.memory_space<vmem_shared>>
        tpu.wait_indirect_dma semaphore(%run_scoped3A_117 : memref<!tpu.dma_semaphore, #tpu.memory_space<semaphore_mem>>) src(%arg7 : memref<400x64xf32, #tpu.memory_space<vmem>>) dst(%dma_wait3A_125 : memref<10240x64xf32, #tpu.memory_space<vmem_shared>>)
        tpu.yield
      }) : () -> ()
      %add3A_94 = arith.constant 2 : i32
      %add3A_95 = arith.addi %mul3A_85, %add3A_94 : i32
      %lt3A = arith.constant 25 : i32
      %lt3A_96 = arith.cmpi slt, %add3A_95, %lt3A : i32
      %convert_element_type3A = arith.extui %lt3A_96 : i1 to i32
      %cond3A = arith.constant 0 : i32
      %cond3A_97 = arith.cmpi ne, %convert_element_type3A, %cond3A : i32
      scf.if %cond3A_97 {
        %add3A_117 = arith.constant 2 : i32
        %add3A_118 = arith.addi %mul3A_85, %add3A_117 : i32
        %mul3A_119 = arith.constant 400 : i32
        %mul3A_120 = arith.muli %add3A_118, %mul3A_119 : i32
        %dma_start3A_121 = tpu.memref_slice %arg5[%mul3A_120] : memref<10000xi32, #tpu.memory_space<vmem>> -> memref<400xi32, #tpu.memory_space<vmem>>
        %dma_start3A_122 = arith.constant 0 : i32
        %dma_start3A_123 = arith.constant 0 : i32
        %dma_start3A_124 = tpu.memref_slice %arg3[%dma_start3A_122, %dma_start3A_123] : memref<10000x64xf32, #tpu.memory_space<hbm>> -> memref<10000x64xf32, #tpu.memory_space<hbm>>
        tpu.enqueue_indirect_dma source(%dma_start3A_124 : memref<10000x64xf32, #tpu.memory_space<hbm>>) target(%arg7 : memref<400x64xf32, #tpu.memory_space<vmem>>) offsets(%dma_start3A_121 : memref<400xi32, #tpu.memory_space<vmem>>) semaphore(%arg10 : memref<!tpu.dma_semaphore, #tpu.memory_space<semaphore_mem>>)
      } else {
      }
      %add3A_98 = arith.constant 1 : i32
      %add3A_99 = arith.addi %mul3A_85, %add3A_98 : i32
      %mul3A_100 = arith.constant 400 : i32
      %mul3A_101 = arith.muli %add3A_99, %mul3A_100 : i32
      %dma_wait3A_102 = tpu.memref_slice %arg5[%mul3A_101] : memref<10000xi32, #tpu.memory_space<vmem>> -> memref<400xi32, #tpu.memory_space<vmem>>
      %dma_wait3A_103 = arith.constant 0 : i32
      %dma_wait3A_104 = arith.constant 0 : i32
      %dma_wait3A_105 = tpu.memref_slice %arg3[%dma_wait3A_103, %dma_wait3A_104] : memref<10000x64xf32, #tpu.memory_space<hbm>> -> memref<10000x64xf32, #tpu.memory_space<hbm>>
      tpu.wait_indirect_dma semaphore(%arg11 : memref<!tpu.dma_semaphore, #tpu.memory_space<semaphore_mem>>) src(%dma_wait3A_105 : memref<10000x64xf32, #tpu.memory_space<hbm>>) dst(%arg8 : memref<400x64xf32, #tpu.memory_space<vmem>>)
      %add3A_106 = arith.constant 1 : i32
      %add3A_107 = arith.addi %mul3A_85, %add3A_106 : i32
      %mul3A_108 = arith.constant 400 : i32
      %mul3A_109 = arith.muli %add3A_107, %mul3A_108 : i32
      "tpu.region"() ({
        %run_scoped3A_117 = tpu.sem_alloc : memref<!tpu.dma_semaphore, #tpu.memory_space<semaphore_mem>>
        %dma_start3A_118 = tpu.memref_slice %arg6[%mul3A_109] : memref<10000xi32, #tpu.memory_space<vmem>> -> memref<400xi32, #tpu.memory_space<vmem>>
        %dma_start3A_119 = arith.constant 0 : i32
        %dma_start3A_120 = arith.constant 0 : i32
        %dma_start3A_121 = tpu.memref_slice %arg9[%dma_start3A_119, %dma_start3A_120] : memref<10240x64xf32, #tpu.memory_space<vmem_shared>> -> memref<10240x64xf32, #tpu.memory_space<vmem_shared>>
        tpu.enqueue_indirect_dma source(%arg8 : memref<400x64xf32, #tpu.memory_space<vmem>>) target(%dma_start3A_121 : memref<10240x64xf32, #tpu.memory_space<vmem_shared>>) offsets(%dma_start3A_118 : memref<400xi32, #tpu.memory_space<vmem>>) semaphore(%run_scoped3A_117 : memref<!tpu.dma_semaphore, #tpu.memory_space<semaphore_mem>>) {add = true}
        %dma_wait3A_122 = tpu.memref_slice %arg6[%mul3A_109] : memref<10000xi32, #tpu.memory_space<vmem>> -> memref<400xi32, #tpu.memory_space<vmem>>
        %dma_wait3A_123 = arith.constant 0 : i32
        %dma_wait3A_124 = arith.constant 0 : i32
        %dma_wait3A_125 = tpu.memref_slice %arg9[%dma_wait3A_123, %dma_wait3A_124] : memref<10240x64xf32, #tpu.memory_space<vmem_shared>> -> memref<10240x64xf32, #tpu.memory_space<vmem_shared>>
        tpu.wait_indirect_dma semaphore(%run_scoped3A_117 : memref<!tpu.dma_semaphore, #tpu.memory_space<semaphore_mem>>) src(%arg8 : memref<400x64xf32, #tpu.memory_space<vmem>>) dst(%dma_wait3A_125 : memref<10240x64xf32, #tpu.memory_space<vmem_shared>>)
        tpu.yield
      }) : () -> ()
      %add3A_110 = arith.constant 3 : i32
      %add3A_111 = arith.addi %mul3A_85, %add3A_110 : i32
      %lt3A_112 = arith.constant 25 : i32
      %lt3A_113 = arith.cmpi slt, %add3A_111, %lt3A_112 : i32
      %convert_element_type3A_114 = arith.extui %lt3A_113 : i1 to i32
      %cond3A_115 = arith.constant 0 : i32
      %cond3A_116 = arith.cmpi ne, %convert_element_type3A_114, %cond3A_115 : i32
      scf.if %cond3A_116 {
        %add3A_117 = arith.constant 3 : i32
        %add3A_118 = arith.addi %mul3A_85, %add3A_117 : i32
        %mul3A_119 = arith.constant 400 : i32
        %mul3A_120 = arith.muli %add3A_118, %mul3A_119 : i32
        %dma_start3A_121 = tpu.memref_slice %arg5[%mul3A_120] : memref<10000xi32, #tpu.memory_space<vmem>> -> memref<400xi32, #tpu.memory_space<vmem>>
        %dma_start3A_122 = arith.constant 0 : i32
        %dma_start3A_123 = arith.constant 0 : i32
        %dma_start3A_124 = tpu.memref_slice %arg3[%dma_start3A_122, %dma_start3A_123] : memref<10000x64xf32, #tpu.memory_space<hbm>> -> memref<10000x64xf32, #tpu.memory_space<hbm>>
        tpu.enqueue_indirect_dma source(%dma_start3A_124 : memref<10000x64xf32, #tpu.memory_space<hbm>>) target(%arg8 : memref<400x64xf32, #tpu.memory_space<vmem>>) offsets(%dma_start3A_121 : memref<400xi32, #tpu.memory_space<vmem>>) semaphore(%arg11 : memref<!tpu.dma_semaphore, #tpu.memory_space<semaphore_mem>>)
      } else {
      }
    }
    %scan3A_68 = arith.constant 12 : i32
    %dma_wait3A_69 = arith.constant 9600 : i32
    %dma_wait3A_70 = tpu.memref_slice %arg5[%dma_wait3A_69] : memref<10000xi32, #tpu.memory_space<vmem>> -> memref<400xi32, #tpu.memory_space<vmem>>
    %dma_wait3A_71 = arith.constant 0 : i32
    %dma_wait3A_72 = arith.constant 0 : i32
    %dma_wait3A_73 = tpu.memref_slice %arg3[%dma_wait3A_71, %dma_wait3A_72] : memref<10000x64xf32, #tpu.memory_space<hbm>> -> memref<10000x64xf32, #tpu.memory_space<hbm>>
    tpu.wait_indirect_dma semaphore(%arg10 : memref<!tpu.dma_semaphore, #tpu.memory_space<semaphore_mem>>) src(%dma_wait3A_73 : memref<10000x64xf32, #tpu.memory_space<hbm>>) dst(%arg7 : memref<400x64xf32, #tpu.memory_space<vmem>>)
    "tpu.region"() ({
      %run_scoped3A_83 = tpu.sem_alloc : memref<!tpu.dma_semaphore, #tpu.memory_space<semaphore_mem>>
      %dma_start3A_84 = arith.constant 9600 : i32
      %dma_start3A_85 = tpu.memref_slice %arg6[%dma_start3A_84] : memref<10000xi32, #tpu.memory_space<vmem>> -> memref<400xi32, #tpu.memory_space<vmem>>
      %dma_start3A_86 = arith.constant 0 : i32
      %dma_start3A_87 = arith.constant 0 : i32
      %dma_start3A_88 = tpu.memref_slice %arg9[%dma_start3A_86, %dma_start3A_87] : memref<10240x64xf32, #tpu.memory_space<vmem_shared>> -> memref<10240x64xf32, #tpu.memory_space<vmem_shared>>
      tpu.enqueue_indirect_dma source(%arg7 : memref<400x64xf32, #tpu.memory_space<vmem>>) target(%dma_start3A_88 : memref<10240x64xf32, #tpu.memory_space<vmem_shared>>) offsets(%dma_start3A_85 : memref<400xi32, #tpu.memory_space<vmem>>) semaphore(%run_scoped3A_83 : memref<!tpu.dma_semaphore, #tpu.memory_space<semaphore_mem>>) {add = true}
      %dma_wait3A_89 = arith.constant 9600 : i32
      %dma_wait3A_90 = tpu.memref_slice %arg6[%dma_wait3A_89] : memref<10000xi32, #tpu.memory_space<vmem>> -> memref<400xi32, #tpu.memory_space<vmem>>
      %dma_wait3A_91 = arith.constant 0 : i32
      %dma_wait3A_92 = arith.constant 0 : i32
      %dma_wait3A_93 = tpu.memref_slice %arg9[%dma_wait3A_91, %dma_wait3A_92] : memref<10240x64xf32, #tpu.memory_space<vmem_shared>> -> memref<10240x64xf32, #tpu.memory_space<vmem_shared>>
      tpu.wait_indirect_dma semaphore(%run_scoped3A_83 : memref<!tpu.dma_semaphore, #tpu.memory_space<semaphore_mem>>) src(%arg7 : memref<400x64xf32, #tpu.memory_space<vmem>>) dst(%dma_wait3A_93 : memref<10240x64xf32, #tpu.memory_space<vmem_shared>>)
      tpu.yield
    }) : () -> ()
    %barrier3A_74 = arith.constant 0 : index
    tpu.barrier barrier_id(%barrier3A_74)
    %mul3A_75 = arith.constant 640 : i32
    %mul3A_76 = arith.muli %arg1, %mul3A_75 : i32
    %add3A_77 = arith.constant 0 : i32
    %add3A_78 = arith.addi %mul3A_76, %add3A_77 : i32
    %mul3A_79 = arith.constant 640 : i32
    %mul3A_80 = arith.muli %arg1, %mul3A_79 : i32
    %add3A_81 = arith.constant 400 : i32
    %add3A_82 = arith.addi %mul3A_80, %add3A_81 : i32
    "tpu.region"() ({
      %run_scoped3A_83 = tpu.sem_alloc : memref<!tpu.dma_semaphore, #tpu.memory_space<semaphore_mem>>
      %dma_start3A_84 = arith.constant 0 : i32
      %dma_start3A_85 = tpu.memref_slice %arg9[%add3A_78, %dma_start3A_84] : memref<10240x64xf32, #tpu.memory_space<vmem_shared>> -> memref<400x64xf32, #tpu.memory_space<vmem_shared>>
      %dma_start3A_86 = arith.constant 0 : i32
      %dma_start3A_87 = tpu.memref_slice %arg9[%add3A_78, %dma_start3A_86] : memref<10240x64xf32, #tpu.memory_space<vmem_shared>> -> memref<400x64xf32, #tpu.memory_space<vmem_shared>>
      tpu.enqueue_dma source(%dma_start3A_87 : memref<400x64xf32, #tpu.memory_space<vmem_shared>>) target(%arg7 : memref<400x64xf32, #tpu.memory_space<vmem>>) target_semaphore(%run_scoped3A_83 : memref<!tpu.dma_semaphore, #tpu.memory_space<semaphore_mem>>)
      %dma_wait3A_88 = arith.constant 0 : i32
      %dma_wait3A_89 = tpu.memref_slice %arg9[%add3A_78, %dma_wait3A_88] : memref<10240x64xf32, #tpu.memory_space<vmem_shared>> -> memref<400x64xf32, #tpu.memory_space<vmem_shared>>
      %dma_wait3A_90 = arith.constant 0 : i32
      %dma_wait3A_91 = tpu.memref_slice %arg9[%add3A_78, %dma_wait3A_90] : memref<10240x64xf32, #tpu.memory_space<vmem_shared>> -> memref<400x64xf32, #tpu.memory_space<vmem_shared>>
      tpu.wait_dma2 semaphore(%run_scoped3A_83 : memref<!tpu.dma_semaphore, #tpu.memory_space<semaphore_mem>>) src(%dma_wait3A_91 : memref<400x64xf32, #tpu.memory_space<vmem_shared>>) dst(%arg7 : memref<400x64xf32, #tpu.memory_space<vmem>>)
      tpu.yield
    }) : () -> ()
    "tpu.region"() ({
      %run_scoped3A_83 = tpu.sem_alloc : memref<!tpu.dma_semaphore, #tpu.memory_space<semaphore_mem>>
      %dma_start3A_84 = arith.constant 0 : i32
      %dma_start3A_85 = tpu.memref_slice %arg4[%arg0, %add3A_78, %dma_start3A_84] : memref<2x10240x64xf32, #tpu.memory_space<hbm>> -> memref<1x400x64xf32, #tpu.memory_space<hbm>>
      %dma_start3A_86 = tpu.memref_squeeze %dma_start3A_85 : memref<1x400x64xf32, #tpu.memory_space<hbm>> -> memref<400x64xf32, #tpu.memory_space<hbm>>
      %dma_start3A_87 = arith.constant 0 : i32
      %dma_start3A_88 = tpu.memref_slice %arg4[%arg0, %add3A_78, %dma_start3A_87] : memref<2x10240x64xf32, #tpu.memory_space<hbm>> -> memref<1x400x64xf32, #tpu.memory_space<hbm>>
      %dma_start3A_89 = tpu.memref_squeeze %dma_start3A_88 : memref<1x400x64xf32, #tpu.memory_space<hbm>> -> memref<400x64xf32, #tpu.memory_space<hbm>>
      tpu.enqueue_dma source(%arg7 : memref<400x64xf32, #tpu.memory_space<vmem>>) target(%dma_start3A_89 : memref<400x64xf32, #tpu.memory_space<hbm>>) target_semaphore(%run_scoped3A_83 : memref<!tpu.dma_semaphore, #tpu.memory_space<semaphore_mem>>)
      %dma_wait3A_90 = arith.constant 0 : i32
      %dma_wait3A_91 = tpu.memref_slice %arg4[%arg0, %add3A_78, %dma_wait3A_90] : memref<2x10240x64xf32, #tpu.memory_space<hbm>> -> memref<1x400x64xf32, #tpu.memory_space<hbm>>
      %dma_wait3A_92 = tpu.memref_squeeze %dma_wait3A_91 : memref<1x400x64xf32, #tpu.memory_space<hbm>> -> memref<400x64xf32, #tpu.memory_space<hbm>>
      %dma_wait3A_93 = arith.constant 0 : i32
      %dma_wait3A_94 = tpu.memref_slice %arg4[%arg0, %add3A_78, %dma_wait3A_93] : memref<2x10240x64xf32, #tpu.memory_space<hbm>> -> memref<1x400x64xf32, #tpu.memory_space<hbm>>
      %dma_wait3A_95 = tpu.memref_squeeze %dma_wait3A_94 : memref<1x400x64xf32, #tpu.memory_space<hbm>> -> memref<400x64xf32, #tpu.memory_space<hbm>>
      tpu.wait_dma2 semaphore(%run_scoped3A_83 : memref<!tpu.dma_semaphore, #tpu.memory_space<semaphore_mem>>) src(%arg7 : memref<400x64xf32, #tpu.memory_space<vmem>>) dst(%dma_wait3A_95 : memref<400x64xf32, #tpu.memory_space<hbm>>)
      tpu.yield
    }) : () -> ()
    "tpu.region"() ({
      %run_scoped3A_83 = tpu.sem_alloc : memref<!tpu.dma_semaphore, #tpu.memory_space<semaphore_mem>>
      %dma_start3A_84 = arith.constant 0 : i32
      %dma_start3A_85 = arith.constant 0 : i32
      %dma_start3A_86 = tpu.memref_slice %arg8[%dma_start3A_84, %dma_start3A_85] : memref<400x64xf32, #tpu.memory_space<vmem>> -> memref<240x64xf32, #tpu.memory_space<vmem>>
      %dma_start3A_87 = arith.constant 0 : i32
      %dma_start3A_88 = tpu.memref_slice %arg9[%add3A_82, %dma_start3A_87] : memref<10240x64xf32, #tpu.memory_space<vmem_shared>> -> memref<240x64xf32, #tpu.memory_space<vmem_shared>>
      %dma_start3A_89 = arith.constant 0 : i32
      %dma_start3A_90 = arith.constant 0 : i32
      %dma_start3A_91 = tpu.memref_slice %arg8[%dma_start3A_89, %dma_start3A_90] : memref<400x64xf32, #tpu.memory_space<vmem>> -> memref<240x64xf32, #tpu.memory_space<vmem>>
      %dma_start3A_92 = arith.constant 0 : i32
      %dma_start3A_93 = tpu.memref_slice %arg9[%add3A_82, %dma_start3A_92] : memref<10240x64xf32, #tpu.memory_space<vmem_shared>> -> memref<240x64xf32, #tpu.memory_space<vmem_shared>>
      tpu.enqueue_dma source(%dma_start3A_93 : memref<240x64xf32, #tpu.memory_space<vmem_shared>>) target(%dma_start3A_91 : memref<240x64xf32, #tpu.memory_space<vmem>>) target_semaphore(%run_scoped3A_83 : memref<!tpu.dma_semaphore, #tpu.memory_space<semaphore_mem>>)
      %dma_wait3A_94 = arith.constant 0 : i32
      %dma_wait3A_95 = arith.constant 0 : i32
      %dma_wait3A_96 = tpu.memref_slice %arg8[%dma_wait3A_94, %dma_wait3A_95] : memref<400x64xf32, #tpu.memory_space<vmem>> -> memref<240x64xf32, #tpu.memory_space<vmem>>
      %dma_wait3A_97 = arith.constant 0 : i32
      %dma_wait3A_98 = tpu.memref_slice %arg9[%add3A_82, %dma_wait3A_97] : memref<10240x64xf32, #tpu.memory_space<vmem_shared>> -> memref<240x64xf32, #tpu.memory_space<vmem_shared>>
      %dma_wait3A_99 = arith.constant 0 : i32
      %dma_wait3A_100 = arith.constant 0 : i32
      %dma_wait3A_101 = tpu.memref_slice %arg8[%dma_wait3A_99, %dma_wait3A_100] : memref<400x64xf32, #tpu.memory_space<vmem>> -> memref<240x64xf32, #tpu.memory_space<vmem>>
      %dma_wait3A_102 = arith.constant 0 : i32
      %dma_wait3A_103 = tpu.memref_slice %arg9[%add3A_82, %dma_wait3A_102] : memref<10240x64xf32, #tpu.memory_space<vmem_shared>> -> memref<240x64xf32, #tpu.memory_space<vmem_shared>>
      tpu.wait_dma2 semaphore(%run_scoped3A_83 : memref<!tpu.dma_semaphore, #tpu.memory_space<semaphore_mem>>) src(%dma_wait3A_103 : memref<240x64xf32, #tpu.memory_space<vmem_shared>>) dst(%dma_wait3A_101 : memref<240x64xf32, #tpu.memory_space<vmem>>)
      tpu.yield
    }) : () -> ()
    "tpu.region"() ({
      %run_scoped3A_83 = tpu.sem_alloc : memref<!tpu.dma_semaphore, #tpu.memory_space<semaphore_mem>>
      %dma_start3A_84 = arith.constant 0 : i32
      %dma_start3A_85 = arith.constant 0 : i32
      %dma_start3A_86 = tpu.memref_slice %arg8[%dma_start3A_84, %dma_start3A_85] : memref<400x64xf32, #tpu.memory_space<vmem>> -> memref<240x64xf32, #tpu.memory_space<vmem>>
      %dma_start3A_87 = arith.constant 0 : i32
      %dma_start3A_88 = tpu.memref_slice %arg4[%arg0, %add3A_82, %dma_start3A_87] : memref<2x10240x64xf32, #tpu.memory_space<hbm>> -> memref<1x240x64xf32, #tpu.memory_space<hbm>>
      %dma_start3A_89 = tpu.memref_squeeze %dma_start3A_88 : memref<1x240x64xf32, #tpu.memory_space<hbm>> -> memref<240x64xf32, #tpu.memory_space<hbm>>
      %dma_start3A_90 = arith.constant 0 : i32
      %dma_start3A_91 = tpu.memref_slice %arg4[%arg0, %add3A_82, %dma_start3A_90] : memref<2x10240x64xf32, #tpu.memory_space<hbm>> -> memref<1x240x64xf32, #tpu.memory_space<hbm>>
      %dma_start3A_92 = tpu.memref_squeeze %dma_start3A_91 : memref<1x240x64xf32, #tpu.memory_space<hbm>> -> memref<240x64xf32, #tpu.memory_space<hbm>>
      %dma_start3A_93 = arith.constant 0 : i32
      %dma_start3A_94 = arith.constant 0 : i32
      %dma_start3A_95 = tpu.memref_slice %arg8[%dma_start3A_93, %dma_start3A_94] : memref<400x64xf32, #tpu.memory_space<vmem>> -> memref<240x64xf32, #tpu.memory_space<vmem>>
      tpu.enqueue_dma source(%dma_start3A_95 : memref<240x64xf32, #tpu.memory_space<vmem>>) target(%dma_start3A_92 : memref<240x64xf32, #tpu.memory_space<hbm>>) target_semaphore(%run_scoped3A_83 : memref<!tpu.dma_semaphore, #tpu.memory_space<semaphore_mem>>)
      %dma_wait3A_96 = arith.constant 0 : i32
      %dma_wait3A_97 = arith.constant 0 : i32
      %dma_wait3A_98 = tpu.memref_slice %arg8[%dma_wait3A_96, %dma_wait3A_97] : memref<400x64xf32, #tpu.memory_space<vmem>> -> memref<240x64xf32, #tpu.memory_space<vmem>>
      %dma_wait3A_99 = arith.constant 0 : i32
      %dma_wait3A_100 = tpu.memref_slice %arg4[%arg0, %add3A_82, %dma_wait3A_99] : memref<2x10240x64xf32, #tpu.memory_space<hbm>> -> memref<1x240x64xf32, #tpu.memory_space<hbm>>
      %dma_wait3A_101 = tpu.memref_squeeze %dma_wait3A_100 : memref<1x240x64xf32, #tpu.memory_space<hbm>> -> memref<240x64xf32, #tpu.memory_space<hbm>>
      %dma_wait3A_102 = arith.constant 0 : i32
      %dma_wait3A_103 = tpu.memref_slice %arg4[%arg0, %add3A_82, %dma_wait3A_102] : memref<2x10240x64xf32, #tpu.memory_space<hbm>> -> memref<1x240x64xf32, #tpu.memory_space<hbm>>
      %dma_wait3A_104 = tpu.memref_squeeze %dma_wait3A_103 : memref<1x240x64xf32, #tpu.memory_space<hbm>> -> memref<240x64xf32, #tpu.memory_space<hbm>>
      %dma_wait3A_105 = arith.constant 0 : i32
      %dma_wait3A_106 = arith.constant 0 : i32
      %dma_wait3A_107 = tpu.memref_slice %arg8[%dma_wait3A_105, %dma_wait3A_106] : memref<400x64xf32, #tpu.memory_space<vmem>> -> memref<240x64xf32, #tpu.memory_space<vmem>>
      tpu.wait_dma2 semaphore(%run_scoped3A_83 : memref<!tpu.dma_semaphore, #tpu.memory_space<semaphore_mem>>) src(%dma_wait3A_107 : memref<240x64xf32, #tpu.memory_space<vmem>>) dst(%dma_wait3A_104 : memref<240x64xf32, #tpu.memory_space<hbm>>)
      tpu.yield
    }) : () -> ()
    return
  }
}

#map = affine_map<(d0, d1) -> (0, 0)>
#map1 = affine_map<(d0, d1) -> (0, 0, 0)>
module attributes {stable_mosaic.version = 14 : i64} {
  func.func @_scatter(%arg0: i32, %arg1: i32, %arg2: memref<2x320000xi32, #tpu.memory_space<hbm>>, %arg3: memref<10000x128xf32, #tpu.memory_space<hbm>>, %arg4: memref<2x10240x128xf32, #tpu.memory_space<hbm>>, %arg5: memref<10000xi32, #tpu.memory_space<vmem>>, %arg6: memref<10000xi32, #tpu.memory_space<vmem>>, %arg7: memref<80x128xf32, #tpu.memory_space<vmem>>, %arg8: memref<80x128xf32, #tpu.memory_space<vmem>>, %arg9: memref<10240x128xf32, #tpu.memory_space<vmem_shared>>, %arg10: memref<!tpu.dma_semaphore, #tpu.memory_space<semaphore_mem>>, %arg11: memref<!tpu.dma_semaphore, #tpu.memory_space<semaphore_mem>>) attributes {dimension_semantics = [#tpu.dimension_semantics<core_parallel>, #tpu.dimension_semantics<subcore_parallel>], iteration_bounds = array<i64: 2, 16>, scalar_prefetch = 0 : i64, scratch_operands = 7 : i64, tpu.core_type = #tpu.core_type<sc_vector_subcore>, window_params = [{transform_indices = #map}, {transform_indices = #map}, {transform_indices = #map1}]} {
    %mul3A = arith.constant 16 : i32
    %mul3A_0 = arith.muli %arg0, %mul3A : i32
    %add3A = arith.addi %mul3A_0, %arg1 : i32
    %mul3A_1 = arith.constant 10000 : i32
    %mul3A_2 = arith.muli %add3A, %mul3A_1 : i32
    %run_scoped3A = arith.constant 0 : i32
    "tpu.region"() ({
      %run_scoped3A_191 = tpu.sem_alloc : memref<!tpu.dma_semaphore, #tpu.memory_space<semaphore_mem>>
      %dma_start3A_192 = tpu.memref_slice %arg2[%run_scoped3A, %mul3A_2] : memref<2x320000xi32, #tpu.memory_space<hbm>> -> memref<1x10000xi32, #tpu.memory_space<hbm>>
      %dma_start3A_193 = tpu.memref_squeeze %dma_start3A_192 : memref<1x10000xi32, #tpu.memory_space<hbm>> -> memref<10000xi32, #tpu.memory_space<hbm>>
      %dma_start3A_194 = tpu.memref_slice %arg2[%run_scoped3A, %mul3A_2] : memref<2x320000xi32, #tpu.memory_space<hbm>> -> memref<1x10000xi32, #tpu.memory_space<hbm>>
      %dma_start3A_195 = tpu.memref_squeeze %dma_start3A_194 : memref<1x10000xi32, #tpu.memory_space<hbm>> -> memref<10000xi32, #tpu.memory_space<hbm>>
      tpu.enqueue_dma source(%dma_start3A_195 : memref<10000xi32, #tpu.memory_space<hbm>>) target(%arg5 : memref<10000xi32, #tpu.memory_space<vmem>>) target_semaphore(%run_scoped3A_191 : memref<!tpu.dma_semaphore, #tpu.memory_space<semaphore_mem>>)
      %dma_wait3A_196 = tpu.memref_slice %arg2[%run_scoped3A, %mul3A_2] : memref<2x320000xi32, #tpu.memory_space<hbm>> -> memref<1x10000xi32, #tpu.memory_space<hbm>>
      %dma_wait3A_197 = tpu.memref_squeeze %dma_wait3A_196 : memref<1x10000xi32, #tpu.memory_space<hbm>> -> memref<10000xi32, #tpu.memory_space<hbm>>
      %dma_wait3A_198 = tpu.memref_slice %arg2[%run_scoped3A, %mul3A_2] : memref<2x320000xi32, #tpu.memory_space<hbm>> -> memref<1x10000xi32, #tpu.memory_space<hbm>>
      %dma_wait3A_199 = tpu.memref_squeeze %dma_wait3A_198 : memref<1x10000xi32, #tpu.memory_space<hbm>> -> memref<10000xi32, #tpu.memory_space<hbm>>
      tpu.wait_dma2 semaphore(%run_scoped3A_191 : memref<!tpu.dma_semaphore, #tpu.memory_space<semaphore_mem>>) src(%dma_wait3A_199 : memref<10000xi32, #tpu.memory_space<hbm>>) dst(%arg5 : memref<10000xi32, #tpu.memory_space<vmem>>)
      tpu.yield
    }) : () -> ()
    %mul3A_3 = arith.constant 10000 : i32
    %mul3A_4 = arith.muli %add3A, %mul3A_3 : i32
    %run_scoped3A_5 = arith.constant 1 : i32
    "tpu.region"() ({
      %run_scoped3A_191 = tpu.sem_alloc : memref<!tpu.dma_semaphore, #tpu.memory_space<semaphore_mem>>
      %dma_start3A_192 = tpu.memref_slice %arg2[%run_scoped3A_5, %mul3A_4] : memref<2x320000xi32, #tpu.memory_space<hbm>> -> memref<1x10000xi32, #tpu.memory_space<hbm>>
      %dma_start3A_193 = tpu.memref_squeeze %dma_start3A_192 : memref<1x10000xi32, #tpu.memory_space<hbm>> -> memref<10000xi32, #tpu.memory_space<hbm>>
      %dma_start3A_194 = tpu.memref_slice %arg2[%run_scoped3A_5, %mul3A_4] : memref<2x320000xi32, #tpu.memory_space<hbm>> -> memref<1x10000xi32, #tpu.memory_space<hbm>>
      %dma_start3A_195 = tpu.memref_squeeze %dma_start3A_194 : memref<1x10000xi32, #tpu.memory_space<hbm>> -> memref<10000xi32, #tpu.memory_space<hbm>>
      tpu.enqueue_dma source(%dma_start3A_195 : memref<10000xi32, #tpu.memory_space<hbm>>) target(%arg6 : memref<10000xi32, #tpu.memory_space<vmem>>) target_semaphore(%run_scoped3A_191 : memref<!tpu.dma_semaphore, #tpu.memory_space<semaphore_mem>>)
      %dma_wait3A_196 = tpu.memref_slice %arg2[%run_scoped3A_5, %mul3A_4] : memref<2x320000xi32, #tpu.memory_space<hbm>> -> memref<1x10000xi32, #tpu.memory_space<hbm>>
      %dma_wait3A_197 = tpu.memref_squeeze %dma_wait3A_196 : memref<1x10000xi32, #tpu.memory_space<hbm>> -> memref<10000xi32, #tpu.memory_space<hbm>>
      %dma_wait3A_198 = tpu.memref_slice %arg2[%run_scoped3A_5, %mul3A_4] : memref<2x320000xi32, #tpu.memory_space<hbm>> -> memref<1x10000xi32, #tpu.memory_space<hbm>>
      %dma_wait3A_199 = tpu.memref_squeeze %dma_wait3A_198 : memref<1x10000xi32, #tpu.memory_space<hbm>> -> memref<10000xi32, #tpu.memory_space<hbm>>
      tpu.wait_dma2 semaphore(%run_scoped3A_191 : memref<!tpu.dma_semaphore, #tpu.memory_space<semaphore_mem>>) src(%dma_wait3A_199 : memref<10000xi32, #tpu.memory_space<hbm>>) dst(%arg6 : memref<10000xi32, #tpu.memory_space<vmem>>)
      tpu.yield
    }) : () -> ()
    %scan3A = arith.constant 0 : i32
    %scan3A_6 = arith.constant 0 : i32
    %scan3A_7 = arith.constant 80 : i32
    %scan3A_8 = arith.addi %scan3A_6, %scan3A_7 : i32
    %scan3A_9 = arith.constant 1 : i32
    scf.for %scan3A_191 = %scan3A_6 to %scan3A_8 step %scan3A_9  : i32 {
      %broadcast_in_dim3A = arith.constant 0.000000e+00 : f32
      %broadcast_in_dim3A_192 = vector.broadcast %broadcast_in_dim3A : f32 to vector<16xf32>
      %swap3A = arith.index_cast %scan3A_191 : i32 to index
      %swap3A_193 = arith.constant 0 : index
      %swap3A_194 = tpu.vector_load %arg7[%swap3A, %swap3A_193] {strides = array<i32>} : memref<80x128xf32, #tpu.memory_space<vmem>>, vector<1x16xf32>,
      %swap3A_195 = vector.shape_cast %swap3A_194 : vector<1x16xf32> to vector<16xf32>
      %swap3A_196 = vector.shape_cast %broadcast_in_dim3A_192 : vector<16xf32> to vector<1x16xf32>
      tpu.vector_store %arg7[%swap3A, %swap3A_193], %swap3A_196 {strides = array<i32>} : memref<80x128xf32, #tpu.memory_space<vmem>>, vector<1x16xf32>,
      %broadcast_in_dim3A_197 = arith.constant 0.000000e+00 : f32
      %broadcast_in_dim3A_198 = vector.broadcast %broadcast_in_dim3A_197 : f32 to vector<16xf32>
      %swap3A_199 = arith.index_cast %scan3A_191 : i32 to index
      %swap3A_200 = arith.constant 16 : index
      %swap3A_201 = tpu.vector_load %arg7[%swap3A_199, %swap3A_200] {strides = array<i32>} : memref<80x128xf32, #tpu.memory_space<vmem>>, vector<1x16xf32>,
      %swap3A_202 = vector.shape_cast %swap3A_201 : vector<1x16xf32> to vector<16xf32>
      %swap3A_203 = vector.shape_cast %broadcast_in_dim3A_198 : vector<16xf32> to vector<1x16xf32>
      tpu.vector_store %arg7[%swap3A_199, %swap3A_200], %swap3A_203 {strides = array<i32>} : memref<80x128xf32, #tpu.memory_space<vmem>>, vector<1x16xf32>,
      %broadcast_in_dim3A_204 = arith.constant 0.000000e+00 : f32
      %broadcast_in_dim3A_205 = vector.broadcast %broadcast_in_dim3A_204 : f32 to vector<16xf32>
      %swap3A_206 = arith.index_cast %scan3A_191 : i32 to index
      %swap3A_207 = arith.constant 32 : index
      %swap3A_208 = tpu.vector_load %arg7[%swap3A_206, %swap3A_207] {strides = array<i32>} : memref<80x128xf32, #tpu.memory_space<vmem>>, vector<1x16xf32>,
      %swap3A_209 = vector.shape_cast %swap3A_208 : vector<1x16xf32> to vector<16xf32>
      %swap3A_210 = vector.shape_cast %broadcast_in_dim3A_205 : vector<16xf32> to vector<1x16xf32>
      tpu.vector_store %arg7[%swap3A_206, %swap3A_207], %swap3A_210 {strides = array<i32>} : memref<80x128xf32, #tpu.memory_space<vmem>>, vector<1x16xf32>,
      %broadcast_in_dim3A_211 = arith.constant 0.000000e+00 : f32
      %broadcast_in_dim3A_212 = vector.broadcast %broadcast_in_dim3A_211 : f32 to vector<16xf32>
      %swap3A_213 = arith.index_cast %scan3A_191 : i32 to index
      %swap3A_214 = arith.constant 48 : index
      %swap3A_215 = tpu.vector_load %arg7[%swap3A_213, %swap3A_214] {strides = array<i32>} : memref<80x128xf32, #tpu.memory_space<vmem>>, vector<1x16xf32>,
      %swap3A_216 = vector.shape_cast %swap3A_215 : vector<1x16xf32> to vector<16xf32>
      %swap3A_217 = vector.shape_cast %broadcast_in_dim3A_212 : vector<16xf32> to vector<1x16xf32>
      tpu.vector_store %arg7[%swap3A_213, %swap3A_214], %swap3A_217 {strides = array<i32>} : memref<80x128xf32, #tpu.memory_space<vmem>>, vector<1x16xf32>,
      %broadcast_in_dim3A_218 = arith.constant 0.000000e+00 : f32
      %broadcast_in_dim3A_219 = vector.broadcast %broadcast_in_dim3A_218 : f32 to vector<16xf32>
      %swap3A_220 = arith.index_cast %scan3A_191 : i32 to index
      %swap3A_221 = arith.constant 64 : index
      %swap3A_222 = tpu.vector_load %arg7[%swap3A_220, %swap3A_221] {strides = array<i32>} : memref<80x128xf32, #tpu.memory_space<vmem>>, vector<1x16xf32>,
      %swap3A_223 = vector.shape_cast %swap3A_222 : vector<1x16xf32> to vector<16xf32>
      %swap3A_224 = vector.shape_cast %broadcast_in_dim3A_219 : vector<16xf32> to vector<1x16xf32>
      tpu.vector_store %arg7[%swap3A_220, %swap3A_221], %swap3A_224 {strides = array<i32>} : memref<80x128xf32, #tpu.memory_space<vmem>>, vector<1x16xf32>,
      %broadcast_in_dim3A_225 = arith.constant 0.000000e+00 : f32
      %broadcast_in_dim3A_226 = vector.broadcast %broadcast_in_dim3A_225 : f32 to vector<16xf32>
      %swap3A_227 = arith.index_cast %scan3A_191 : i32 to index
      %swap3A_228 = arith.constant 80 : index
      %swap3A_229 = tpu.vector_load %arg7[%swap3A_227, %swap3A_228] {strides = array<i32>} : memref<80x128xf32, #tpu.memory_space<vmem>>, vector<1x16xf32>,
      %swap3A_230 = vector.shape_cast %swap3A_229 : vector<1x16xf32> to vector<16xf32>
      %swap3A_231 = vector.shape_cast %broadcast_in_dim3A_226 : vector<16xf32> to vector<1x16xf32>
      tpu.vector_store %arg7[%swap3A_227, %swap3A_228], %swap3A_231 {strides = array<i32>} : memref<80x128xf32, #tpu.memory_space<vmem>>, vector<1x16xf32>,
      %broadcast_in_dim3A_232 = arith.constant 0.000000e+00 : f32
      %broadcast_in_dim3A_233 = vector.broadcast %broadcast_in_dim3A_232 : f32 to vector<16xf32>
      %swap3A_234 = arith.index_cast %scan3A_191 : i32 to index
      %swap3A_235 = arith.constant 96 : index
      %swap3A_236 = tpu.vector_load %arg7[%swap3A_234, %swap3A_235] {strides = array<i32>} : memref<80x128xf32, #tpu.memory_space<vmem>>, vector<1x16xf32>,
      %swap3A_237 = vector.shape_cast %swap3A_236 : vector<1x16xf32> to vector<16xf32>
      %swap3A_238 = vector.shape_cast %broadcast_in_dim3A_233 : vector<16xf32> to vector<1x16xf32>
      tpu.vector_store %arg7[%swap3A_234, %swap3A_235], %swap3A_238 {strides = array<i32>} : memref<80x128xf32, #tpu.memory_space<vmem>>, vector<1x16xf32>,
      %broadcast_in_dim3A_239 = arith.constant 0.000000e+00 : f32
      %broadcast_in_dim3A_240 = vector.broadcast %broadcast_in_dim3A_239 : f32 to vector<16xf32>
      %swap3A_241 = arith.index_cast %scan3A_191 : i32 to index
      %swap3A_242 = arith.constant 112 : index
      %swap3A_243 = tpu.vector_load %arg7[%swap3A_241, %swap3A_242] {strides = array<i32>} : memref<80x128xf32, #tpu.memory_space<vmem>>, vector<1x16xf32>,
      %swap3A_244 = vector.shape_cast %swap3A_243 : vector<1x16xf32> to vector<16xf32>
      %swap3A_245 = vector.shape_cast %broadcast_in_dim3A_240 : vector<16xf32> to vector<1x16xf32>
      tpu.vector_store %arg7[%swap3A_241, %swap3A_242], %swap3A_245 {strides = array<i32>} : memref<80x128xf32, #tpu.memory_space<vmem>>, vector<1x16xf32>,
    }
    %scan3A_10 = arith.constant 80 : i32
    %mul3A_11 = arith.constant 640 : i32
    %mul3A_12 = arith.muli %arg1, %mul3A_11 : i32
    %add3A_13 = arith.constant 0 : i32
    %add3A_14 = arith.addi %mul3A_12, %add3A_13 : i32
    %mul3A_15 = arith.constant 640 : i32
    %mul3A_16 = arith.muli %arg1, %mul3A_15 : i32
    %add3A_17 = arith.constant 80 : i32
    %add3A_18 = arith.addi %mul3A_16, %add3A_17 : i32
    %mul3A_19 = arith.constant 640 : i32
    %mul3A_20 = arith.muli %arg1, %mul3A_19 : i32
    %add3A_21 = arith.constant 160 : i32
    %add3A_22 = arith.addi %mul3A_20, %add3A_21 : i32
    %mul3A_23 = arith.constant 640 : i32
    %mul3A_24 = arith.muli %arg1, %mul3A_23 : i32
    %add3A_25 = arith.constant 240 : i32
    %add3A_26 = arith.addi %mul3A_24, %add3A_25 : i32
    %mul3A_27 = arith.constant 640 : i32
    %mul3A_28 = arith.muli %arg1, %mul3A_27 : i32
    %add3A_29 = arith.constant 320 : i32
    %add3A_30 = arith.addi %mul3A_28, %add3A_29 : i32
    %mul3A_31 = arith.constant 640 : i32
    %mul3A_32 = arith.muli %arg1, %mul3A_31 : i32
    %add3A_33 = arith.constant 400 : i32
    %add3A_34 = arith.addi %mul3A_32, %add3A_33 : i32
    %mul3A_35 = arith.constant 640 : i32
    %mul3A_36 = arith.muli %arg1, %mul3A_35 : i32
    %add3A_37 = arith.constant 480 : i32
    %add3A_38 = arith.addi %mul3A_36, %add3A_37 : i32
    %mul3A_39 = arith.constant 640 : i32
    %mul3A_40 = arith.muli %arg1, %mul3A_39 : i32
    %add3A_41 = arith.constant 560 : i32
    %add3A_42 = arith.addi %mul3A_40, %add3A_41 : i32
    %dma_start3A = arith.constant 0 : i32
    %dma_start3A_43 = tpu.memref_slice %arg9[%add3A_14, %dma_start3A] : memref<10240x128xf32, #tpu.memory_space<vmem_shared>> -> memref<80x128xf32, #tpu.memory_space<vmem_shared>>
    %dma_start3A_44 = arith.constant 0 : i32
    %dma_start3A_45 = tpu.memref_slice %arg9[%add3A_14, %dma_start3A_44] : memref<10240x128xf32, #tpu.memory_space<vmem_shared>> -> memref<80x128xf32, #tpu.memory_space<vmem_shared>>
    tpu.enqueue_dma source(%arg7 : memref<80x128xf32, #tpu.memory_space<vmem>>) target(%dma_start3A_45 : memref<80x128xf32, #tpu.memory_space<vmem_shared>>) target_semaphore(%arg10 : memref<!tpu.dma_semaphore, #tpu.memory_space<semaphore_mem>>)
    %dma_start3A_46 = arith.constant 0 : i32
    %dma_start3A_47 = tpu.memref_slice %arg9[%add3A_18, %dma_start3A_46] : memref<10240x128xf32, #tpu.memory_space<vmem_shared>> -> memref<80x128xf32, #tpu.memory_space<vmem_shared>>
    %dma_start3A_48 = arith.constant 0 : i32
    %dma_start3A_49 = tpu.memref_slice %arg9[%add3A_18, %dma_start3A_48] : memref<10240x128xf32, #tpu.memory_space<vmem_shared>> -> memref<80x128xf32, #tpu.memory_space<vmem_shared>>
    tpu.enqueue_dma source(%arg7 : memref<80x128xf32, #tpu.memory_space<vmem>>) target(%dma_start3A_49 : memref<80x128xf32, #tpu.memory_space<vmem_shared>>) target_semaphore(%arg10 : memref<!tpu.dma_semaphore, #tpu.memory_space<semaphore_mem>>)
    %dma_start3A_50 = arith.constant 0 : i32
    %dma_start3A_51 = tpu.memref_slice %arg9[%add3A_22, %dma_start3A_50] : memref<10240x128xf32, #tpu.memory_space<vmem_shared>> -> memref<80x128xf32, #tpu.memory_space<vmem_shared>>
    %dma_start3A_52 = arith.constant 0 : i32
    %dma_start3A_53 = tpu.memref_slice %arg9[%add3A_22, %dma_start3A_52] : memref<10240x128xf32, #tpu.memory_space<vmem_shared>> -> memref<80x128xf32, #tpu.memory_space<vmem_shared>>
    tpu.enqueue_dma source(%arg7 : memref<80x128xf32, #tpu.memory_space<vmem>>) target(%dma_start3A_53 : memref<80x128xf32, #tpu.memory_space<vmem_shared>>) target_semaphore(%arg10 : memref<!tpu.dma_semaphore, #tpu.memory_space<semaphore_mem>>)
    %dma_start3A_54 = arith.constant 0 : i32
    %dma_start3A_55 = tpu.memref_slice %arg9[%add3A_26, %dma_start3A_54] : memref<10240x128xf32, #tpu.memory_space<vmem_shared>> -> memref<80x128xf32, #tpu.memory_space<vmem_shared>>
    %dma_start3A_56 = arith.constant 0 : i32
    %dma_start3A_57 = tpu.memref_slice %arg9[%add3A_26, %dma_start3A_56] : memref<10240x128xf32, #tpu.memory_space<vmem_shared>> -> memref<80x128xf32, #tpu.memory_space<vmem_shared>>
    tpu.enqueue_dma source(%arg7 : memref<80x128xf32, #tpu.memory_space<vmem>>) target(%dma_start3A_57 : memref<80x128xf32, #tpu.memory_space<vmem_shared>>) target_semaphore(%arg10 : memref<!tpu.dma_semaphore, #tpu.memory_space<semaphore_mem>>)
    %dma_start3A_58 = arith.constant 0 : i32
    %dma_start3A_59 = tpu.memref_slice %arg9[%add3A_30, %dma_start3A_58] : memref<10240x128xf32, #tpu.memory_space<vmem_shared>> -> memref<80x128xf32, #tpu.memory_space<vmem_shared>>
    %dma_start3A_60 = arith.constant 0 : i32
    %dma_start3A_61 = tpu.memref_slice %arg9[%add3A_30, %dma_start3A_60] : memref<10240x128xf32, #tpu.memory_space<vmem_shared>> -> memref<80x128xf32, #tpu.memory_space<vmem_shared>>
    tpu.enqueue_dma source(%arg7 : memref<80x128xf32, #tpu.memory_space<vmem>>) target(%dma_start3A_61 : memref<80x128xf32, #tpu.memory_space<vmem_shared>>) target_semaphore(%arg10 : memref<!tpu.dma_semaphore, #tpu.memory_space<semaphore_mem>>)
    %dma_start3A_62 = arith.constant 0 : i32
    %dma_start3A_63 = tpu.memref_slice %arg9[%add3A_34, %dma_start3A_62] : memref<10240x128xf32, #tpu.memory_space<vmem_shared>> -> memref<80x128xf32, #tpu.memory_space<vmem_shared>>
    %dma_start3A_64 = arith.constant 0 : i32
    %dma_start3A_65 = tpu.memref_slice %arg9[%add3A_34, %dma_start3A_64] : memref<10240x128xf32, #tpu.memory_space<vmem_shared>> -> memref<80x128xf32, #tpu.memory_space<vmem_shared>>
    tpu.enqueue_dma source(%arg7 : memref<80x128xf32, #tpu.memory_space<vmem>>) target(%dma_start3A_65 : memref<80x128xf32, #tpu.memory_space<vmem_shared>>) target_semaphore(%arg10 : memref<!tpu.dma_semaphore, #tpu.memory_space<semaphore_mem>>)
    %dma_start3A_66 = arith.constant 0 : i32
    %dma_start3A_67 = tpu.memref_slice %arg9[%add3A_38, %dma_start3A_66] : memref<10240x128xf32, #tpu.memory_space<vmem_shared>> -> memref<80x128xf32, #tpu.memory_space<vmem_shared>>
    %dma_start3A_68 = arith.constant 0 : i32
    %dma_start3A_69 = tpu.memref_slice %arg9[%add3A_38, %dma_start3A_68] : memref<10240x128xf32, #tpu.memory_space<vmem_shared>> -> memref<80x128xf32, #tpu.memory_space<vmem_shared>>
    tpu.enqueue_dma source(%arg7 : memref<80x128xf32, #tpu.memory_space<vmem>>) target(%dma_start3A_69 : memref<80x128xf32, #tpu.memory_space<vmem_shared>>) target_semaphore(%arg10 : memref<!tpu.dma_semaphore, #tpu.memory_space<semaphore_mem>>)
    %dma_start3A_70 = arith.constant 0 : i32
    %dma_start3A_71 = tpu.memref_slice %arg9[%add3A_42, %dma_start3A_70] : memref<10240x128xf32, #tpu.memory_space<vmem_shared>> -> memref<80x128xf32, #tpu.memory_space<vmem_shared>>
    %dma_start3A_72 = arith.constant 0 : i32
    %dma_start3A_73 = tpu.memref_slice %arg9[%add3A_42, %dma_start3A_72] : memref<10240x128xf32, #tpu.memory_space<vmem_shared>> -> memref<80x128xf32, #tpu.memory_space<vmem_shared>>
    tpu.enqueue_dma source(%arg7 : memref<80x128xf32, #tpu.memory_space<vmem>>) target(%dma_start3A_73 : memref<80x128xf32, #tpu.memory_space<vmem_shared>>) target_semaphore(%arg10 : memref<!tpu.dma_semaphore, #tpu.memory_space<semaphore_mem>>)
    %mul3A_74 = arith.constant 640 : i32
    %mul3A_75 = arith.muli %arg1, %mul3A_74 : i32
    %add3A_76 = arith.constant 0 : i32
    %add3A_77 = arith.addi %mul3A_75, %add3A_76 : i32
    %mul3A_78 = arith.constant 640 : i32
    %mul3A_79 = arith.muli %arg1, %mul3A_78 : i32
    %add3A_80 = arith.constant 80 : i32
    %add3A_81 = arith.addi %mul3A_79, %add3A_80 : i32
    %mul3A_82 = arith.constant 640 : i32
    %mul3A_83 = arith.muli %arg1, %mul3A_82 : i32
    %add3A_84 = arith.constant 160 : i32
    %add3A_85 = arith.addi %mul3A_83, %add3A_84 : i32
    %mul3A_86 = arith.constant 640 : i32
    %mul3A_87 = arith.muli %arg1, %mul3A_86 : i32
    %add3A_88 = arith.constant 240 : i32
    %add3A_89 = arith.addi %mul3A_87, %add3A_88 : i32
    %mul3A_90 = arith.constant 640 : i32
    %mul3A_91 = arith.muli %arg1, %mul3A_90 : i32
    %add3A_92 = arith.constant 320 : i32
    %add3A_93 = arith.addi %mul3A_91, %add3A_92 : i32
    %mul3A_94 = arith.constant 640 : i32
    %mul3A_95 = arith.muli %arg1, %mul3A_94 : i32
    %add3A_96 = arith.constant 400 : i32
    %add3A_97 = arith.addi %mul3A_95, %add3A_96 : i32
    %mul3A_98 = arith.constant 640 : i32
    %mul3A_99 = arith.muli %arg1, %mul3A_98 : i32
    %add3A_100 = arith.constant 480 : i32
    %add3A_101 = arith.addi %mul3A_99, %add3A_100 : i32
    %mul3A_102 = arith.constant 640 : i32
    %mul3A_103 = arith.muli %arg1, %mul3A_102 : i32
    %add3A_104 = arith.constant 560 : i32
    %add3A_105 = arith.addi %mul3A_103, %add3A_104 : i32
    %dma_wait3A = arith.constant 0 : i32
    %dma_wait3A_106 = tpu.memref_slice %arg9[%add3A_77, %dma_wait3A] : memref<10240x128xf32, #tpu.memory_space<vmem_shared>> -> memref<80x128xf32, #tpu.memory_space<vmem_shared>>
    %dma_wait3A_107 = arith.constant 0 : i32
    %dma_wait3A_108 = tpu.memref_slice %arg9[%add3A_77, %dma_wait3A_107] : memref<10240x128xf32, #tpu.memory_space<vmem_shared>> -> memref<80x128xf32, #tpu.memory_space<vmem_shared>>
    tpu.wait_dma2 semaphore(%arg10 : memref<!tpu.dma_semaphore, #tpu.memory_space<semaphore_mem>>) src(%arg7 : memref<80x128xf32, #tpu.memory_space<vmem>>) dst(%dma_wait3A_108 : memref<80x128xf32, #tpu.memory_space<vmem_shared>>)
    %dma_wait3A_109 = arith.constant 0 : i32
    %dma_wait3A_110 = tpu.memref_slice %arg9[%add3A_81, %dma_wait3A_109] : memref<10240x128xf32, #tpu.memory_space<vmem_shared>> -> memref<80x128xf32, #tpu.memory_space<vmem_shared>>
    %dma_wait3A_111 = arith.constant 0 : i32
    %dma_wait3A_112 = tpu.memref_slice %arg9[%add3A_81, %dma_wait3A_111] : memref<10240x128xf32, #tpu.memory_space<vmem_shared>> -> memref<80x128xf32, #tpu.memory_space<vmem_shared>>
    tpu.wait_dma2 semaphore(%arg10 : memref<!tpu.dma_semaphore, #tpu.memory_space<semaphore_mem>>) src(%arg7 : memref<80x128xf32, #tpu.memory_space<vmem>>) dst(%dma_wait3A_112 : memref<80x128xf32, #tpu.memory_space<vmem_shared>>)
    %dma_wait3A_113 = arith.constant 0 : i32
    %dma_wait3A_114 = tpu.memref_slice %arg9[%add3A_85, %dma_wait3A_113] : memref<10240x128xf32, #tpu.memory_space<vmem_shared>> -> memref<80x128xf32, #tpu.memory_space<vmem_shared>>
    %dma_wait3A_115 = arith.constant 0 : i32
    %dma_wait3A_116 = tpu.memref_slice %arg9[%add3A_85, %dma_wait3A_115] : memref<10240x128xf32, #tpu.memory_space<vmem_shared>> -> memref<80x128xf32, #tpu.memory_space<vmem_shared>>
    tpu.wait_dma2 semaphore(%arg10 : memref<!tpu.dma_semaphore, #tpu.memory_space<semaphore_mem>>) src(%arg7 : memref<80x128xf32, #tpu.memory_space<vmem>>) dst(%dma_wait3A_116 : memref<80x128xf32, #tpu.memory_space<vmem_shared>>)
    %dma_wait3A_117 = arith.constant 0 : i32
    %dma_wait3A_118 = tpu.memref_slice %arg9[%add3A_89, %dma_wait3A_117] : memref<10240x128xf32, #tpu.memory_space<vmem_shared>> -> memref<80x128xf32, #tpu.memory_space<vmem_shared>>
    %dma_wait3A_119 = arith.constant 0 : i32
    %dma_wait3A_120 = tpu.memref_slice %arg9[%add3A_89, %dma_wait3A_119] : memref<10240x128xf32, #tpu.memory_space<vmem_shared>> -> memref<80x128xf32, #tpu.memory_space<vmem_shared>>
    tpu.wait_dma2 semaphore(%arg10 : memref<!tpu.dma_semaphore, #tpu.memory_space<semaphore_mem>>) src(%arg7 : memref<80x128xf32, #tpu.memory_space<vmem>>) dst(%dma_wait3A_120 : memref<80x128xf32, #tpu.memory_space<vmem_shared>>)
    %dma_wait3A_121 = arith.constant 0 : i32
    %dma_wait3A_122 = tpu.memref_slice %arg9[%add3A_93, %dma_wait3A_121] : memref<10240x128xf32, #tpu.memory_space<vmem_shared>> -> memref<80x128xf32, #tpu.memory_space<vmem_shared>>
    %dma_wait3A_123 = arith.constant 0 : i32
    %dma_wait3A_124 = tpu.memref_slice %arg9[%add3A_93, %dma_wait3A_123] : memref<10240x128xf32, #tpu.memory_space<vmem_shared>> -> memref<80x128xf32, #tpu.memory_space<vmem_shared>>
    tpu.wait_dma2 semaphore(%arg10 : memref<!tpu.dma_semaphore, #tpu.memory_space<semaphore_mem>>) src(%arg7 : memref<80x128xf32, #tpu.memory_space<vmem>>) dst(%dma_wait3A_124 : memref<80x128xf32, #tpu.memory_space<vmem_shared>>)
    %dma_wait3A_125 = arith.constant 0 : i32
    %dma_wait3A_126 = tpu.memref_slice %arg9[%add3A_97, %dma_wait3A_125] : memref<10240x128xf32, #tpu.memory_space<vmem_shared>> -> memref<80x128xf32, #tpu.memory_space<vmem_shared>>
    %dma_wait3A_127 = arith.constant 0 : i32
    %dma_wait3A_128 = tpu.memref_slice %arg9[%add3A_97, %dma_wait3A_127] : memref<10240x128xf32, #tpu.memory_space<vmem_shared>> -> memref<80x128xf32, #tpu.memory_space<vmem_shared>>
    tpu.wait_dma2 semaphore(%arg10 : memref<!tpu.dma_semaphore, #tpu.memory_space<semaphore_mem>>) src(%arg7 : memref<80x128xf32, #tpu.memory_space<vmem>>) dst(%dma_wait3A_128 : memref<80x128xf32, #tpu.memory_space<vmem_shared>>)
    %dma_wait3A_129 = arith.constant 0 : i32
    %dma_wait3A_130 = tpu.memref_slice %arg9[%add3A_101, %dma_wait3A_129] : memref<10240x128xf32, #tpu.memory_space<vmem_shared>> -> memref<80x128xf32, #tpu.memory_space<vmem_shared>>
    %dma_wait3A_131 = arith.constant 0 : i32
    %dma_wait3A_132 = tpu.memref_slice %arg9[%add3A_101, %dma_wait3A_131] : memref<10240x128xf32, #tpu.memory_space<vmem_shared>> -> memref<80x128xf32, #tpu.memory_space<vmem_shared>>
    tpu.wait_dma2 semaphore(%arg10 : memref<!tpu.dma_semaphore, #tpu.memory_space<semaphore_mem>>) src(%arg7 : memref<80x128xf32, #tpu.memory_space<vmem>>) dst(%dma_wait3A_132 : memref<80x128xf32, #tpu.memory_space<vmem_shared>>)
    %dma_wait3A_133 = arith.constant 0 : i32
    %dma_wait3A_134 = tpu.memref_slice %arg9[%add3A_105, %dma_wait3A_133] : memref<10240x128xf32, #tpu.memory_space<vmem_shared>> -> memref<80x128xf32, #tpu.memory_space<vmem_shared>>
    %dma_wait3A_135 = arith.constant 0 : i32
    %dma_wait3A_136 = tpu.memref_slice %arg9[%add3A_105, %dma_wait3A_135] : memref<10240x128xf32, #tpu.memory_space<vmem_shared>> -> memref<80x128xf32, #tpu.memory_space<vmem_shared>>
    tpu.wait_dma2 semaphore(%arg10 : memref<!tpu.dma_semaphore, #tpu.memory_space<semaphore_mem>>) src(%arg7 : memref<80x128xf32, #tpu.memory_space<vmem>>) dst(%dma_wait3A_136 : memref<80x128xf32, #tpu.memory_space<vmem_shared>>)
    %barrier3A = arith.constant 0 : index
    tpu.barrier barrier_id(%barrier3A)
    %dma_start3A_137 = arith.constant 0 : i32
    %dma_start3A_138 = tpu.memref_slice %arg5[%dma_start3A_137] : memref<10000xi32, #tpu.memory_space<vmem>> -> memref<80xi32, #tpu.memory_space<vmem>>
    %dma_start3A_139 = arith.constant 0 : i32
    %dma_start3A_140 = arith.constant 0 : i32
    %dma_start3A_141 = tpu.memref_slice %arg3[%dma_start3A_139, %dma_start3A_140] : memref<10000x128xf32, #tpu.memory_space<hbm>> -> memref<10000x128xf32, #tpu.memory_space<hbm>>
    tpu.enqueue_indirect_dma source(%dma_start3A_141 : memref<10000x128xf32, #tpu.memory_space<hbm>>) target(%arg7 : memref<80x128xf32, #tpu.memory_space<vmem>>) offsets(%dma_start3A_138 : memref<80xi32, #tpu.memory_space<vmem>>) semaphore(%arg10 : memref<!tpu.dma_semaphore, #tpu.memory_space<semaphore_mem>>)
    %dma_start3A_142 = arith.constant 80 : i32
    %dma_start3A_143 = tpu.memref_slice %arg5[%dma_start3A_142] : memref<10000xi32, #tpu.memory_space<vmem>> -> memref<80xi32, #tpu.memory_space<vmem>>
    %dma_start3A_144 = arith.constant 0 : i32
    %dma_start3A_145 = arith.constant 0 : i32
    %dma_start3A_146 = tpu.memref_slice %arg3[%dma_start3A_144, %dma_start3A_145] : memref<10000x128xf32, #tpu.memory_space<hbm>> -> memref<10000x128xf32, #tpu.memory_space<hbm>>
    tpu.enqueue_indirect_dma source(%dma_start3A_146 : memref<10000x128xf32, #tpu.memory_space<hbm>>) target(%arg8 : memref<80x128xf32, #tpu.memory_space<vmem>>) offsets(%dma_start3A_143 : memref<80xi32, #tpu.memory_space<vmem>>) semaphore(%arg11 : memref<!tpu.dma_semaphore, #tpu.memory_space<semaphore_mem>>)
    %scan3A_147 = arith.constant 0 : i32
    %scan3A_148 = arith.constant 0 : i32
    %scan3A_149 = arith.constant 62 : i32
    %scan3A_150 = arith.addi %scan3A_148, %scan3A_149 : i32
    %scan3A_151 = arith.constant 1 : i32
    scf.for %scan3A_191 = %scan3A_148 to %scan3A_150 step %scan3A_151  : i32 {
      %mul3A_192 = arith.constant 2 : i32
      %mul3A_193 = arith.muli %scan3A_191, %mul3A_192 : i32
      %mul3A_194 = arith.constant 80 : i32
      %mul3A_195 = arith.muli %mul3A_193, %mul3A_194 : i32
      %dma_wait3A_196 = tpu.memref_slice %arg5[%mul3A_195] : memref<10000xi32, #tpu.memory_space<vmem>> -> memref<80xi32, #tpu.memory_space<vmem>>
      %dma_wait3A_197 = arith.constant 0 : i32
      %dma_wait3A_198 = arith.constant 0 : i32
      %dma_wait3A_199 = tpu.memref_slice %arg3[%dma_wait3A_197, %dma_wait3A_198] : memref<10000x128xf32, #tpu.memory_space<hbm>> -> memref<10000x128xf32, #tpu.memory_space<hbm>>
      tpu.wait_indirect_dma semaphore(%arg10 : memref<!tpu.dma_semaphore, #tpu.memory_space<semaphore_mem>>) src(%dma_wait3A_199 : memref<10000x128xf32, #tpu.memory_space<hbm>>) dst(%arg7 : memref<80x128xf32, #tpu.memory_space<vmem>>)
      %mul3A_200 = arith.constant 80 : i32
      %mul3A_201 = arith.muli %mul3A_193, %mul3A_200 : i32
      "tpu.region"() ({
        %run_scoped3A_225 = tpu.sem_alloc : memref<!tpu.dma_semaphore, #tpu.memory_space<semaphore_mem>>
        %dma_start3A_226 = tpu.memref_slice %arg6[%mul3A_201] : memref<10000xi32, #tpu.memory_space<vmem>> -> memref<80xi32, #tpu.memory_space<vmem>>
        %dma_start3A_227 = arith.constant 0 : i32
        %dma_start3A_228 = arith.constant 0 : i32
        %dma_start3A_229 = tpu.memref_slice %arg9[%dma_start3A_227, %dma_start3A_228] : memref<10240x128xf32, #tpu.memory_space<vmem_shared>> -> memref<10240x128xf32, #tpu.memory_space<vmem_shared>>
        tpu.enqueue_indirect_dma source(%arg7 : memref<80x128xf32, #tpu.memory_space<vmem>>) target(%dma_start3A_229 : memref<10240x128xf32, #tpu.memory_space<vmem_shared>>) offsets(%dma_start3A_226 : memref<80xi32, #tpu.memory_space<vmem>>) semaphore(%run_scoped3A_225 : memref<!tpu.dma_semaphore, #tpu.memory_space<semaphore_mem>>) {add = true}
        %dma_wait3A_230 = tpu.memref_slice %arg6[%mul3A_201] : memref<10000xi32, #tpu.memory_space<vmem>> -> memref<80xi32, #tpu.memory_space<vmem>>
        %dma_wait3A_231 = arith.constant 0 : i32
        %dma_wait3A_232 = arith.constant 0 : i32
        %dma_wait3A_233 = tpu.memref_slice %arg9[%dma_wait3A_231, %dma_wait3A_232] : memref<10240x128xf32, #tpu.memory_space<vmem_shared>> -> memref<10240x128xf32, #tpu.memory_space<vmem_shared>>
        tpu.wait_indirect_dma semaphore(%run_scoped3A_225 : memref<!tpu.dma_semaphore, #tpu.memory_space<semaphore_mem>>) src(%arg7 : memref<80x128xf32, #tpu.memory_space<vmem>>) dst(%dma_wait3A_233 : memref<10240x128xf32, #tpu.memory_space<vmem_shared>>)
        tpu.yield
      }) : () -> ()
      %add3A_202 = arith.constant 2 : i32
      %add3A_203 = arith.addi %mul3A_193, %add3A_202 : i32
      %lt3A = arith.constant 125 : i32
      %lt3A_204 = arith.cmpi slt, %add3A_203, %lt3A : i32
      %convert_element_type3A = arith.extui %lt3A_204 : i1 to i32
      %cond3A = arith.constant 0 : i32
      %cond3A_205 = arith.cmpi ne, %convert_element_type3A, %cond3A : i32
      scf.if %cond3A_205 {
        %add3A_225 = arith.constant 2 : i32
        %add3A_226 = arith.addi %mul3A_193, %add3A_225 : i32
        %mul3A_227 = arith.constant 80 : i32
        %mul3A_228 = arith.muli %add3A_226, %mul3A_227 : i32
        %dma_start3A_229 = tpu.memref_slice %arg5[%mul3A_228] : memref<10000xi32, #tpu.memory_space<vmem>> -> memref<80xi32, #tpu.memory_space<vmem>>
        %dma_start3A_230 = arith.constant 0 : i32
        %dma_start3A_231 = arith.constant 0 : i32
        %dma_start3A_232 = tpu.memref_slice %arg3[%dma_start3A_230, %dma_start3A_231] : memref<10000x128xf32, #tpu.memory_space<hbm>> -> memref<10000x128xf32, #tpu.memory_space<hbm>>
        tpu.enqueue_indirect_dma source(%dma_start3A_232 : memref<10000x128xf32, #tpu.memory_space<hbm>>) target(%arg7 : memref<80x128xf32, #tpu.memory_space<vmem>>) offsets(%dma_start3A_229 : memref<80xi32, #tpu.memory_space<vmem>>) semaphore(%arg10 : memref<!tpu.dma_semaphore, #tpu.memory_space<semaphore_mem>>)
      } else {
      }
      %add3A_206 = arith.constant 1 : i32
      %add3A_207 = arith.addi %mul3A_193, %add3A_206 : i32
      %mul3A_208 = arith.constant 80 : i32
      %mul3A_209 = arith.muli %add3A_207, %mul3A_208 : i32
      %dma_wait3A_210 = tpu.memref_slice %arg5[%mul3A_209] : memref<10000xi32, #tpu.memory_space<vmem>> -> memref<80xi32, #tpu.memory_space<vmem>>
      %dma_wait3A_211 = arith.constant 0 : i32
      %dma_wait3A_212 = arith.constant 0 : i32
      %dma_wait3A_213 = tpu.memref_slice %arg3[%dma_wait3A_211, %dma_wait3A_212] : memref<10000x128xf32, #tpu.memory_space<hbm>> -> memref<10000x128xf32, #tpu.memory_space<hbm>>
      tpu.wait_indirect_dma semaphore(%arg11 : memref<!tpu.dma_semaphore, #tpu.memory_space<semaphore_mem>>) src(%dma_wait3A_213 : memref<10000x128xf32, #tpu.memory_space<hbm>>) dst(%arg8 : memref<80x128xf32, #tpu.memory_space<vmem>>)
      %add3A_214 = arith.constant 1 : i32
      %add3A_215 = arith.addi %mul3A_193, %add3A_214 : i32
      %mul3A_216 = arith.constant 80 : i32
      %mul3A_217 = arith.muli %add3A_215, %mul3A_216 : i32
      "tpu.region"() ({
        %run_scoped3A_225 = tpu.sem_alloc : memref<!tpu.dma_semaphore, #tpu.memory_space<semaphore_mem>>
        %dma_start3A_226 = tpu.memref_slice %arg6[%mul3A_217] : memref<10000xi32, #tpu.memory_space<vmem>> -> memref<80xi32, #tpu.memory_space<vmem>>
        %dma_start3A_227 = arith.constant 0 : i32
        %dma_start3A_228 = arith.constant 0 : i32
        %dma_start3A_229 = tpu.memref_slice %arg9[%dma_start3A_227, %dma_start3A_228] : memref<10240x128xf32, #tpu.memory_space<vmem_shared>> -> memref<10240x128xf32, #tpu.memory_space<vmem_shared>>
        tpu.enqueue_indirect_dma source(%arg8 : memref<80x128xf32, #tpu.memory_space<vmem>>) target(%dma_start3A_229 : memref<10240x128xf32, #tpu.memory_space<vmem_shared>>) offsets(%dma_start3A_226 : memref<80xi32, #tpu.memory_space<vmem>>) semaphore(%run_scoped3A_225 : memref<!tpu.dma_semaphore, #tpu.memory_space<semaphore_mem>>) {add = true}
        %dma_wait3A_230 = tpu.memref_slice %arg6[%mul3A_217] : memref<10000xi32, #tpu.memory_space<vmem>> -> memref<80xi32, #tpu.memory_space<vmem>>
        %dma_wait3A_231 = arith.constant 0 : i32
        %dma_wait3A_232 = arith.constant 0 : i32
        %dma_wait3A_233 = tpu.memref_slice %arg9[%dma_wait3A_231, %dma_wait3A_232] : memref<10240x128xf32, #tpu.memory_space<vmem_shared>> -> memref<10240x128xf32, #tpu.memory_space<vmem_shared>>
        tpu.wait_indirect_dma semaphore(%run_scoped3A_225 : memref<!tpu.dma_semaphore, #tpu.memory_space<semaphore_mem>>) src(%arg8 : memref<80x128xf32, #tpu.memory_space<vmem>>) dst(%dma_wait3A_233 : memref<10240x128xf32, #tpu.memory_space<vmem_shared>>)
        tpu.yield
      }) : () -> ()
      %add3A_218 = arith.constant 3 : i32
      %add3A_219 = arith.addi %mul3A_193, %add3A_218 : i32
      %lt3A_220 = arith.constant 125 : i32
      %lt3A_221 = arith.cmpi slt, %add3A_219, %lt3A_220 : i32
      %convert_element_type3A_222 = arith.extui %lt3A_221 : i1 to i32
      %cond3A_223 = arith.constant 0 : i32
      %cond3A_224 = arith.cmpi ne, %convert_element_type3A_222, %cond3A_223 : i32
      scf.if %cond3A_224 {
        %add3A_225 = arith.constant 3 : i32
        %add3A_226 = arith.addi %mul3A_193, %add3A_225 : i32
        %mul3A_227 = arith.constant 80 : i32
        %mul3A_228 = arith.muli %add3A_226, %mul3A_227 : i32
        %dma_start3A_229 = tpu.memref_slice %arg5[%mul3A_228] : memref<10000xi32, #tpu.memory_space<vmem>> -> memref<80xi32, #tpu.memory_space<vmem>>
        %dma_start3A_230 = arith.constant 0 : i32
        %dma_start3A_231 = arith.constant 0 : i32
        %dma_start3A_232 = tpu.memref_slice %arg3[%dma_start3A_230, %dma_start3A_231] : memref<10000x128xf32, #tpu.memory_space<hbm>> -> memref<10000x128xf32, #tpu.memory_space<hbm>>
        tpu.enqueue_indirect_dma source(%dma_start3A_232 : memref<10000x128xf32, #tpu.memory_space<hbm>>) target(%arg8 : memref<80x128xf32, #tpu.memory_space<vmem>>) offsets(%dma_start3A_229 : memref<80xi32, #tpu.memory_space<vmem>>) semaphore(%arg11 : memref<!tpu.dma_semaphore, #tpu.memory_space<semaphore_mem>>)
      } else {
      }
    }
    %scan3A_152 = arith.constant 62 : i32
    %dma_wait3A_153 = arith.constant 9920 : i32
    %dma_wait3A_154 = tpu.memref_slice %arg5[%dma_wait3A_153] : memref<10000xi32, #tpu.memory_space<vmem>> -> memref<80xi32, #tpu.memory_space<vmem>>
    %dma_wait3A_155 = arith.constant 0 : i32
    %dma_wait3A_156 = arith.constant 0 : i32
    %dma_wait3A_157 = tpu.memref_slice %arg3[%dma_wait3A_155, %dma_wait3A_156] : memref<10000x128xf32, #tpu.memory_space<hbm>> -> memref<10000x128xf32, #tpu.memory_space<hbm>>
    tpu.wait_indirect_dma semaphore(%arg10 : memref<!tpu.dma_semaphore, #tpu.memory_space<semaphore_mem>>) src(%dma_wait3A_157 : memref<10000x128xf32, #tpu.memory_space<hbm>>) dst(%arg7 : memref<80x128xf32, #tpu.memory_space<vmem>>)
    "tpu.region"() ({
      %run_scoped3A_191 = tpu.sem_alloc : memref<!tpu.dma_semaphore, #tpu.memory_space<semaphore_mem>>
      %dma_start3A_192 = arith.constant 9920 : i32
      %dma_start3A_193 = tpu.memref_slice %arg6[%dma_start3A_192] : memref<10000xi32, #tpu.memory_space<vmem>> -> memref<80xi32, #tpu.memory_space<vmem>>
      %dma_start3A_194 = arith.constant 0 : i32
      %dma_start3A_195 = arith.constant 0 : i32
      %dma_start3A_196 = tpu.memref_slice %arg9[%dma_start3A_194, %dma_start3A_195] : memref<10240x128xf32, #tpu.memory_space<vmem_shared>> -> memref<10240x128xf32, #tpu.memory_space<vmem_shared>>
      tpu.enqueue_indirect_dma source(%arg7 : memref<80x128xf32, #tpu.memory_space<vmem>>) target(%dma_start3A_196 : memref<10240x128xf32, #tpu.memory_space<vmem_shared>>) offsets(%dma_start3A_193 : memref<80xi32, #tpu.memory_space<vmem>>) semaphore(%run_scoped3A_191 : memref<!tpu.dma_semaphore, #tpu.memory_space<semaphore_mem>>) {add = true}
      %dma_wait3A_197 = arith.constant 9920 : i32
      %dma_wait3A_198 = tpu.memref_slice %arg6[%dma_wait3A_197] : memref<10000xi32, #tpu.memory_space<vmem>> -> memref<80xi32, #tpu.memory_space<vmem>>
      %dma_wait3A_199 = arith.constant 0 : i32
      %dma_wait3A_200 = arith.constant 0 : i32
      %dma_wait3A_201 = tpu.memref_slice %arg9[%dma_wait3A_199, %dma_wait3A_200] : memref<10240x128xf32, #tpu.memory_space<vmem_shared>> -> memref<10240x128xf32, #tpu.memory_space<vmem_shared>>
      tpu.wait_indirect_dma semaphore(%run_scoped3A_191 : memref<!tpu.dma_semaphore, #tpu.memory_space<semaphore_mem>>) src(%arg7 : memref<80x128xf32, #tpu.memory_space<vmem>>) dst(%dma_wait3A_201 : memref<10240x128xf32, #tpu.memory_space<vmem_shared>>)
      tpu.yield
    }) : () -> ()
    %barrier3A_158 = arith.constant 0 : index
    tpu.barrier barrier_id(%barrier3A_158)
    %mul3A_159 = arith.constant 640 : i32
    %mul3A_160 = arith.muli %arg1, %mul3A_159 : i32
    %add3A_161 = arith.constant 0 : i32
    %add3A_162 = arith.addi %mul3A_160, %add3A_161 : i32
    %mul3A_163 = arith.constant 640 : i32
    %mul3A_164 = arith.muli %arg1, %mul3A_163 : i32
    %add3A_165 = arith.constant 80 : i32
    %add3A_166 = arith.addi %mul3A_164, %add3A_165 : i32
    %mul3A_167 = arith.constant 640 : i32
    %mul3A_168 = arith.muli %arg1, %mul3A_167 : i32
    %add3A_169 = arith.constant 160 : i32
    %add3A_170 = arith.addi %mul3A_168, %add3A_169 : i32
    %mul3A_171 = arith.constant 640 : i32
    %mul3A_172 = arith.muli %arg1, %mul3A_171 : i32
    %add3A_173 = arith.constant 240 : i32
    %add3A_174 = arith.addi %mul3A_172, %add3A_173 : i32
    %mul3A_175 = arith.constant 640 : i32
    %mul3A_176 = arith.muli %arg1, %mul3A_175 : i32
    %add3A_177 = arith.constant 320 : i32
    %add3A_178 = arith.addi %mul3A_176, %add3A_177 : i32
    %mul3A_179 = arith.constant 640 : i32
    %mul3A_180 = arith.muli %arg1, %mul3A_179 : i32
    %add3A_181 = arith.constant 400 : i32
    %add3A_182 = arith.addi %mul3A_180, %add3A_181 : i32
    %mul3A_183 = arith.constant 640 : i32
    %mul3A_184 = arith.muli %arg1, %mul3A_183 : i32
    %add3A_185 = arith.constant 480 : i32
    %add3A_186 = arith.addi %mul3A_184, %add3A_185 : i32
    %mul3A_187 = arith.constant 640 : i32
    %mul3A_188 = arith.muli %arg1, %mul3A_187 : i32
    %add3A_189 = arith.constant 560 : i32
    %add3A_190 = arith.addi %mul3A_188, %add3A_189 : i32
    "tpu.region"() ({
      %run_scoped3A_191 = tpu.sem_alloc : memref<!tpu.dma_semaphore, #tpu.memory_space<semaphore_mem>>
      %dma_start3A_192 = arith.constant 0 : i32
      %dma_start3A_193 = tpu.memref_slice %arg9[%add3A_162, %dma_start3A_192] : memref<10240x128xf32, #tpu.memory_space<vmem_shared>> -> memref<80x128xf32, #tpu.memory_space<vmem_shared>>
      %dma_start3A_194 = arith.constant 0 : i32
      %dma_start3A_195 = tpu.memref_slice %arg9[%add3A_162, %dma_start3A_194] : memref<10240x128xf32, #tpu.memory_space<vmem_shared>> -> memref<80x128xf32, #tpu.memory_space<vmem_shared>>
      tpu.enqueue_dma source(%dma_start3A_195 : memref<80x128xf32, #tpu.memory_space<vmem_shared>>) target(%arg7 : memref<80x128xf32, #tpu.memory_space<vmem>>) target_semaphore(%run_scoped3A_191 : memref<!tpu.dma_semaphore, #tpu.memory_space<semaphore_mem>>)
      %dma_wait3A_196 = arith.constant 0 : i32
      %dma_wait3A_197 = tpu.memref_slice %arg9[%add3A_162, %dma_wait3A_196] : memref<10240x128xf32, #tpu.memory_space<vmem_shared>> -> memref<80x128xf32, #tpu.memory_space<vmem_shared>>
      %dma_wait3A_198 = arith.constant 0 : i32
      %dma_wait3A_199 = tpu.memref_slice %arg9[%add3A_162, %dma_wait3A_198] : memref<10240x128xf32, #tpu.memory_space<vmem_shared>> -> memref<80x128xf32, #tpu.memory_space<vmem_shared>>
      tpu.wait_dma2 semaphore(%run_scoped3A_191 : memref<!tpu.dma_semaphore, #tpu.memory_space<semaphore_mem>>) src(%dma_wait3A_199 : memref<80x128xf32, #tpu.memory_space<vmem_shared>>) dst(%arg7 : memref<80x128xf32, #tpu.memory_space<vmem>>)
      tpu.yield
    }) : () -> ()
    "tpu.region"() ({
      %run_scoped3A_191 = tpu.sem_alloc : memref<!tpu.dma_semaphore, #tpu.memory_space<semaphore_mem>>
      %dma_start3A_192 = arith.constant 0 : i32
      %dma_start3A_193 = tpu.memref_slice %arg4[%arg0, %add3A_162, %dma_start3A_192] : memref<2x10240x128xf32, #tpu.memory_space<hbm>> -> memref<1x80x128xf32, #tpu.memory_space<hbm>>
      %dma_start3A_194 = tpu.memref_squeeze %dma_start3A_193 : memref<1x80x128xf32, #tpu.memory_space<hbm>> -> memref<80x128xf32, #tpu.memory_space<hbm>>
      %dma_start3A_195 = arith.constant 0 : i32
      %dma_start3A_196 = tpu.memref_slice %arg4[%arg0, %add3A_162, %dma_start3A_195] : memref<2x10240x128xf32, #tpu.memory_space<hbm>> -> memref<1x80x128xf32, #tpu.memory_space<hbm>>
      %dma_start3A_197 = tpu.memref_squeeze %dma_start3A_196 : memref<1x80x128xf32, #tpu.memory_space<hbm>> -> memref<80x128xf32, #tpu.memory_space<hbm>>
      tpu.enqueue_dma source(%arg7 : memref<80x128xf32, #tpu.memory_space<vmem>>) target(%dma_start3A_197 : memref<80x128xf32, #tpu.memory_space<hbm>>) target_semaphore(%run_scoped3A_191 : memref<!tpu.dma_semaphore, #tpu.memory_space<semaphore_mem>>)
      %dma_wait3A_198 = arith.constant 0 : i32
      %dma_wait3A_199 = tpu.memref_slice %arg4[%arg0, %add3A_162, %dma_wait3A_198] : memref<2x10240x128xf32, #tpu.memory_space<hbm>> -> memref<1x80x128xf32, #tpu.memory_space<hbm>>
      %dma_wait3A_200 = tpu.memref_squeeze %dma_wait3A_199 : memref<1x80x128xf32, #tpu.memory_space<hbm>> -> memref<80x128xf32, #tpu.memory_space<hbm>>
      %dma_wait3A_201 = arith.constant 0 : i32
      %dma_wait3A_202 = tpu.memref_slice %arg4[%arg0, %add3A_162, %dma_wait3A_201] : memref<2x10240x128xf32, #tpu.memory_space<hbm>> -> memref<1x80x128xf32, #tpu.memory_space<hbm>>
      %dma_wait3A_203 = tpu.memref_squeeze %dma_wait3A_202 : memref<1x80x128xf32, #tpu.memory_space<hbm>> -> memref<80x128xf32, #tpu.memory_space<hbm>>
      tpu.wait_dma2 semaphore(%run_scoped3A_191 : memref<!tpu.dma_semaphore, #tpu.memory_space<semaphore_mem>>) src(%arg7 : memref<80x128xf32, #tpu.memory_space<vmem>>) dst(%dma_wait3A_203 : memref<80x128xf32, #tpu.memory_space<hbm>>)
      tpu.yield
    }) : () -> ()
    "tpu.region"() ({
      %run_scoped3A_191 = tpu.sem_alloc : memref<!tpu.dma_semaphore, #tpu.memory_space<semaphore_mem>>
      %dma_start3A_192 = arith.constant 0 : i32
      %dma_start3A_193 = tpu.memref_slice %arg9[%add3A_166, %dma_start3A_192] : memref<10240x128xf32, #tpu.memory_space<vmem_shared>> -> memref<80x128xf32, #tpu.memory_space<vmem_shared>>
      %dma_start3A_194 = arith.constant 0 : i32
      %dma_start3A_195 = tpu.memref_slice %arg9[%add3A_166, %dma_start3A_194] : memref<10240x128xf32, #tpu.memory_space<vmem_shared>> -> memref<80x128xf32, #tpu.memory_space<vmem_shared>>
      tpu.enqueue_dma source(%dma_start3A_195 : memref<80x128xf32, #tpu.memory_space<vmem_shared>>) target(%arg8 : memref<80x128xf32, #tpu.memory_space<vmem>>) target_semaphore(%run_scoped3A_191 : memref<!tpu.dma_semaphore, #tpu.memory_space<semaphore_mem>>)
      %dma_wait3A_196 = arith.constant 0 : i32
      %dma_wait3A_197 = tpu.memref_slice %arg9[%add3A_166, %dma_wait3A_196] : memref<10240x128xf32, #tpu.memory_space<vmem_shared>> -> memref<80x128xf32, #tpu.memory_space<vmem_shared>>
      %dma_wait3A_198 = arith.constant 0 : i32
      %dma_wait3A_199 = tpu.memref_slice %arg9[%add3A_166, %dma_wait3A_198] : memref<10240x128xf32, #tpu.memory_space<vmem_shared>> -> memref<80x128xf32, #tpu.memory_space<vmem_shared>>
      tpu.wait_dma2 semaphore(%run_scoped3A_191 : memref<!tpu.dma_semaphore, #tpu.memory_space<semaphore_mem>>) src(%dma_wait3A_199 : memref<80x128xf32, #tpu.memory_space<vmem_shared>>) dst(%arg8 : memref<80x128xf32, #tpu.memory_space<vmem>>)
      tpu.yield
    }) : () -> ()
    "tpu.region"() ({
      %run_scoped3A_191 = tpu.sem_alloc : memref<!tpu.dma_semaphore, #tpu.memory_space<semaphore_mem>>
      %dma_start3A_192 = arith.constant 0 : i32
      %dma_start3A_193 = tpu.memref_slice %arg4[%arg0, %add3A_166, %dma_start3A_192] : memref<2x10240x128xf32, #tpu.memory_space<hbm>> -> memref<1x80x128xf32, #tpu.memory_space<hbm>>
      %dma_start3A_194 = tpu.memref_squeeze %dma_start3A_193 : memref<1x80x128xf32, #tpu.memory_space<hbm>> -> memref<80x128xf32, #tpu.memory_space<hbm>>
      %dma_start3A_195 = arith.constant 0 : i32
      %dma_start3A_196 = tpu.memref_slice %arg4[%arg0, %add3A_166, %dma_start3A_195] : memref<2x10240x128xf32, #tpu.memory_space<hbm>> -> memref<1x80x128xf32, #tpu.memory_space<hbm>>
      %dma_start3A_197 = tpu.memref_squeeze %dma_start3A_196 : memref<1x80x128xf32, #tpu.memory_space<hbm>> -> memref<80x128xf32, #tpu.memory_space<hbm>>
      tpu.enqueue_dma source(%arg8 : memref<80x128xf32, #tpu.memory_space<vmem>>) target(%dma_start3A_197 : memref<80x128xf32, #tpu.memory_space<hbm>>) target_semaphore(%run_scoped3A_191 : memref<!tpu.dma_semaphore, #tpu.memory_space<semaphore_mem>>)
      %dma_wait3A_198 = arith.constant 0 : i32
      %dma_wait3A_199 = tpu.memref_slice %arg4[%arg0, %add3A_166, %dma_wait3A_198] : memref<2x10240x128xf32, #tpu.memory_space<hbm>> -> memref<1x80x128xf32, #tpu.memory_space<hbm>>
      %dma_wait3A_200 = tpu.memref_squeeze %dma_wait3A_199 : memref<1x80x128xf32, #tpu.memory_space<hbm>> -> memref<80x128xf32, #tpu.memory_space<hbm>>
      %dma_wait3A_201 = arith.constant 0 : i32
      %dma_wait3A_202 = tpu.memref_slice %arg4[%arg0, %add3A_166, %dma_wait3A_201] : memref<2x10240x128xf32, #tpu.memory_space<hbm>> -> memref<1x80x128xf32, #tpu.memory_space<hbm>>
      %dma_wait3A_203 = tpu.memref_squeeze %dma_wait3A_202 : memref<1x80x128xf32, #tpu.memory_space<hbm>> -> memref<80x128xf32, #tpu.memory_space<hbm>>
      tpu.wait_dma2 semaphore(%run_scoped3A_191 : memref<!tpu.dma_semaphore, #tpu.memory_space<semaphore_mem>>) src(%arg8 : memref<80x128xf32, #tpu.memory_space<vmem>>) dst(%dma_wait3A_203 : memref<80x128xf32, #tpu.memory_space<hbm>>)
      tpu.yield
    }) : () -> ()
    "tpu.region"() ({
      %run_scoped3A_191 = tpu.sem_alloc : memref<!tpu.dma_semaphore, #tpu.memory_space<semaphore_mem>>
      %dma_start3A_192 = arith.constant 0 : i32
      %dma_start3A_193 = tpu.memref_slice %arg9[%add3A_170, %dma_start3A_192] : memref<10240x128xf32, #tpu.memory_space<vmem_shared>> -> memref<80x128xf32, #tpu.memory_space<vmem_shared>>
      %dma_start3A_194 = arith.constant 0 : i32
      %dma_start3A_195 = tpu.memref_slice %arg9[%add3A_170, %dma_start3A_194] : memref<10240x128xf32, #tpu.memory_space<vmem_shared>> -> memref<80x128xf32, #tpu.memory_space<vmem_shared>>
      tpu.enqueue_dma source(%dma_start3A_195 : memref<80x128xf32, #tpu.memory_space<vmem_shared>>) target(%arg7 : memref<80x128xf32, #tpu.memory_space<vmem>>) target_semaphore(%run_scoped3A_191 : memref<!tpu.dma_semaphore, #tpu.memory_space<semaphore_mem>>)
      %dma_wait3A_196 = arith.constant 0 : i32
      %dma_wait3A_197 = tpu.memref_slice %arg9[%add3A_170, %dma_wait3A_196] : memref<10240x128xf32, #tpu.memory_space<vmem_shared>> -> memref<80x128xf32, #tpu.memory_space<vmem_shared>>
      %dma_wait3A_198 = arith.constant 0 : i32
      %dma_wait3A_199 = tpu.memref_slice %arg9[%add3A_170, %dma_wait3A_198] : memref<10240x128xf32, #tpu.memory_space<vmem_shared>> -> memref<80x128xf32, #tpu.memory_space<vmem_shared>>
      tpu.wait_dma2 semaphore(%run_scoped3A_191 : memref<!tpu.dma_semaphore, #tpu.memory_space<semaphore_mem>>) src(%dma_wait3A_199 : memref<80x128xf32, #tpu.memory_space<vmem_shared>>) dst(%arg7 : memref<80x128xf32, #tpu.memory_space<vmem>>)
      tpu.yield
    }) : () -> ()
    "tpu.region"() ({
      %run_scoped3A_191 = tpu.sem_alloc : memref<!tpu.dma_semaphore, #tpu.memory_space<semaphore_mem>>
      %dma_start3A_192 = arith.constant 0 : i32
      %dma_start3A_193 = tpu.memref_slice %arg4[%arg0, %add3A_170, %dma_start3A_192] : memref<2x10240x128xf32, #tpu.memory_space<hbm>> -> memref<1x80x128xf32, #tpu.memory_space<hbm>>
      %dma_start3A_194 = tpu.memref_squeeze %dma_start3A_193 : memref<1x80x128xf32, #tpu.memory_space<hbm>> -> memref<80x128xf32, #tpu.memory_space<hbm>>
      %dma_start3A_195 = arith.constant 0 : i32
      %dma_start3A_196 = tpu.memref_slice %arg4[%arg0, %add3A_170, %dma_start3A_195] : memref<2x10240x128xf32, #tpu.memory_space<hbm>> -> memref<1x80x128xf32, #tpu.memory_space<hbm>>
      %dma_start3A_197 = tpu.memref_squeeze %dma_start3A_196 : memref<1x80x128xf32, #tpu.memory_space<hbm>> -> memref<80x128xf32, #tpu.memory_space<hbm>>
      tpu.enqueue_dma source(%arg7 : memref<80x128xf32, #tpu.memory_space<vmem>>) target(%dma_start3A_197 : memref<80x128xf32, #tpu.memory_space<hbm>>) target_semaphore(%run_scoped3A_191 : memref<!tpu.dma_semaphore, #tpu.memory_space<semaphore_mem>>)
      %dma_wait3A_198 = arith.constant 0 : i32
      %dma_wait3A_199 = tpu.memref_slice %arg4[%arg0, %add3A_170, %dma_wait3A_198] : memref<2x10240x128xf32, #tpu.memory_space<hbm>> -> memref<1x80x128xf32, #tpu.memory_space<hbm>>
      %dma_wait3A_200 = tpu.memref_squeeze %dma_wait3A_199 : memref<1x80x128xf32, #tpu.memory_space<hbm>> -> memref<80x128xf32, #tpu.memory_space<hbm>>
      %dma_wait3A_201 = arith.constant 0 : i32
      %dma_wait3A_202 = tpu.memref_slice %arg4[%arg0, %add3A_170, %dma_wait3A_201] : memref<2x10240x128xf32, #tpu.memory_space<hbm>> -> memref<1x80x128xf32, #tpu.memory_space<hbm>>
      %dma_wait3A_203 = tpu.memref_squeeze %dma_wait3A_202 : memref<1x80x128xf32, #tpu.memory_space<hbm>> -> memref<80x128xf32, #tpu.memory_space<hbm>>
      tpu.wait_dma2 semaphore(%run_scoped3A_191 : memref<!tpu.dma_semaphore, #tpu.memory_space<semaphore_mem>>) src(%arg7 : memref<80x128xf32, #tpu.memory_space<vmem>>) dst(%dma_wait3A_203 : memref<80x128xf32, #tpu.memory_space<hbm>>)
      tpu.yield
    }) : () -> ()
    "tpu.region"() ({
      %run_scoped3A_191 = tpu.sem_alloc : memref<!tpu.dma_semaphore, #tpu.memory_space<semaphore_mem>>
      %dma_start3A_192 = arith.constant 0 : i32
      %dma_start3A_193 = tpu.memref_slice %arg9[%add3A_174, %dma_start3A_192] : memref<10240x128xf32, #tpu.memory_space<vmem_shared>> -> memref<80x128xf32, #tpu.memory_space<vmem_shared>>
      %dma_start3A_194 = arith.constant 0 : i32
      %dma_start3A_195 = tpu.memref_slice %arg9[%add3A_174, %dma_start3A_194] : memref<10240x128xf32, #tpu.memory_space<vmem_shared>> -> memref<80x128xf32, #tpu.memory_space<vmem_shared>>
      tpu.enqueue_dma source(%dma_start3A_195 : memref<80x128xf32, #tpu.memory_space<vmem_shared>>) target(%arg8 : memref<80x128xf32, #tpu.memory_space<vmem>>) target_semaphore(%run_scoped3A_191 : memref<!tpu.dma_semaphore, #tpu.memory_space<semaphore_mem>>)
      %dma_wait3A_196 = arith.constant 0 : i32
      %dma_wait3A_197 = tpu.memref_slice %arg9[%add3A_174, %dma_wait3A_196] : memref<10240x128xf32, #tpu.memory_space<vmem_shared>> -> memref<80x128xf32, #tpu.memory_space<vmem_shared>>
      %dma_wait3A_198 = arith.constant 0 : i32
      %dma_wait3A_199 = tpu.memref_slice %arg9[%add3A_174, %dma_wait3A_198] : memref<10240x128xf32, #tpu.memory_space<vmem_shared>> -> memref<80x128xf32, #tpu.memory_space<vmem_shared>>
      tpu.wait_dma2 semaphore(%run_scoped3A_191 : memref<!tpu.dma_semaphore, #tpu.memory_space<semaphore_mem>>) src(%dma_wait3A_199 : memref<80x128xf32, #tpu.memory_space<vmem_shared>>) dst(%arg8 : memref<80x128xf32, #tpu.memory_space<vmem>>)
      tpu.yield
    }) : () -> ()
    "tpu.region"() ({
      %run_scoped3A_191 = tpu.sem_alloc : memref<!tpu.dma_semaphore, #tpu.memory_space<semaphore_mem>>
      %dma_start3A_192 = arith.constant 0 : i32
      %dma_start3A_193 = tpu.memref_slice %arg4[%arg0, %add3A_174, %dma_start3A_192] : memref<2x10240x128xf32, #tpu.memory_space<hbm>> -> memref<1x80x128xf32, #tpu.memory_space<hbm>>
      %dma_start3A_194 = tpu.memref_squeeze %dma_start3A_193 : memref<1x80x128xf32, #tpu.memory_space<hbm>> -> memref<80x128xf32, #tpu.memory_space<hbm>>
      %dma_start3A_195 = arith.constant 0 : i32
      %dma_start3A_196 = tpu.memref_slice %arg4[%arg0, %add3A_174, %dma_start3A_195] : memref<2x10240x128xf32, #tpu.memory_space<hbm>> -> memref<1x80x128xf32, #tpu.memory_space<hbm>>
      %dma_start3A_197 = tpu.memref_squeeze %dma_start3A_196 : memref<1x80x128xf32, #tpu.memory_space<hbm>> -> memref<80x128xf32, #tpu.memory_space<hbm>>
      tpu.enqueue_dma source(%arg8 : memref<80x128xf32, #tpu.memory_space<vmem>>) target(%dma_start3A_197 : memref<80x128xf32, #tpu.memory_space<hbm>>) target_semaphore(%run_scoped3A_191 : memref<!tpu.dma_semaphore, #tpu.memory_space<semaphore_mem>>)
      %dma_wait3A_198 = arith.constant 0 : i32
      %dma_wait3A_199 = tpu.memref_slice %arg4[%arg0, %add3A_174, %dma_wait3A_198] : memref<2x10240x128xf32, #tpu.memory_space<hbm>> -> memref<1x80x128xf32, #tpu.memory_space<hbm>>
      %dma_wait3A_200 = tpu.memref_squeeze %dma_wait3A_199 : memref<1x80x128xf32, #tpu.memory_space<hbm>> -> memref<80x128xf32, #tpu.memory_space<hbm>>
      %dma_wait3A_201 = arith.constant 0 : i32
      %dma_wait3A_202 = tpu.memref_slice %arg4[%arg0, %add3A_174, %dma_wait3A_201] : memref<2x10240x128xf32, #tpu.memory_space<hbm>> -> memref<1x80x128xf32, #tpu.memory_space<hbm>>
      %dma_wait3A_203 = tpu.memref_squeeze %dma_wait3A_202 : memref<1x80x128xf32, #tpu.memory_space<hbm>> -> memref<80x128xf32, #tpu.memory_space<hbm>>
      tpu.wait_dma2 semaphore(%run_scoped3A_191 : memref<!tpu.dma_semaphore, #tpu.memory_space<semaphore_mem>>) src(%arg8 : memref<80x128xf32, #tpu.memory_space<vmem>>) dst(%dma_wait3A_203 : memref<80x128xf32, #tpu.memory_space<hbm>>)
      tpu.yield
    }) : () -> ()
    "tpu.region"() ({
      %run_scoped3A_191 = tpu.sem_alloc : memref<!tpu.dma_semaphore, #tpu.memory_space<semaphore_mem>>
      %dma_start3A_192 = arith.constant 0 : i32
      %dma_start3A_193 = tpu.memref_slice %arg9[%add3A_178, %dma_start3A_192] : memref<10240x128xf32, #tpu.memory_space<vmem_shared>> -> memref<80x128xf32, #tpu.memory_space<vmem_shared>>
      %dma_start3A_194 = arith.constant 0 : i32
      %dma_start3A_195 = tpu.memref_slice %arg9[%add3A_178, %dma_start3A_194] : memref<10240x128xf32, #tpu.memory_space<vmem_shared>> -> memref<80x128xf32, #tpu.memory_space<vmem_shared>>
      tpu.enqueue_dma source(%dma_start3A_195 : memref<80x128xf32, #tpu.memory_space<vmem_shared>>) target(%arg7 : memref<80x128xf32, #tpu.memory_space<vmem>>) target_semaphore(%run_scoped3A_191 : memref<!tpu.dma_semaphore, #tpu.memory_space<semaphore_mem>>)
      %dma_wait3A_196 = arith.constant 0 : i32
      %dma_wait3A_197 = tpu.memref_slice %arg9[%add3A_178, %dma_wait3A_196] : memref<10240x128xf32, #tpu.memory_space<vmem_shared>> -> memref<80x128xf32, #tpu.memory_space<vmem_shared>>
      %dma_wait3A_198 = arith.constant 0 : i32
      %dma_wait3A_199 = tpu.memref_slice %arg9[%add3A_178, %dma_wait3A_198] : memref<10240x128xf32, #tpu.memory_space<vmem_shared>> -> memref<80x128xf32, #tpu.memory_space<vmem_shared>>
      tpu.wait_dma2 semaphore(%run_scoped3A_191 : memref<!tpu.dma_semaphore, #tpu.memory_space<semaphore_mem>>) src(%dma_wait3A_199 : memref<80x128xf32, #tpu.memory_space<vmem_shared>>) dst(%arg7 : memref<80x128xf32, #tpu.memory_space<vmem>>)
      tpu.yield
    }) : () -> ()
    "tpu.region"() ({
      %run_scoped3A_191 = tpu.sem_alloc : memref<!tpu.dma_semaphore, #tpu.memory_space<semaphore_mem>>
      %dma_start3A_192 = arith.constant 0 : i32
      %dma_start3A_193 = tpu.memref_slice %arg4[%arg0, %add3A_178, %dma_start3A_192] : memref<2x10240x128xf32, #tpu.memory_space<hbm>> -> memref<1x80x128xf32, #tpu.memory_space<hbm>>
      %dma_start3A_194 = tpu.memref_squeeze %dma_start3A_193 : memref<1x80x128xf32, #tpu.memory_space<hbm>> -> memref<80x128xf32, #tpu.memory_space<hbm>>
      %dma_start3A_195 = arith.constant 0 : i32
      %dma_start3A_196 = tpu.memref_slice %arg4[%arg0, %add3A_178, %dma_start3A_195] : memref<2x10240x128xf32, #tpu.memory_space<hbm>> -> memref<1x80x128xf32, #tpu.memory_space<hbm>>
      %dma_start3A_197 = tpu.memref_squeeze %dma_start3A_196 : memref<1x80x128xf32, #tpu.memory_space<hbm>> -> memref<80x128xf32, #tpu.memory_space<hbm>>
      tpu.enqueue_dma source(%arg7 : memref<80x128xf32, #tpu.memory_space<vmem>>) target(%dma_start3A_197 : memref<80x128xf32, #tpu.memory_space<hbm>>) target_semaphore(%run_scoped3A_191 : memref<!tpu.dma_semaphore, #tpu.memory_space<semaphore_mem>>)
      %dma_wait3A_198 = arith.constant 0 : i32
      %dma_wait3A_199 = tpu.memref_slice %arg4[%arg0, %add3A_178, %dma_wait3A_198] : memref<2x10240x128xf32, #tpu.memory_space<hbm>> -> memref<1x80x128xf32, #tpu.memory_space<hbm>>
      %dma_wait3A_200 = tpu.memref_squeeze %dma_wait3A_199 : memref<1x80x128xf32, #tpu.memory_space<hbm>> -> memref<80x128xf32, #tpu.memory_space<hbm>>
      %dma_wait3A_201 = arith.constant 0 : i32
      %dma_wait3A_202 = tpu.memref_slice %arg4[%arg0, %add3A_178, %dma_wait3A_201] : memref<2x10240x128xf32, #tpu.memory_space<hbm>> -> memref<1x80x128xf32, #tpu.memory_space<hbm>>
      %dma_wait3A_203 = tpu.memref_squeeze %dma_wait3A_202 : memref<1x80x128xf32, #tpu.memory_space<hbm>> -> memref<80x128xf32, #tpu.memory_space<hbm>>
      tpu.wait_dma2 semaphore(%run_scoped3A_191 : memref<!tpu.dma_semaphore, #tpu.memory_space<semaphore_mem>>) src(%arg7 : memref<80x128xf32, #tpu.memory_space<vmem>>) dst(%dma_wait3A_203 : memref<80x128xf32, #tpu.memory_space<hbm>>)
      tpu.yield
    }) : () -> ()
    "tpu.region"() ({
      %run_scoped3A_191 = tpu.sem_alloc : memref<!tpu.dma_semaphore, #tpu.memory_space<semaphore_mem>>
      %dma_start3A_192 = arith.constant 0 : i32
      %dma_start3A_193 = tpu.memref_slice %arg9[%add3A_182, %dma_start3A_192] : memref<10240x128xf32, #tpu.memory_space<vmem_shared>> -> memref<80x128xf32, #tpu.memory_space<vmem_shared>>
      %dma_start3A_194 = arith.constant 0 : i32
      %dma_start3A_195 = tpu.memref_slice %arg9[%add3A_182, %dma_start3A_194] : memref<10240x128xf32, #tpu.memory_space<vmem_shared>> -> memref<80x128xf32, #tpu.memory_space<vmem_shared>>
      tpu.enqueue_dma source(%dma_start3A_195 : memref<80x128xf32, #tpu.memory_space<vmem_shared>>) target(%arg8 : memref<80x128xf32, #tpu.memory_space<vmem>>) target_semaphore(%run_scoped3A_191 : memref<!tpu.dma_semaphore, #tpu.memory_space<semaphore_mem>>)
      %dma_wait3A_196 = arith.constant 0 : i32
      %dma_wait3A_197 = tpu.memref_slice %arg9[%add3A_182, %dma_wait3A_196] : memref<10240x128xf32, #tpu.memory_space<vmem_shared>> -> memref<80x128xf32, #tpu.memory_space<vmem_shared>>
      %dma_wait3A_198 = arith.constant 0 : i32
      %dma_wait3A_199 = tpu.memref_slice %arg9[%add3A_182, %dma_wait3A_198] : memref<10240x128xf32, #tpu.memory_space<vmem_shared>> -> memref<80x128xf32, #tpu.memory_space<vmem_shared>>
      tpu.wait_dma2 semaphore(%run_scoped3A_191 : memref<!tpu.dma_semaphore, #tpu.memory_space<semaphore_mem>>) src(%dma_wait3A_199 : memref<80x128xf32, #tpu.memory_space<vmem_shared>>) dst(%arg8 : memref<80x128xf32, #tpu.memory_space<vmem>>)
      tpu.yield
    }) : () -> ()
    "tpu.region"() ({
      %run_scoped3A_191 = tpu.sem_alloc : memref<!tpu.dma_semaphore, #tpu.memory_space<semaphore_mem>>
      %dma_start3A_192 = arith.constant 0 : i32
      %dma_start3A_193 = tpu.memref_slice %arg4[%arg0, %add3A_182, %dma_start3A_192] : memref<2x10240x128xf32, #tpu.memory_space<hbm>> -> memref<1x80x128xf32, #tpu.memory_space<hbm>>
      %dma_start3A_194 = tpu.memref_squeeze %dma_start3A_193 : memref<1x80x128xf32, #tpu.memory_space<hbm>> -> memref<80x128xf32, #tpu.memory_space<hbm>>
      %dma_start3A_195 = arith.constant 0 : i32
      %dma_start3A_196 = tpu.memref_slice %arg4[%arg0, %add3A_182, %dma_start3A_195] : memref<2x10240x128xf32, #tpu.memory_space<hbm>> -> memref<1x80x128xf32, #tpu.memory_space<hbm>>
      %dma_start3A_197 = tpu.memref_squeeze %dma_start3A_196 : memref<1x80x128xf32, #tpu.memory_space<hbm>> -> memref<80x128xf32, #tpu.memory_space<hbm>>
      tpu.enqueue_dma source(%arg8 : memref<80x128xf32, #tpu.memory_space<vmem>>) target(%dma_start3A_197 : memref<80x128xf32, #tpu.memory_space<hbm>>) target_semaphore(%run_scoped3A_191 : memref<!tpu.dma_semaphore, #tpu.memory_space<semaphore_mem>>)
      %dma_wait3A_198 = arith.constant 0 : i32
      %dma_wait3A_199 = tpu.memref_slice %arg4[%arg0, %add3A_182, %dma_wait3A_198] : memref<2x10240x128xf32, #tpu.memory_space<hbm>> -> memref<1x80x128xf32, #tpu.memory_space<hbm>>
      %dma_wait3A_200 = tpu.memref_squeeze %dma_wait3A_199 : memref<1x80x128xf32, #tpu.memory_space<hbm>> -> memref<80x128xf32, #tpu.memory_space<hbm>>
      %dma_wait3A_201 = arith.constant 0 : i32
      %dma_wait3A_202 = tpu.memref_slice %arg4[%arg0, %add3A_182, %dma_wait3A_201] : memref<2x10240x128xf32, #tpu.memory_space<hbm>> -> memref<1x80x128xf32, #tpu.memory_space<hbm>>
      %dma_wait3A_203 = tpu.memref_squeeze %dma_wait3A_202 : memref<1x80x128xf32, #tpu.memory_space<hbm>> -> memref<80x128xf32, #tpu.memory_space<hbm>>
      tpu.wait_dma2 semaphore(%run_scoped3A_191 : memref<!tpu.dma_semaphore, #tpu.memory_space<semaphore_mem>>) src(%arg8 : memref<80x128xf32, #tpu.memory_space<vmem>>) dst(%dma_wait3A_203 : memref<80x128xf32, #tpu.memory_space<hbm>>)
      tpu.yield
    }) : () -> ()
    "tpu.region"() ({
      %run_scoped3A_191 = tpu.sem_alloc : memref<!tpu.dma_semaphore, #tpu.memory_space<semaphore_mem>>
      %dma_start3A_192 = arith.constant 0 : i32
      %dma_start3A_193 = tpu.memref_slice %arg9[%add3A_186, %dma_start3A_192] : memref<10240x128xf32, #tpu.memory_space<vmem_shared>> -> memref<80x128xf32, #tpu.memory_space<vmem_shared>>
      %dma_start3A_194 = arith.constant 0 : i32
      %dma_start3A_195 = tpu.memref_slice %arg9[%add3A_186, %dma_start3A_194] : memref<10240x128xf32, #tpu.memory_space<vmem_shared>> -> memref<80x128xf32, #tpu.memory_space<vmem_shared>>
      tpu.enqueue_dma source(%dma_start3A_195 : memref<80x128xf32, #tpu.memory_space<vmem_shared>>) target(%arg7 : memref<80x128xf32, #tpu.memory_space<vmem>>) target_semaphore(%run_scoped3A_191 : memref<!tpu.dma_semaphore, #tpu.memory_space<semaphore_mem>>)
      %dma_wait3A_196 = arith.constant 0 : i32
      %dma_wait3A_197 = tpu.memref_slice %arg9[%add3A_186, %dma_wait3A_196] : memref<10240x128xf32, #tpu.memory_space<vmem_shared>> -> memref<80x128xf32, #tpu.memory_space<vmem_shared>>
      %dma_wait3A_198 = arith.constant 0 : i32
      %dma_wait3A_199 = tpu.memref_slice %arg9[%add3A_186, %dma_wait3A_198] : memref<10240x128xf32, #tpu.memory_space<vmem_shared>> -> memref<80x128xf32, #tpu.memory_space<vmem_shared>>
      tpu.wait_dma2 semaphore(%run_scoped3A_191 : memref<!tpu.dma_semaphore, #tpu.memory_space<semaphore_mem>>) src(%dma_wait3A_199 : memref<80x128xf32, #tpu.memory_space<vmem_shared>>) dst(%arg7 : memref<80x128xf32, #tpu.memory_space<vmem>>)
      tpu.yield
    }) : () -> ()
    "tpu.region"() ({
      %run_scoped3A_191 = tpu.sem_alloc : memref<!tpu.dma_semaphore, #tpu.memory_space<semaphore_mem>>
      %dma_start3A_192 = arith.constant 0 : i32
      %dma_start3A_193 = tpu.memref_slice %arg4[%arg0, %add3A_186, %dma_start3A_192] : memref<2x10240x128xf32, #tpu.memory_space<hbm>> -> memref<1x80x128xf32, #tpu.memory_space<hbm>>
      %dma_start3A_194 = tpu.memref_squeeze %dma_start3A_193 : memref<1x80x128xf32, #tpu.memory_space<hbm>> -> memref<80x128xf32, #tpu.memory_space<hbm>>
      %dma_start3A_195 = arith.constant 0 : i32
      %dma_start3A_196 = tpu.memref_slice %arg4[%arg0, %add3A_186, %dma_start3A_195] : memref<2x10240x128xf32, #tpu.memory_space<hbm>> -> memref<1x80x128xf32, #tpu.memory_space<hbm>>
      %dma_start3A_197 = tpu.memref_squeeze %dma_start3A_196 : memref<1x80x128xf32, #tpu.memory_space<hbm>> -> memref<80x128xf32, #tpu.memory_space<hbm>>
      tpu.enqueue_dma source(%arg7 : memref<80x128xf32, #tpu.memory_space<vmem>>) target(%dma_start3A_197 : memref<80x128xf32, #tpu.memory_space<hbm>>) target_semaphore(%run_scoped3A_191 : memref<!tpu.dma_semaphore, #tpu.memory_space<semaphore_mem>>)
      %dma_wait3A_198 = arith.constant 0 : i32
      %dma_wait3A_199 = tpu.memref_slice %arg4[%arg0, %add3A_186, %dma_wait3A_198] : memref<2x10240x128xf32, #tpu.memory_space<hbm>> -> memref<1x80x128xf32, #tpu.memory_space<hbm>>
      %dma_wait3A_200 = tpu.memref_squeeze %dma_wait3A_199 : memref<1x80x128xf32, #tpu.memory_space<hbm>> -> memref<80x128xf32, #tpu.memory_space<hbm>>
      %dma_wait3A_201 = arith.constant 0 : i32
      %dma_wait3A_202 = tpu.memref_slice %arg4[%arg0, %add3A_186, %dma_wait3A_201] : memref<2x10240x128xf32, #tpu.memory_space<hbm>> -> memref<1x80x128xf32, #tpu.memory_space<hbm>>
      %dma_wait3A_203 = tpu.memref_squeeze %dma_wait3A_202 : memref<1x80x128xf32, #tpu.memory_space<hbm>> -> memref<80x128xf32, #tpu.memory_space<hbm>>
      tpu.wait_dma2 semaphore(%run_scoped3A_191 : memref<!tpu.dma_semaphore, #tpu.memory_space<semaphore_mem>>) src(%arg7 : memref<80x128xf32, #tpu.memory_space<vmem>>) dst(%dma_wait3A_203 : memref<80x128xf32, #tpu.memory_space<hbm>>)
      tpu.yield
    }) : () -> ()
    "tpu.region"() ({
      %run_scoped3A_191 = tpu.sem_alloc : memref<!tpu.dma_semaphore, #tpu.memory_space<semaphore_mem>>
      %dma_start3A_192 = arith.constant 0 : i32
      %dma_start3A_193 = tpu.memref_slice %arg9[%add3A_190, %dma_start3A_192] : memref<10240x128xf32, #tpu.memory_space<vmem_shared>> -> memref<80x128xf32, #tpu.memory_space<vmem_shared>>
      %dma_start3A_194 = arith.constant 0 : i32
      %dma_start3A_195 = tpu.memref_slice %arg9[%add3A_190, %dma_start3A_194] : memref<10240x128xf32, #tpu.memory_space<vmem_shared>> -> memref<80x128xf32, #tpu.memory_space<vmem_shared>>
      tpu.enqueue_dma source(%dma_start3A_195 : memref<80x128xf32, #tpu.memory_space<vmem_shared>>) target(%arg8 : memref<80x128xf32, #tpu.memory_space<vmem>>) target_semaphore(%run_scoped3A_191 : memref<!tpu.dma_semaphore, #tpu.memory_space<semaphore_mem>>)
      %dma_wait3A_196 = arith.constant 0 : i32
      %dma_wait3A_197 = tpu.memref_slice %arg9[%add3A_190, %dma_wait3A_196] : memref<10240x128xf32, #tpu.memory_space<vmem_shared>> -> memref<80x128xf32, #tpu.memory_space<vmem_shared>>
      %dma_wait3A_198 = arith.constant 0 : i32
      %dma_wait3A_199 = tpu.memref_slice %arg9[%add3A_190, %dma_wait3A_198] : memref<10240x128xf32, #tpu.memory_space<vmem_shared>> -> memref<80x128xf32, #tpu.memory_space<vmem_shared>>
      tpu.wait_dma2 semaphore(%run_scoped3A_191 : memref<!tpu.dma_semaphore, #tpu.memory_space<semaphore_mem>>) src(%dma_wait3A_199 : memref<80x128xf32, #tpu.memory_space<vmem_shared>>) dst(%arg8 : memref<80x128xf32, #tpu.memory_space<vmem>>)
      tpu.yield
    }) : () -> ()
    "tpu.region"() ({
      %run_scoped3A_191 = tpu.sem_alloc : memref<!tpu.dma_semaphore, #tpu.memory_space<semaphore_mem>>
      %dma_start3A_192 = arith.constant 0 : i32
      %dma_start3A_193 = tpu.memref_slice %arg4[%arg0, %add3A_190, %dma_start3A_192] : memref<2x10240x128xf32, #tpu.memory_space<hbm>> -> memref<1x80x128xf32, #tpu.memory_space<hbm>>
      %dma_start3A_194 = tpu.memref_squeeze %dma_start3A_193 : memref<1x80x128xf32, #tpu.memory_space<hbm>> -> memref<80x128xf32, #tpu.memory_space<hbm>>
      %dma_start3A_195 = arith.constant 0 : i32
      %dma_start3A_196 = tpu.memref_slice %arg4[%arg0, %add3A_190, %dma_start3A_195] : memref<2x10240x128xf32, #tpu.memory_space<hbm>> -> memref<1x80x128xf32, #tpu.memory_space<hbm>>
      %dma_start3A_197 = tpu.memref_squeeze %dma_start3A_196 : memref<1x80x128xf32, #tpu.memory_space<hbm>> -> memref<80x128xf32, #tpu.memory_space<hbm>>
      tpu.enqueue_dma source(%arg8 : memref<80x128xf32, #tpu.memory_space<vmem>>) target(%dma_start3A_197 : memref<80x128xf32, #tpu.memory_space<hbm>>) target_semaphore(%run_scoped3A_191 : memref<!tpu.dma_semaphore, #tpu.memory_space<semaphore_mem>>)
      %dma_wait3A_198 = arith.constant 0 : i32
      %dma_wait3A_199 = tpu.memref_slice %arg4[%arg0, %add3A_190, %dma_wait3A_198] : memref<2x10240x128xf32, #tpu.memory_space<hbm>> -> memref<1x80x128xf32, #tpu.memory_space<hbm>>
      %dma_wait3A_200 = tpu.memref_squeeze %dma_wait3A_199 : memref<1x80x128xf32, #tpu.memory_space<hbm>> -> memref<80x128xf32, #tpu.memory_space<hbm>>
      %dma_wait3A_201 = arith.constant 0 : i32
      %dma_wait3A_202 = tpu.memref_slice %arg4[%arg0, %add3A_190, %dma_wait3A_201] : memref<2x10240x128xf32, #tpu.memory_space<hbm>> -> memref<1x80x128xf32, #tpu.memory_space<hbm>>
      %dma_wait3A_203 = tpu.memref_squeeze %dma_wait3A_202 : memref<1x80x128xf32, #tpu.memory_space<hbm>> -> memref<80x128xf32, #tpu.memory_space<hbm>>
      tpu.wait_dma2 semaphore(%run_scoped3A_191 : memref<!tpu.dma_semaphore, #tpu.memory_space<semaphore_mem>>) src(%arg8 : memref<80x128xf32, #tpu.memory_space<vmem>>) dst(%dma_wait3A_203 : memref<80x128xf32, #tpu.memory_space<hbm>>)
      tpu.yield
    }) : () -> ()
    return
  }
}

module attributes {stable_mosaic.version = 14 : i64} {
  func.func @_tc1_body(%arg0: i32, %arg1: memref<1x1x1000xf32, #tpu.memory_space<vmem>>, %arg2: memref<1x1x1000xf32, #tpu.memory_space<vmem>>, %arg3: memref<1000x128xf32, #tpu.memory_space<vmem>>, %arg4: memref<128x64xf32, #tpu.memory_space<vmem>>, %arg5: memref<1000x64xf32, #tpu.memory_space<vmem>>, %arg6: memref<1x1x1000xf32, #tpu.memory_space<vmem>>) attributes {dimension_semantics = [#tpu.dimension_semantics<arbitrary>], iteration_bounds = array<i64: 10>, scalar_prefetch = 0 : i64, scratch_operands = 0 : i64, tpu.core_type = #tpu.core_type<tc>, window_params = [{transform_indices = @transform_0, window_bounds = array<i64: 1, 1, 1000>}, {transform_indices = @transform_1, window_bounds = array<i64: 1, 1, 1000>}, {transform_indices = @transform_2, window_bounds = array<i64: 1000, 128>}, {pipeline_mode = #tpu.pipeline_mode<synchronous>, transform_indices = @transform_3, window_bounds = array<i64: 128, 64>}, {transform_indices = @transform_4, window_bounds = array<i64: 1000, 64>}, {transform_indices = @transform_5, window_bounds = array<i64: 1, 1, 1000>}]} {
    %get3A = arith.constant 0 : index
    %get3A_0 = arith.constant 0 : index
    %get3A_1 = arith.constant 0 : index
    %get3A_2 = vector.load %arg1[%get3A, %get3A_0, %get3A_1] : memref<1x1x1000xf32, #tpu.memory_space<vmem>>, vector<1x1x1000xf32>
    %get3A_3 = arith.constant 0 : index
    %get3A_4 = arith.constant 0 : index
    %get3A_5 = arith.constant 0 : index
    %get3A_6 = vector.load %arg2[%get3A_3, %get3A_4, %get3A_5] : memref<1x1x1000xf32, #tpu.memory_space<vmem>>, vector<1x1x1000xf32>
    %add3A = arith.addf %get3A_2, %get3A_6 : vector<1x1x1000xf32>
    %add3A_7 = arith.constant 1.000000e+00 : f32
    %add3A_8 = vector.broadcast %add3A_7 : f32 to vector<1x1x1000xf32>
    %add3A_9 = arith.addf %add3A, %add3A_8 : vector<1x1x1000xf32>
    %rsqrt3A = math.rsqrt %add3A_9 : vector<1x1x1000xf32>
    %swap3A = arith.constant 0 : index
    %swap3A_10 = arith.constant 0 : index
    %swap3A_11 = arith.constant 0 : index
    %swap3A_12 = vector.load %arg6[%swap3A, %swap3A_10, %swap3A_11] : memref<1x1x1000xf32, #tpu.memory_space<vmem>>, vector<1x1x1000xf32>
    tpu.vector_store %arg6[%swap3A, %swap3A_10, %swap3A_11], %rsqrt3A {strides = array<i32>} : memref<1x1x1000xf32, #tpu.memory_space<vmem>>, vector<1x1x1000xf32>,
    %get3A_13 = arith.constant 0 : index
    %get3A_14 = arith.constant 0 : index
    %get3A_15 = vector.load %arg3[%get3A_13, %get3A_14] : memref<1000x128xf32, #tpu.memory_space<vmem>>, vector<1000x128xf32>
    %get3A_16 = arith.constant 0 : index
    %get3A_17 = arith.constant 0 : index
    %get3A_18 = vector.load %arg4[%get3A_16, %get3A_17] : memref<128x64xf32, #tpu.memory_space<vmem>>, vector<128x64xf32>
    %dot_general3A = arith.constant dense<0.000000e+00> : vector<1000x64xf32>
    %dot_general3A_19 = tpu.matmul %get3A_15, %get3A_18, %dot_general3A {dimension_numbers = #tpu.dot_dimension_numbers<[1], [0], [0], [1], [0, 0, 1, 1], [], []>, transpose_lhs_hint = false} : vector<1000x128xf32>, vector<128x64xf32>, vector<1000x64xf32> -> vector<1000x64xf32>
    %reshape3A = vector.shape_cast %rsqrt3A : vector<1x1x1000xf32> to vector<1x1000xf32>
    %transpose3A = tpu.transpose %reshape3A, [1, 0] : vector<1x1000xf32> -> vector<1000x1xf32>
    %mul3A = vector.broadcast %transpose3A : vector<1000x1xf32> to vector<1000x64xf32>
    %mul3A_20 = arith.mulf %dot_general3A_19, %mul3A : vector<1000x64xf32>
    %swap3A_21 = arith.constant 0 : index
    %swap3A_22 = arith.constant 0 : index
    %swap3A_23 = vector.load %arg5[%swap3A_21, %swap3A_22] : memref<1000x64xf32, #tpu.memory_space<vmem>>, vector<1000x64xf32>
    tpu.vector_store %arg5[%swap3A_21, %swap3A_22], %mul3A_20 {strides = array<i32>} : memref<1000x64xf32, #tpu.memory_space<vmem>>, vector<1000x64xf32>,
    return
  }
  func.func @transform_0(%arg0: i32) -> (i32, i32, i32) {
    %c0_i32 = arith.constant 0 : i32
    %c0_i32_0 = arith.constant 0 : i32
    %c0_i32_1 = arith.constant 0 : i32
    return %arg0, %c0_i32, %c0_i32_0 : i32, i32, i32
  }
  func.func @transform_1(%arg0: i32) -> (i32, i32, i32) {
    %c0_i32 = arith.constant 0 : i32
    %c0_i32_0 = arith.constant 0 : i32
    %c0_i32_1 = arith.constant 0 : i32
    return %arg0, %c0_i32, %c0_i32_0 : i32, i32, i32
  }
  func.func @transform_2(%arg0: i32) -> (i32, i32) {
    %c0_i32 = arith.constant 0 : i32
    %c0_i32_0 = arith.constant 0 : i32
    return %arg0, %c0_i32 : i32, i32
  }
  func.func @transform_3(%arg0: i32) -> (i32, i32) {
    %c0_i32 = arith.constant 0 : i32
    %c0_i32_0 = arith.constant 0 : i32
    %c0_i32_1 = arith.constant 0 : i32
    return %c0_i32, %c0_i32_0 : i32, i32
  }
  func.func @transform_4(%arg0: i32) -> (i32, i32) {
    %c0_i32 = arith.constant 0 : i32
    %c0_i32_0 = arith.constant 0 : i32
    return %arg0, %c0_i32 : i32, i32
  }
  func.func @transform_5(%arg0: i32) -> (i32, i32, i32) {
    %c0_i32 = arith.constant 0 : i32
    %c0_i32_0 = arith.constant 0 : i32
    %c0_i32_1 = arith.constant 0 : i32
    return %arg0, %c0_i32, %c0_i32_0 : i32, i32, i32
  }
}

module attributes {stable_mosaic.version = 14 : i64} {
  func.func @_tc2_body(%arg0: i32, %arg1: memref<2x1000x64xf32, #tpu.memory_space<vmem>>, %arg2: memref<1000x64xf32, #tpu.memory_space<vmem>>, %arg3: memref<1x1x1000xf32, #tpu.memory_space<vmem>>, %arg4: memref<1x64xf32, #tpu.memory_space<vmem>>, %arg5: memref<64x128xf32, #tpu.memory_space<vmem>>, %arg6: memref<1000x128xf32, #tpu.memory_space<vmem>>) attributes {dimension_semantics = [#tpu.dimension_semantics<arbitrary>], iteration_bounds = array<i64: 10>, scalar_prefetch = 0 : i64, scratch_operands = 0 : i64, tpu.core_type = #tpu.core_type<tc>, window_params = [{transform_indices = @transform_0, window_bounds = array<i64: 2, 1000, 64>}, {transform_indices = @transform_1, window_bounds = array<i64: 1000, 64>}, {transform_indices = @transform_2, window_bounds = array<i64: 1, 1, 1000>}, {pipeline_mode = #tpu.pipeline_mode<synchronous>, transform_indices = @transform_3, window_bounds = array<i64: 1, 64>}, {pipeline_mode = #tpu.pipeline_mode<synchronous>, transform_indices = @transform_4, window_bounds = array<i64: 64, 128>}, {transform_indices = @transform_5, window_bounds = array<i64: 1000, 128>}]} {
    %get3A = arith.constant 0 : index
    %get3A_0 = arith.constant 0 : index
    %get3A_1 = arith.constant 0 : index
    %get3A_2 = vector.load %arg3[%get3A, %get3A_0, %get3A_1] : memref<1x1x1000xf32, #tpu.memory_space<vmem>>, vector<1x1x1000xf32>
    %reshape3A = vector.shape_cast %get3A_2 : vector<1x1x1000xf32> to vector<1x1000xf32>
    %transpose3A = tpu.transpose %reshape3A, [1, 0] : vector<1x1000xf32> -> vector<1000x1xf32>
    %get3A_3 = arith.constant 0 : index
    %get3A_4 = arith.constant 0 : index
    %get3A_5 = arith.constant 0 : index
    %get3A_6 = vector.load %arg1[%get3A_3, %get3A_4, %get3A_5] : memref<2x1000x64xf32, #tpu.memory_space<vmem>>, vector<1x1000x64xf32>
    %get3A_7 = vector.shape_cast %get3A_6 : vector<1x1000x64xf32> to vector<1000x64xf32>
    %get3A_8 = arith.constant 1 : index
    %get3A_9 = arith.constant 0 : index
    %get3A_10 = arith.constant 0 : index
    %get3A_11 = vector.load %arg1[%get3A_8, %get3A_9, %get3A_10] : memref<2x1000x64xf32, #tpu.memory_space<vmem>>, vector<1x1000x64xf32>
    %get3A_12 = vector.shape_cast %get3A_11 : vector<1x1000x64xf32> to vector<1000x64xf32>
    %add3A = arith.addf %get3A_7, %get3A_12 : vector<1000x64xf32>
    %get3A_13 = arith.constant 0 : index
    %get3A_14 = arith.constant 0 : index
    %get3A_15 = vector.load %arg2[%get3A_13, %get3A_14] : memref<1000x64xf32, #tpu.memory_space<vmem>>, vector<1000x64xf32>
    %add3A_16 = arith.addf %add3A, %get3A_15 : vector<1000x64xf32>
    %mul3A = vector.broadcast %transpose3A : vector<1000x1xf32> to vector<1000x64xf32>
    %mul3A_17 = arith.mulf %add3A_16, %mul3A : vector<1000x64xf32>
    %get3A_18 = arith.constant 0 : index
    %get3A_19 = arith.constant 0 : index
    %get3A_20 = vector.load %arg4[%get3A_18, %get3A_19] : memref<1x64xf32, #tpu.memory_space<vmem>>, vector<1x64xf32>
    %add3A_21 = vector.broadcast %get3A_20 : vector<1x64xf32> to vector<1000x64xf32>
    %add3A_22 = arith.addf %mul3A_17, %add3A_21 : vector<1000x64xf32>
    %max3A = arith.constant 0.000000e+00 : f32
    %max3A_23 = vector.broadcast %max3A : f32 to vector<1000x64xf32>
    %max3A_24 = arith.maximumf %add3A_22, %max3A_23 : vector<1000x64xf32>
    %get3A_25 = arith.constant 0 : index
    %get3A_26 = arith.constant 0 : index
    %get3A_27 = vector.load %arg5[%get3A_25, %get3A_26] : memref<64x128xf32, #tpu.memory_space<vmem>>, vector<64x128xf32>
    %dot_general3A = arith.constant dense<0.000000e+00> : vector<1000x128xf32>
    %dot_general3A_28 = tpu.matmul %max3A_24, %get3A_27, %dot_general3A {dimension_numbers = #tpu.dot_dimension_numbers<[1], [0], [0], [1], [0, 0, 1, 1], [], []>, transpose_lhs_hint = false} : vector<1000x64xf32>, vector<64x128xf32>, vector<1000x128xf32> -> vector<1000x128xf32>
    %mul3A_29 = vector.broadcast %transpose3A : vector<1000x1xf32> to vector<1000x128xf32>
    %mul3A_30 = arith.mulf %dot_general3A_28, %mul3A_29 : vector<1000x128xf32>
    %swap3A = arith.constant 0 : index
    %swap3A_31 = arith.constant 0 : index
    %swap3A_32 = vector.load %arg6[%swap3A, %swap3A_31] : memref<1000x128xf32, #tpu.memory_space<vmem>>, vector<1000x128xf32>
    tpu.vector_store %arg6[%swap3A, %swap3A_31], %mul3A_30 {strides = array<i32>} : memref<1000x128xf32, #tpu.memory_space<vmem>>, vector<1000x128xf32>,
    return
  }
  func.func @transform_0(%arg0: i32) -> (i32, i32, i32) {
    %c0_i32 = arith.constant 0 : i32
    %c0_i32_0 = arith.constant 0 : i32
    %c0_i32_1 = arith.constant 0 : i32
    return %c0_i32, %arg0, %c0_i32_0 : i32, i32, i32
  }
  func.func @transform_1(%arg0: i32) -> (i32, i32) {
    %c0_i32 = arith.constant 0 : i32
    %c0_i32_0 = arith.constant 0 : i32
    return %arg0, %c0_i32 : i32, i32
  }
  func.func @transform_2(%arg0: i32) -> (i32, i32, i32) {
    %c0_i32 = arith.constant 0 : i32
    %c0_i32_0 = arith.constant 0 : i32
    %c0_i32_1 = arith.constant 0 : i32
    return %arg0, %c0_i32, %c0_i32_0 : i32, i32, i32
  }
  func.func @transform_3(%arg0: i32) -> (i32, i32) {
    %c0_i32 = arith.constant 0 : i32
    %c0_i32_0 = arith.constant 0 : i32
    %c0_i32_1 = arith.constant 0 : i32
    return %c0_i32, %c0_i32_0 : i32, i32
  }
  func.func @transform_4(%arg0: i32) -> (i32, i32) {
    %c0_i32 = arith.constant 0 : i32
    %c0_i32_0 = arith.constant 0 : i32
    %c0_i32_1 = arith.constant 0 : i32
    return %c0_i32, %c0_i32_0 : i32, i32
  }
  func.func @transform_5(%arg0: i32) -> (i32, i32) {
    %c0_i32 = arith.constant 0 : i32
    %c0_i32_0 = arith.constant 0 : i32
    return %arg0, %c0_i32 : i32, i32
  }
}

module attributes {stable_mosaic.version = 14 : i64} {
  func.func @_tc3_body(%arg0: i32, %arg1: memref<2x1000x128xf32, #tpu.memory_space<vmem>>, %arg2: memref<1000x128xf32, #tpu.memory_space<vmem>>, %arg3: memref<1x1x1000xf32, #tpu.memory_space<vmem>>, %arg4: memref<1x128xf32, #tpu.memory_space<vmem>>, %arg5: memref<1000x128xf32, #tpu.memory_space<vmem>>) attributes {dimension_semantics = [#tpu.dimension_semantics<arbitrary>], iteration_bounds = array<i64: 10>, scalar_prefetch = 0 : i64, scratch_operands = 0 : i64, tpu.core_type = #tpu.core_type<tc>, window_params = [{transform_indices = @transform_0, window_bounds = array<i64: 2, 1000, 128>}, {transform_indices = @transform_1, window_bounds = array<i64: 1000, 128>}, {transform_indices = @transform_2, window_bounds = array<i64: 1, 1, 1000>}, {pipeline_mode = #tpu.pipeline_mode<synchronous>, transform_indices = @transform_3, window_bounds = array<i64: 1, 128>}, {transform_indices = @transform_4, window_bounds = array<i64: 1000, 128>}]} {
    %get3A = arith.constant 0 : index
    %get3A_0 = arith.constant 0 : index
    %get3A_1 = arith.constant 0 : index
    %get3A_2 = vector.load %arg1[%get3A, %get3A_0, %get3A_1] : memref<2x1000x128xf32, #tpu.memory_space<vmem>>, vector<1x1000x128xf32>
    %get3A_3 = vector.shape_cast %get3A_2 : vector<1x1000x128xf32> to vector<1000x128xf32>
    %get3A_4 = arith.constant 1 : index
    %get3A_5 = arith.constant 0 : index
    %get3A_6 = arith.constant 0 : index
    %get3A_7 = vector.load %arg1[%get3A_4, %get3A_5, %get3A_6] : memref<2x1000x128xf32, #tpu.memory_space<vmem>>, vector<1x1000x128xf32>
    %get3A_8 = vector.shape_cast %get3A_7 : vector<1x1000x128xf32> to vector<1000x128xf32>
    %add3A = arith.addf %get3A_3, %get3A_8 : vector<1000x128xf32>
    %get3A_9 = arith.constant 0 : index
    %get3A_10 = arith.constant 0 : index
    %get3A_11 = vector.load %arg2[%get3A_9, %get3A_10] : memref<1000x128xf32, #tpu.memory_space<vmem>>, vector<1000x128xf32>
    %add3A_12 = arith.addf %add3A, %get3A_11 : vector<1000x128xf32>
    %get3A_13 = arith.constant 0 : index
    %get3A_14 = arith.constant 0 : index
    %get3A_15 = arith.constant 0 : index
    %get3A_16 = vector.load %arg3[%get3A_13, %get3A_14, %get3A_15] : memref<1x1x1000xf32, #tpu.memory_space<vmem>>, vector<1x1x1000xf32>
    %reshape3A = vector.shape_cast %get3A_16 : vector<1x1x1000xf32> to vector<1x1000xf32>
    %transpose3A = tpu.transpose %reshape3A, [1, 0] : vector<1x1000xf32> -> vector<1000x1xf32>
    %mul3A = vector.broadcast %transpose3A : vector<1000x1xf32> to vector<1000x128xf32>
    %mul3A_17 = arith.mulf %add3A_12, %mul3A : vector<1000x128xf32>
    %get3A_18 = arith.constant 0 : index
    %get3A_19 = arith.constant 0 : index
    %get3A_20 = vector.load %arg4[%get3A_18, %get3A_19] : memref<1x128xf32, #tpu.memory_space<vmem>>, vector<1x128xf32>
    %add3A_21 = vector.broadcast %get3A_20 : vector<1x128xf32> to vector<1000x128xf32>
    %add3A_22 = arith.addf %mul3A_17, %add3A_21 : vector<1000x128xf32>
    %swap3A = arith.constant 0 : index
    %swap3A_23 = arith.constant 0 : index
    %swap3A_24 = vector.load %arg5[%swap3A, %swap3A_23] : memref<1000x128xf32, #tpu.memory_space<vmem>>, vector<1000x128xf32>
    tpu.vector_store %arg5[%swap3A, %swap3A_23], %add3A_22 {strides = array<i32>} : memref<1000x128xf32, #tpu.memory_space<vmem>>, vector<1000x128xf32>,
    return
  }
  func.func @transform_0(%arg0: i32) -> (i32, i32, i32) {
    %c0_i32 = arith.constant 0 : i32
    %c0_i32_0 = arith.constant 0 : i32
    %c0_i32_1 = arith.constant 0 : i32
    return %c0_i32, %arg0, %c0_i32_0 : i32, i32, i32
  }
  func.func @transform_1(%arg0: i32) -> (i32, i32) {
    %c0_i32 = arith.constant 0 : i32
    %c0_i32_0 = arith.constant 0 : i32
    return %arg0, %c0_i32 : i32, i32
  }
  func.func @transform_2(%arg0: i32) -> (i32, i32, i32) {
    %c0_i32 = arith.constant 0 : i32
    %c0_i32_0 = arith.constant 0 : i32
    %c0_i32_1 = arith.constant 0 : i32
    return %arg0, %c0_i32, %c0_i32_0 : i32, i32, i32
  }
  func.func @transform_3(%arg0: i32) -> (i32, i32) {
    %c0_i32 = arith.constant 0 : i32
    %c0_i32_0 = arith.constant 0 : i32
    %c0_i32_1 = arith.constant 0 : i32
    return %c0_i32, %c0_i32_0 : i32, i32
  }
  func.func @transform_4(%arg0: i32) -> (i32, i32) {
    %c0_i32 = arith.constant 0 : i32
    %c0_i32_0 = arith.constant 0 : i32
    return %arg0, %c0_i32 : i32, i32
  }
}

</mosaic_0001>

<sc_bundles>
// kernel: kernel.11.cloned.1.call-start
scs
__scs_entry_jumppad:
0x0: {  	(pc) =	sbr.rel $0x88, $3  }
0x1: {  	(tag) =	ssettag $0x0;
	lr =	simm.s32 $0x1  }
0x2: {  	[smem:$0x3F9B] =	sst lr;
	_ =	strace $0xD0000000  }
0x3: {  	_ = 	snop  }
0x4: {  	_ = 	snop  }
0x5: {  	_ = 	snop  }
0x6: {  	_ = 	snop  }
0x7: {  	_ = 	snop  }
__scs_overlays_trampoline_lowered:
0x8: {  	[smem:$0x3FAA] =	sst s0  }
0x9: {  	[smem:$0x3FAB] =	sst s1  }
0xa: {  	[smem:$0x3FAC] =	sst s2  }
0xb: {  	[smem:$0x3FAD] =	sst s3  }
0xc: {  	[smem:$0x3FAE] =	sst s4  }
0xd: {  	[smem:$0x3FAF] =	sst s5  }
0xe: {  	[smem:$0x3FB0] =	sst s6  }
0xf: {  	[smem:$0x3FB1] =	sst s7  }
0x10: {  	[smem:$0x3FB2] =	sst s8  }
0x11: {  	[smem:$0x3FB3] =	sst s9;
	s0 =	simm.s32 @!p0 $0x0  }
0x12: {  	s1 =	sld [smem:$0x3F99];
	s0 =	simm.s32 @p0 $0x1  }
0x13: {  	[smem:$0x3FB4] =	sst s0;
	s0 =	simm.s32 @!p1 $0x0  }
0x14: {  	s2 =	sld [smem:$0x3F98];
	s0 =	simm.s32 @p1 $0x1  }
0x15: {  	[smem:$0x3FB5] =	sst s0;
	s0 =	simm.s32 @!p2 $0x0  }
0x16: {  	s3 =	sld [smem:$0x3FDB];
	s0 =	simm.s32 @p2 $0x1  }
0x17: {  	s4 =	simm.s32 $0x1BF5;
	[smem:$0x3FB7] =	sst s0  }
0x18: {  	s0 =	sld [smem:$0x3F9A];
	_ =	swait.ge [sflag:s4], $0x0  }
0x19: {  	s7 =	sld [smem:$0x3F9B]  }
0x1a: {  	s8 =	sadd.s32 $0xFFFFE003, lr  }
0x1b: {  	s9 =	sadd.s32 $0xFFFFFEF7, lr;
	s5 =	simm.s32 $0xFFFFFFFF;
	p2 =	slt.u32 s8, $0xFFFFF086  }
0x1c: {  	p1 =	slt.u32 s9, $0xF7A;
	s5 =	simm.s32 @!p2 $0x0  }
0x1d: {  	s5 =	simm.s32 @p1 $0x1;
	p0 =	seq.s32 s7, s2  }
0x1e: {  	s7 =	smul.u32 @!p0 $0xF7A, s2;
	p2 =	seq.s32 @!p0 s5, $0x0  }
0x1f: {  	s9 =	smul.u32 $0xF7A, s1;
	s8 =	simm.s32 @!p0 $0x1BF5;
	p2 =	por !p2, p0  }
0x20: {  	[sflag:s8] =	ssyncset.s32 @!p0 $0xFFFFF086;
	s6 =	sadd.s32 @!p0 s3, s7;
	s7 =	simm.s32 @!p0 $0x108  }
0x21: {  	s3 =	sadd.s32 s3, s9;
	s6 =	sadd.s32 @!p0 $0x88, s6;
	s7 =	simm.s32 @p2 $0x1082  }
0x22: {  	[simem:s7], [sflag:s8] =	dma.local @!p0 [hbm:s6], $0xF7A  }
0x23: {  	s9 =	sor.u32 $0xD0000000, s2;
	s6 =	simm.s32 $0x108;
	_ =	swait.ge @!p0 [sflag:s8], $0x0  }
0x24: {  	s3 =	sadd.s32 $0x88, s3;
	s6 =	simm.s32 @!p1 $0x1082;
	[sflag:s4] =	ssyncset.s32 $0xFFFFF086  }
0x25: {  	[simem:s6], [sflag:s4] =	dma.local [hbm:s3], $0xF7A  }
0x26: {  	[smem:$0x3F9B] =	sst s1;
	(tag) =	ssettag s2;
	_ =	strace s9  }
0x27: {  	s1 =	sld [smem:$0x3FAB]  }
0x28: {  	s2 =	sld [smem:$0x3FAC]  }
0x29: {  	s4 =	sld [smem:$0x3FAE]  }
0x2a: {  	p0 =	seq.s32 s5, $0x0;
	s5 =	sld [smem:$0x3FAF]  }
0x2b: {  	s6 =	sld [smem:$0x3FB0]  }
0x2c: {  	s7 =	sld [smem:$0x3FB1]  }
0x2d: {  	s3 =	simm.s32 $0x108;
	s8 =	sld [smem:$0x3FB2]  }
0x2e: {  	s3 =	simm.s32 @!p0 $0x1082;
	s9 =	sld [smem:$0x3FB3]  }
0x2f: {  	lr =	sadd.s32 s0, s3;
	s0 =	sld [smem:$0x3FAA]  }
0x30: {  	s3 =	sld [smem:$0x3FAD]  }
0x31: {  	[smem:$0x3FB6] =	sst s10  }
0x32: {  	s10 =	sld [smem:$0x3FB4];
	_ =	sdelay $0x3  }
0x33: {  	p0 =	seq.s32 s10, $0x1;
	s10 =	sld [smem:$0x3FB6];
	_ =	sdelay $0x3  }
0x34: {  	[smem:$0x3FB6] =	sst s10  }
0x35: {  	s10 =	sld [smem:$0x3FB5];
	_ =	sdelay $0x3  }
0x36: {  	p1 =	seq.s32 s10, $0x1;
	s10 =	sld [smem:$0x3FB6];
	_ =	sdelay $0x3  }
0x37: {  	[smem:$0x3FB6] =	sst s10  }
0x38: {  	s10 =	sld [smem:$0x3FB7]  }
0x39: {  	_ = 	snop;
	(pc) =	sbr.ind lr, $3  }
0x3a: {  	_ = 	snop  }
0x3b: {  	_ = 	snop  }
0x3c: {  	p2 =	seq.s32 s10, $0x1;
	s10 =	sld [smem:$0x3FB6]  }
0x3d: {  	_ =	shalt  }
0x3e: {  	_ =	shalt  }
0x3f: {  	_ =	shalt  }
0x40: {  	_ =	shalt  }
0x41: {  	_ =	shalt  }
0x42: {  	_ =	shalt  }
0x43: {  	_ =	shalt  }
0x44: {  	_ =	shalt  }
0x45: {  	_ =	shalt  }
0x46: {  	_ =	shalt  }
0x47: {  	_ =	shalt  }
0x48: {  	_ =	shalt  }
0x49: {  	_ =	shalt  }
0x4a: {  	_ =	shalt  }
0x4b: {  	_ =	shalt  }
0x4c: {  	_ =	shalt  }
0x4d: {  	_ =	shalt  }
0x4e: {  	_ =	shalt  }
0x4f: {  	_ =	shalt  }
0x50: {  	_ =	shalt  }
0x51: {  	_ =	shalt  }
0x52: {  	_ =	shalt  }
0x53: {  	_ =	shalt  }
0x54: {  	_ =	shalt  }
0x55: {  	_ =	shalt  }
0x56: {  	_ =	shalt  }
0x57: {  	_ =	shalt  }
0x58: {  	_ =	shalt  }
0x59: {  	_ =	shalt  }
0x5a: {  	_ =	shalt  }
0x5b: {  	_ =	shalt  }
0x5c: {  	_ =	shalt  }
0x5d: {  	_ =	shalt  }
0x5e: {  	_ =	shalt  }
0x5f: {  	_ =	shalt  }
0x60: {  	_ =	shalt  }
0x61: {  	_ =	shalt  }
0x62: {  	_ =	shalt  }
0x63: {  	_ =	shalt  }
0x64: {  	_ =	shalt  }
0x65: {  	_ =	shalt  }
0x66: {  	_ =	shalt  }
0x67: {  	_ =	shalt  }
0x68: {  	_ =	shalt  }
0x69: {  	_ =	shalt  }
0x6a: {  	_ =	shalt  }
0x6b: {  	_ =	shalt  }
0x6c: {  	_ =	shalt  }
0x6d: {  	_ =	shalt  }
0x6e: {  	_ =	shalt  }
0x6f: {  	_ =	shalt  }
0x70: {  	_ =	shalt  }
0x71: {  	_ =	shalt  }
0x72: {  	_ =	shalt  }
0x73: {  	_ =	shalt  }
0x74: {  	_ =	shalt  }
0x75: {  	_ =	shalt  }
0x76: {  	_ =	shalt  }
0x77: {  	_ =	shalt  }
0x78: {  	_ =	shalt  }
0x79: {  	_ =	shalt  }
0x7a: {  	_ =	shalt  }
0x7b: {  	_ =	shalt  }
0x7c: {  	_ =	shalt  }
0x7d: {  	_ =	shalt  }
0x7e: {  	_ =	shalt  }
0x7f: {  	_ =	shalt  }
0x80: {  	_ =	shalt  }
0x81: {  	_ =	shalt  }
0x82: {  	_ =	shalt  }
0x83: {  	_ =	shalt  }
0x84: {  	_ =	shalt  }
0x85: {  	_ =	shalt  }
0x86: {  	_ =	shalt  }
0x87: {  	_ =	shalt  }
.Lfunc_end0:
.L_simem_size_0:
called_computation.1_lowered:
.L_overlay_start_0:
0x88: {  	s2 =	sld [smem:$0x3FD9]  }
0x89: {  	s3 =	sld [smem:$0x3FFE];
	_ =	sdelay $0x1  }
0x8a: {  	s1 =	srdreg.scid  }
0x8b: {  	s0 =	sand.u32 $0x1, s1  }
0x8c: {  	s17 =	sshll.u32 s0, $0xA;
	s2 =	sadd.s32 s3, s2  }
0x8d: {  	s2 =	sadd.s32 s2, s17  }
0x8e: {  	[smem:$0x3FC2] =	sst s2  }
0x8f: {  	_ = 	snop  }
0x90: {  	s2 =	sld [smem:$0x3FD0];
	(tm) =	ssettm $0x1  }
0x91: {  	s18 =	sld [smem:$0x3FFB];
	_ =	sdelay $0x3  }
0x92: {  	_ =	strace s18  }
0x93: {  	s3 =	sld [smem:$0x3FFC];
	_ =	sdelay $0x3  }
0x94: {  	_ =	strace s3  }
0x95: {  	s3 =	sld [smem:$0x3FFD];
	_ =	sdelay $0x3  }
0x96: {  	_ =	strace s3  }
0x97: {  	_ =	strace $0x8FFFFFFF  }
0x98: {  	s19 =	sld [smem:$0x3FDB];
	_ =	sdelay $0x1  }
0x99: {  	s4 =	simm.s32 $_scs_section_size  }
0x9a: {  	s5 =	simm.s32 $_size__tile_overlayer_lowered;
	s6 =	simm.s32 $_tile_overlayer_lowered  }
0x9b: {  	s22 =	simm.s32 $0x1BFF;
	s21 =	sshll.u32 s6, $0x1;
	s3 =	sadd.s32 s4, s19  }
0x9c: {  	s7 =	simm.s32 $0x0;
	s20 =	sshll.u32 s5, $0x1;
	s5 =	sadd.s32 s21, s3  }
0x9d: {  	[timem:s7], [sflag:s22] =	dma.local [hbm:s5], s20  }
0x9e: {  	_ =	swait.ge [sflag:s22], s20  }
0x9f: {  	s4 =	ssub.s32 $0x0, s20;
	[sflag:s22] =	ssyncset.done $0x0  }
0xa0: {  	[sflag:s22] =	ssyncadd.s32 s4;
	_ =	sdelay $0x1  }
0xa1: {  	s23 =	simm.s32 $0x1B8B  }
0xa2: {  	_ =	swait.ge [sflag:s23], $0x1  }
0xa3: {  	[sflag:s23] =	ssyncset.done $0x0  }
0xa4: {  	s25 =	simm.s32 $0x1B8E;
	s24 =	sld [smem:$0x3FFE];
	[sflag:s23] =	ssyncadd.s32 $0xFFFFFFFF  }
0xa5: {  	s26 =	simm.s32 $execute0_lowered;
	[smem:$0x3FD2] =	sst s25  }
0xa6: {  	s5 =	sshll.u32 s26, $0x1;
	_ =	strace $0x80000049;
	[dreg:$0x1] =	wrdreg $0xFFFFFFFF  }
0xa7: {  	s28 =	simm.s32 $_size_execute0_lowered;
	s3 =	sadd.s32 s3, s5;
	[dreg:$0x0] =	wrdreg $0x0  }
0xa8: {  	s5 =	sshll.u32 s28, $0x1;
	[dreg:$0x2] =	wrdreg s3  }
0xa9: {  	[dreg:$0x3] =	wrdreg s5  }
0xaa: {  	[dreg:$0x4] =	wrdreg $0xC0  }
0xab: {  	_ =	task [dreg:s7], $0x5FFFF  }
0xac: {  	[dreg:$0x1] =	wrdreg $0xFFFFFFFF  }
0xad: {  	[dreg:$0x0] =	wrdreg $0x60  }
0xae: {  	[dreg:$0x2] =	wrdreg s24  }
0xaf: {  	[dreg:$0x3] =	wrdreg s2  }
0xb0: {  	[dreg:$0x4] =	wrdreg $0x116200  }
0xb1: {  	[dreg:$0x5] =	wrdreg $0x9  }
0xb2: {  	_ =	task.clear_ibuf [dreg:s7], $0x6FFFF;
	_ =	strace $0x90000049  }
0xb3: {  	s29 =	simm.s32 $0x9;
	_ =	strace $0x8000004B  }
0xb4: {  	_ =	swait.ge [sflag:s29], $0x1  }
0xb5: {  	[sflag:s29] =	ssyncadd.s32 $0xFFFFFFFF  }
0xb6: {  	_ =	strace $0x9000004B  }
0xb7: {  	_ =	sfence  }
0xb8: {  	s30 =	sld [smem:$0x0];
	_ =	sdelay $0x2  }
0xb9: {  	s31 =	sshll.u32 s1, $0xD;
	s1 =	sshrl.u32 s1, $0x2  }
0xba: {  	s3 =	sand.u32 $0x4000, s31;
	s1 =	sadd.s32 s1, s30  }
0xbb: {  	s0 =	sor.u32 s3, s0;
	s1 =	sshll.u32 s1, $0x11  }
0xbc: {  	s0 =	sor.u32 s1, s0  }
0xbd: {  	s0 =	sadd.s32 $0x8F2B, s0  }
0xbe: {  	[sflag:s0] =	ssyncadd.remote.s32 $0x1  }
0xbf: {  	_ =	sfence.sel $0xFFFF  }
0xc0: {  	[dreg:$0x0] =	wrdreg $0xFFFFFFFF;
	(pc) =	sbr.abs _section_cstart, $3  }
0xc1: {  	[dreg:$0x1] =	wrdreg $0xFFFFFFFF  }
0xc2: {  	_ =	task.clear_ibuf [dreg:s7], $0x2FFFF;
	_ =	strace $0x9FFFFFFF  }
0xc3: {  	(tm) =	ssettm $0x7FFFFFFF  }
tec
execute0_lowered:
.L_overlay_start_1:
0x0: {  	(tag) =	ssettag $0x1  }
0x1: {  	s5 =	rddreg [dreg:$0x0]  }
0x2: {  	s0 =	srdreg.scid;
	s2 =	rddreg [dreg:$0x1]  }
0x3: {  	s3 =	rddreg [dreg:$0x2];
	s4 =	simm.s32 $0x0;
	s14 =	simm.s32 $0x4E20  }
0x4: {  	s15 =	simm.s32 $0x1;
	s16 =	simm.s32 $0x190;
	s17 =	simm.s32 $0xB220  }
0x5: {  	s18 =	simm.s32 $0x2;
	s19 =	simm.s32 $0x4970;
	s20 =	simm.s32 $0x2580  }
0x6: {  	s21 =	simm.s32 $0x4B00;
	s22 =	simm.s32 $0x4C90;
	s6 =	sand.u32 $0x1, s0  }
0x7: {  	s23 =	simm.s32 $0x0;
	s0 =	stileid.u32;
	s1 =	sshll.u32 s6, $0x4  }
0x8: {  	[smem:$0x7FF] =	sst s4;
	s10 =	smul.u32 $0xA000, s0;
	s7 =	sor.u32 s0, s1  }
0x9: {  	s11 =	sadd.s32 $0x16000, s5;
	s8 =	ssub.s32 $0x2, s6;
	s7 =	smul.u32 $0x2710, s7  }
0xa: {  	s28 =	smul.u32 $0xA0000, s6;
	s1 =	rddreg [dreg:$0x3];
	_ =	strace $0x8000004A  }
0xb: {  	s9 =	sshrl.u32 s8, $0x1;
	s29 =	sadd.s32 $0x6400, s10;
	s7 =	sshrl.u32 s7, $0x3  }
0xc: {  	s12 =	ssub.s32 s8, s9;
	s13 =	sadd.s32 s28, s29;
	s7 =	sadd.s32 s7, s5  }
0xd: {  	s8 =	sadd.s32 s29, s3;
	s31 =	sshrl.u32 s13, $0x3;
	s5 =	sadd.s32 $0x2600, s7  }
0xe: {  	s6 =	sadd.s32 $0xC240, s7;
	s7 =	sadd.s32 s10, s3;
	s10 =	sadd.s32 s10, s28  }
0xf: {  	s13 =	simm.s32 $0x2710;
	s30 =	sshrl.u32 s10, $0x3;
	s10 =	sadd.s32 s11, s31  }
0x10: {  	v0 =	vimm.f32 $0.0e+00;
	s9 =	sadd.s32 s11, s30;
	s11 =	smax.u32 s12, $0x1;
	s12 =	simm.s32 $0x3  }
.LBB2_1:
0x11: {  	[tilespmem:s4], [sflag:$0x3] =	stream.linear.gather [hbm4b:s5+s4], $0x2710, $0x38;
	[tilespmem:$0x1B620] =	vst v63  }
0x12: {  	_ =	swait.ge [sflag:s12], $0x2710  }
0x13: {  	[sflag:s12] =	ssyncset.done $0x0  }
0x14: {  	[sflag:s12] =	ssyncadd.s32 $0xFFFFD8F0  }
0x15: {  	[tilespmem:s13], [sflag:$0x3] =	stream.linear.gather [hbm4b:s6+s4], $0x2710, $0x38;
	[tilespmem:$0x1B620] =	vst v63  }
0x16: {  	_ =	swait.ge [sflag:s12], $0x2710  }
0x17: {  	[sflag:s12] =	ssyncset.done $0x0  }
0x18: {  	s25 =	simm.s32 $0x100;
	s24 =	simm.s32 $0x0;
	[sflag:s12] =	ssyncadd.s32 $0xFFFFD8F0  }
.LBB2_2:
0x19: {  	p0 =	sne.s32 s25, $0x18F00;
	[tilespmem:s24+$0x4E50] =	vst v0;
	s26 =	smov.u32 s25;
	s25 =	sadd.s32 $0x100, s25  }
.Ltmp0:
0x1a: {  	[tilespmem:s24+$0x4E40] =	vst v0;
	(pc) =	sbr.rel @p0 .LBB2_2-.Ltmp0, $3  }
0x1b: {  	[tilespmem:s24+$0x4E20] =	vst v0  }
0x1c: {  	[tilespmem:s24+$0x4E30] =	vst v0;
	_ =	sdelay $0x1  }
0x1d: {  	s24 =	sshra.s32 s26, $0x2  }
0x1e: {  	[tilespmem:s24+$0x4E50] =	vst v0  }
0x1f: {  	[tilespmem:s24+$0x4E40] =	vst v0  }
0x20: {  	[tilespmem:s24+$0x4E20] =	vst v0  }
0x21: {  	[tilespmem:s24+$0x4E30] =	vst v0  }
0x22: {  	[spmem:s7] =	stream.linear.scatter [tilespmem:s14], [sflag:$0x1], $0x6400, $0x38;
	[tilespmem:$0x1B620] =	vst v63  }
0x23: {  	_ = 	snop  }
0x24: {  	[spmem:s8] =	stream.linear.scatter [tilespmem:s14], [sflag:$0x1], $0x3C00, $0x38;
	[tilespmem:$0x1B620] =	vst v63  }
0x25: {  	_ =	swait.ge [sflag:s15], $0x6400  }
0x26: {  	[sflag:s15] =	ssyncset.done $0x0  }
0x27: {  	[sflag:s15] =	ssyncadd.s32 $0xFFFF9C00  }
0x28: {  	_ =	swait.ge [sflag:s15], $0x3C00  }
0x29: {  	[sflag:s15] =	ssyncset.done $0x0  }
0x2a: {  	[sflag:s15] =	ssyncadd.s32 $0xFFFFC400  }
0x2b: {  	s28 =	simm.s32 $0x0;
	[bflag:$0x0] =	sbarrier.arrive $0xFFFF  }
0x2c: {  	[tilespmem:s14], [sflag:$0x1] =	stream.indirect.gather [hbm4b:s2+s16], $0x40, s28, s16, $0xb8;
	[tilespmem:$0x1B620] =	vst v63  }
0x2d: {  	_ = 	snop  }
0x2e: {  	[tilespmem:s17], [sflag:$0x2] =	stream.indirect.gather [hbm4b:s2+s16], $0x40, s16, s16, $0xb8;
	[tilespmem:$0x1B620] =	vst v63  }
0x2f: {  	_ =	swait.ge [sflag:s15], $0x6400  }
0x30: {  	[sflag:s15] =	ssyncset.done $0x0  }
0x31: {  	s29 =	simm.s32 $0x2710;
	[sflag:s15] =	ssyncadd.s32 $0xFFFF9C00  }
0x32: {  	[spmem:s3] =	stream.indirect.scatter.add.f32 [tilespmem:s14], [sflag:$0x3], $0x40, s29, s16, $0xb8;
	[tilespmem:$0x1B620] =	vst v63  }
0x33: {  	_ =	swait.ge [sflag:s12], $0x6400  }
0x34: {  	[sflag:s12] =	ssyncset.done $0x0  }
0x35: {  	s30 =	simm.s32 $0x320;
	[sflag:s12] =	ssyncadd.s32 $0xFFFF9C00  }
0x36: {  	[tilespmem:s14], [sflag:$0x1] =	stream.indirect.gather [hbm4b:s2+s16], $0x40, s30, s16, $0xb8;
	[tilespmem:$0x1B620] =	vst v63  }
0x37: {  	_ =	swait.ge [sflag:s18], $0x6400  }
0x38: {  	[sflag:s18] =	ssyncset.done $0x0  }
0x39: {  	s31 =	simm.s32 $0x28A0;
	[sflag:s18] =	ssyncadd.s32 $0xFFFF9C00  }
0x3a: {  	[spmem:s3] =	stream.indirect.scatter.add.f32 [tilespmem:s17], [sflag:$0x3], $0x40, s31, s16, $0xb8;
	[tilespmem:$0x1B620] =	vst v63  }
0x3b: {  	_ =	swait.ge [sflag:s12], $0x6400  }
0x3c: {  	[sflag:s12] =	ssyncset.done $0x0  }
0x3d: {  	s24 =	simm.s32 $0xC80;
	s25 =	simm.s32 $0x4B0;
	[sflag:s12] =	ssyncadd.s32 $0xFFFF9C00  }
.LBB2_4:
0x3e: {  	[tilespmem:s17], [sflag:$0x2] =	stream.indirect.gather [hbm4b:s2+s16], $0x40, s25, s16, $0xb8;
	[tilespmem:$0x1B620] =	vst v63  }
0x3f: {  	s25 =	smov.u32 s24  }
0x40: {  	p0 =	sne.s32 s24, $0x7D00;
	s24 =	sadd.s32 $0xC80, s24;
	_ =	swait.ge [sflag:s15], $0x6400  }
0x41: {  	s25 =	sshra.s32 s25, $0x2;
	[sflag:s15] =	ssyncset.done $0x0  }
0x42: {  	s26 =	sadd.s32 $0x2710, s25;
	[sflag:s15] =	ssyncadd.s32 $0xFFFF9C00  }
0x43: {  	[spmem:s3] =	stream.indirect.scatter.add.f32 [tilespmem:s14], [sflag:$0x3], $0x40, s26, s16, $0xb8;
	[tilespmem:$0x1B620] =	vst v63  }
0x44: {  	_ =	swait.ge [sflag:s12], $0x6400  }
0x45: {  	[sflag:s12] =	ssyncset.done $0x0  }
0x46: {  	s26 =	sadd.s32 $0x320, s25;
	[sflag:s12] =	ssyncadd.s32 $0xFFFF9C00  }
0x47: {  	[tilespmem:s14], [sflag:$0x1] =	stream.indirect.gather [hbm4b:s2+s16], $0x40, s26, s16, $0xb8;
	[tilespmem:$0x1B620] =	vst v63  }
0x48: {  	_ =	swait.ge [sflag:s18], $0x6400  }
0x49: {  	[sflag:s18] =	ssyncset.done $0x0  }
.Ltmp1:
0x4a: {  	s26 =	sadd.s32 $0x28A0, s25;
	[sflag:s18] =	ssyncadd.s32 $0xFFFF9C00;
	(pc) =	sbr.rel @p0 .LBB2_4-.Ltmp1, $4  }
0x4b: {  	[spmem:s3] =	stream.indirect.scatter.add.f32 [tilespmem:s17], [sflag:$0x3], $0x40, s26, s16, $0xb8;
	[tilespmem:$0x1B620] =	vst v63  }
0x4c: {  	_ =	swait.ge [sflag:s12], $0x6400  }
0x4d: {  	[sflag:s12] =	ssyncset.done $0x0  }
0x4e: {  	s25 =	sadd.s32 $0x4B0, s25;
	[sflag:s12] =	ssyncadd.s32 $0xFFFF9C00  }
0x4f: {  	[tilespmem:s17], [sflag:$0x2] =	stream.indirect.gather [hbm4b:s2+s16], $0x40, s25, s16, $0xb8;
	[tilespmem:$0x1B620] =	vst v63  }
0x50: {  	_ =	swait.ge [sflag:s15], $0x6400  }
0x51: {  	[sflag:s15] =	ssyncset.done $0x0  }
0x52: {  	[sflag:s15] =	ssyncadd.s32 $0xFFFF9C00  }
0x53: {  	[spmem:s3] =	stream.indirect.scatter.add.f32 [tilespmem:s14], [sflag:$0x3], $0x40, s19, s16, $0xb8;
	[tilespmem:$0x1B620] =	vst v63  }
0x54: {  	_ =	swait.ge [sflag:s12], $0x6400  }
0x55: {  	[sflag:s12] =	ssyncset.done $0x0  }
0x56: {  	[sflag:s12] =	ssyncadd.s32 $0xFFFF9C00  }
0x57: {  	[tilespmem:s14], [sflag:$0x1] =	stream.indirect.gather [hbm4b:s2+s16], $0x40, s20, s16, $0xb8;
	[tilespmem:$0x1B620] =	vst v63  }
0x58: {  	_ =	swait.ge [sflag:s18], $0x6400  }
0x59: {  	[sflag:s18] =	ssyncset.done $0x0  }
0x5a: {  	[sflag:s18] =	ssyncadd.s32 $0xFFFF9C00  }
0x5b: {  	[spmem:s3] =	stream.indirect.scatter.add.f32 [tilespmem:s17], [sflag:$0x3], $0x40, s21, s16, $0xb8;
	[tilespmem:$0x1B620] =	vst v63  }
0x5c: {  	_ =	swait.ge [sflag:s12], $0x6400  }
0x5d: {  	[sflag:s12] =	ssyncset.done $0x0  }
0x5e: {  	[sflag:s12] =	ssyncadd.s32 $0xFFFF9C00  }
0x5f: {  	_ =	swait.ge [sflag:s15], $0x6400  }
0x60: {  	[sflag:s15] =	ssyncset.done $0x0  }
0x61: {  	[sflag:s15] =	ssyncadd.s32 $0xFFFF9C00  }
0x62: {  	[spmem:s3] =	stream.indirect.scatter.add.f32 [tilespmem:s14], [sflag:$0x3], $0x40, s22, s16, $0xb8;
	[tilespmem:$0x1B620] =	vst v63  }
0x63: {  	_ =	swait.ge [sflag:s12], $0x6400  }
0x64: {  	[sflag:s12] =	ssyncset.done $0x0  }
0x65: {  	[sflag:s12] =	ssyncadd.s32 $0xFFFF9C00  }
0x66: {  	[bflag:$0x0] =	sbarrier.arrive $0xFFFF  }
0x67: {  	[tilespmem:s14], [sflag:$0x3] =	stream.linear.gather [spmem:s7], $0x6400, $0x38;
	[tilespmem:$0x1B620] =	vst v63  }
0x68: {  	_ =	swait.ge [sflag:s12], $0x6400  }
0x69: {  	[sflag:s12] =	ssyncset.done $0x0  }
0x6a: {  	[sflag:s12] =	ssyncadd.s32 $0xFFFF9C00  }
0x6b: {  	[hbm4b:s9+s4] =	stream.linear.scatter [tilespmem:s14], [sflag:$0x3], $0x6400, $0x38;
	[tilespmem:$0x1B620] =	vst v63  }
0x6c: {  	_ =	swait.ge [sflag:s12], $0x6400  }
0x6d: {  	[sflag:s12] =	ssyncset.done $0x0  }
0x6e: {  	[sflag:s12] =	ssyncadd.s32 $0xFFFF9C00  }
0x6f: {  	[tilespmem:s17], [sflag:$0x3] =	stream.linear.gather [spmem:s8], $0x3C00, $0x38;
	[tilespmem:$0x1B620] =	vst v63  }
0x70: {  	s23 =	sadd.s32 $0x1, s23;
	_ =	swait.ge [sflag:s12], $0x3C00  }
0x71: {  	p0 =	sne.s32 s23, s11;
	[sflag:s12] =	ssyncset.done $0x0  }
.Ltmp2:
0x72: {  	[sflag:s12] =	ssyncadd.s32 $0xFFFFC400;
	(pc) =	sbr.rel @p0 .LBB2_1-.Ltmp2, $4  }
0x73: {  	[hbm4b:s10+s4] =	stream.linear.scatter [tilespmem:s17], [sflag:$0x3], $0x3C00, $0x38;
	[tilespmem:$0x1B620] =	vst v63  }
0x74: {  	_ =	swait.ge [sflag:s12], $0x3C00  }
0x75: {  	[sflag:s12] =	ssyncset.done $0x0  }
0x76: {  	[sflag:s12] =	ssyncadd.s32 $0xFFFFC400  }
0x77: {  	_ =	sfence.sel $0x180000  }
0x78: {  	[bflag:$0x0] =	sbarrier.arrive $0xFFFF  }
0x79: {  	p0 =	sne.s32 s0, $0x0;
	_ =	strace $0x9000004A  }
0x7a: {  	s0 =	sadd.s32 @!p0 $0x100000, s1;
	[bflag:$0x2] =	sbarrier.arrive $0xFFFF  }
0x7b: {  	[sflag:s0] =	ssyncadd.tile.s32 @!p0 $0x1;
	_ =	shalt  }
.Lfunc_end2:
_tile_overlayer_lowered:
.L_overlay_start_2:
0x7c: {  	(tag) =	ssettag $0x2  }
0x7d: {  	s0 =	rddreg [dreg:$0x0];
	s2 =	stileid.u32  }
0x7e: {  	s1 =	rddreg [dreg:$0x1];
	p0 =	sne.s32 s2, $0x0  }
0x7f: {  	s3 =	rddreg [dreg:$0x2];
	[bflag:$0x3] =	sbarrier.arrive $0xFFFF;
	s2 =	simm.s32 @!p0 $0x1C03  }
0x80: {  	[timem:s3], [sflag:s2] =	dma.local @!p0 [hbm:s0], s1  }
0x81: {  	s0 =	simm.s32 @!p0 $0x3  }
0x82: {  	_ =	swait.ge @!p0 [sflag:s0], s1  }
0x83: {  	s1 =	ssub.s32 @!p0 $0x0, s1;
	[sflag:s0] =	ssyncset.done @!p0 $0x0  }
0x84: {  	[sflag:s0] =	ssyncadd.s32 @!p0 s1  }
0x85: {  	[bflag:$0x3] =	sbarrier.arrive $0xFFFF  }
0x86: {  	_ =	shalt  }

// kernel: kernel.14.cloned.1.call-start
scs
__scs_entry_jumppad:
0x0: {  	(pc) =	sbr.rel $0x88, $3  }
0x1: {  	(tag) =	ssettag $0x0;
	lr =	simm.s32 $0x1  }
0x2: {  	[smem:$0x3F9B] =	sst lr;
	_ =	strace $0xD0000000  }
0x3: {  	_ = 	snop  }
0x4: {  	_ = 	snop  }
0x5: {  	_ = 	snop  }
0x6: {  	_ = 	snop  }
0x7: {  	_ = 	snop  }
__scs_overlays_trampoline_lowered:
0x8: {  	[smem:$0x3FAA] =	sst s0  }
0x9: {  	[smem:$0x3FAB] =	sst s1  }
0xa: {  	[smem:$0x3FAC] =	sst s2  }
0xb: {  	[smem:$0x3FAD] =	sst s3  }
0xc: {  	[smem:$0x3FAE] =	sst s4  }
0xd: {  	[smem:$0x3FAF] =	sst s5  }
0xe: {  	[smem:$0x3FB0] =	sst s6  }
0xf: {  	[smem:$0x3FB1] =	sst s7  }
0x10: {  	[smem:$0x3FB2] =	sst s8  }
0x11: {  	[smem:$0x3FB3] =	sst s9;
	s0 =	simm.s32 @!p0 $0x0  }
0x12: {  	s1 =	sld [smem:$0x3F99];
	s0 =	simm.s32 @p0 $0x1  }
0x13: {  	[smem:$0x3FB4] =	sst s0;
	s0 =	simm.s32 @!p1 $0x0  }
0x14: {  	s2 =	sld [smem:$0x3F98];
	s0 =	simm.s32 @p1 $0x1  }
0x15: {  	[smem:$0x3FB5] =	sst s0;
	s0 =	simm.s32 @!p2 $0x0  }
0x16: {  	s3 =	sld [smem:$0x3FDB];
	s0 =	simm.s32 @p2 $0x1  }
0x17: {  	s4 =	simm.s32 $0x1BF5;
	[smem:$0x3FB7] =	sst s0  }
0x18: {  	s0 =	sld [smem:$0x3F9A];
	_ =	swait.ge [sflag:s4], $0x0  }
0x19: {  	s7 =	sld [smem:$0x3F9B]  }
0x1a: {  	s8 =	sadd.s32 $0xFFFFE003, lr  }
0x1b: {  	s9 =	sadd.s32 $0xFFFFFEF7, lr;
	s5 =	simm.s32 $0xFFFFFFFF;
	p2 =	slt.u32 s8, $0xFFFFF086  }
0x1c: {  	p1 =	slt.u32 s9, $0xF7A;
	s5 =	simm.s32 @!p2 $0x0  }
0x1d: {  	s5 =	simm.s32 @p1 $0x1;
	p0 =	seq.s32 s7, s2  }
0x1e: {  	s7 =	smul.u32 @!p0 $0xF7A, s2;
	p2 =	seq.s32 @!p0 s5, $0x0  }
0x1f: {  	s9 =	smul.u32 $0xF7A, s1;
	s8 =	simm.s32 @!p0 $0x1BF5;
	p2 =	por !p2, p0  }
0x20: {  	[sflag:s8] =	ssyncset.s32 @!p0 $0xFFFFF086;
	s6 =	sadd.s32 @!p0 s3, s7;
	s7 =	simm.s32 @!p0 $0x108  }
0x21: {  	s3 =	sadd.s32 s3, s9;
	s6 =	sadd.s32 @!p0 $0x88, s6;
	s7 =	simm.s32 @p2 $0x1082  }
0x22: {  	[simem:s7], [sflag:s8] =	dma.local @!p0 [hbm:s6], $0xF7A  }
0x23: {  	s9 =	sor.u32 $0xD0000000, s2;
	s6 =	simm.s32 $0x108;
	_ =	swait.ge @!p0 [sflag:s8], $0x0  }
0x24: {  	s3 =	sadd.s32 $0x88, s3;
	s6 =	simm.s32 @!p1 $0x1082;
	[sflag:s4] =	ssyncset.s32 $0xFFFFF086  }
0x25: {  	[simem:s6], [sflag:s4] =	dma.local [hbm:s3], $0xF7A  }
0x26: {  	[smem:$0x3F9B] =	sst s1;
	(tag) =	ssettag s2;
	_ =	strace s9  }
0x27: {  	s1 =	sld [smem:$0x3FAB]  }
0x28: {  	s2 =	sld [smem:$0x3FAC]  }
0x29: {  	s4 =	sld [smem:$0x3FAE]  }
0x2a: {  	p0 =	seq.s32 s5, $0x0;
	s5 =	sld [smem:$0x3FAF]  }
0x2b: {  	s6 =	sld [smem:$0x3FB0]  }
0x2c: {  	s7 =	sld [smem:$0x3FB1]  }
0x2d: {  	s3 =	simm.s32 $0x108;
	s8 =	sld [smem:$0x3FB2]  }
0x2e: {  	s3 =	simm.s32 @!p0 $0x1082;
	s9 =	sld [smem:$0x3FB3]  }
0x2f: {  	lr =	sadd.s32 s0, s3;
	s0 =	sld [smem:$0x3FAA]  }
0x30: {  	s3 =	sld [smem:$0x3FAD]  }
0x31: {  	[smem:$0x3FB6] =	sst s10  }
0x32: {  	s10 =	sld [smem:$0x3FB4];
	_ =	sdelay $0x3  }
0x33: {  	p0 =	seq.s32 s10, $0x1;
	s10 =	sld [smem:$0x3FB6];
	_ =	sdelay $0x3  }
0x34: {  	[smem:$0x3FB6] =	sst s10  }
0x35: {  	s10 =	sld [smem:$0x3FB5];
	_ =	sdelay $0x3  }
0x36: {  	p1 =	seq.s32 s10, $0x1;
	s10 =	sld [smem:$0x3FB6];
	_ =	sdelay $0x3  }
0x37: {  	[smem:$0x3FB6] =	sst s10  }
0x38: {  	s10 =	sld [smem:$0x3FB7]  }
0x39: {  	_ = 	snop;
	(pc) =	sbr.ind lr, $3  }
0x3a: {  	_ = 	snop  }
0x3b: {  	_ = 	snop  }
0x3c: {  	p2 =	seq.s32 s10, $0x1;
	s10 =	sld [smem:$0x3FB6]  }
0x3d: {  	_ =	shalt  }
0x3e: {  	_ =	shalt  }
0x3f: {  	_ =	shalt  }
0x40: {  	_ =	shalt  }
0x41: {  	_ =	shalt  }
0x42: {  	_ =	shalt  }
0x43: {  	_ =	shalt  }
0x44: {  	_ =	shalt  }
0x45: {  	_ =	shalt  }
0x46: {  	_ =	shalt  }
0x47: {  	_ =	shalt  }
0x48: {  	_ =	shalt  }
0x49: {  	_ =	shalt  }
0x4a: {  	_ =	shalt  }
0x4b: {  	_ =	shalt  }
0x4c: {  	_ =	shalt  }
0x4d: {  	_ =	shalt  }
0x4e: {  	_ =	shalt  }
0x4f: {  	_ =	shalt  }
0x50: {  	_ =	shalt  }
0x51: {  	_ =	shalt  }
0x52: {  	_ =	shalt  }
0x53: {  	_ =	shalt  }
0x54: {  	_ =	shalt  }
0x55: {  	_ =	shalt  }
0x56: {  	_ =	shalt  }
0x57: {  	_ =	shalt  }
0x58: {  	_ =	shalt  }
0x59: {  	_ =	shalt  }
0x5a: {  	_ =	shalt  }
0x5b: {  	_ =	shalt  }
0x5c: {  	_ =	shalt  }
0x5d: {  	_ =	shalt  }
0x5e: {  	_ =	shalt  }
0x5f: {  	_ =	shalt  }
0x60: {  	_ =	shalt  }
0x61: {  	_ =	shalt  }
0x62: {  	_ =	shalt  }
0x63: {  	_ =	shalt  }
0x64: {  	_ =	shalt  }
0x65: {  	_ =	shalt  }
0x66: {  	_ =	shalt  }
0x67: {  	_ =	shalt  }
0x68: {  	_ =	shalt  }
0x69: {  	_ =	shalt  }
0x6a: {  	_ =	shalt  }
0x6b: {  	_ =	shalt  }
0x6c: {  	_ =	shalt  }
0x6d: {  	_ =	shalt  }
0x6e: {  	_ =	shalt  }
0x6f: {  	_ =	shalt  }
0x70: {  	_ =	shalt  }
0x71: {  	_ =	shalt  }
0x72: {  	_ =	shalt  }
0x73: {  	_ =	shalt  }
0x74: {  	_ =	shalt  }
0x75: {  	_ =	shalt  }
0x76: {  	_ =	shalt  }
0x77: {  	_ =	shalt  }
0x78: {  	_ =	shalt  }
0x79: {  	_ =	shalt  }
0x7a: {  	_ =	shalt  }
0x7b: {  	_ =	shalt  }
0x7c: {  	_ =	shalt  }
0x7d: {  	_ =	shalt  }
0x7e: {  	_ =	shalt  }
0x7f: {  	_ =	shalt  }
0x80: {  	_ =	shalt  }
0x81: {  	_ =	shalt  }
0x82: {  	_ =	shalt  }
0x83: {  	_ =	shalt  }
0x84: {  	_ =	shalt  }
0x85: {  	_ =	shalt  }
0x86: {  	_ =	shalt  }
0x87: {  	_ =	shalt  }
.Lfunc_end0:
.L_simem_size_0:
called_computation.2_lowered:
.L_overlay_start_0:
0x88: {  	s2 =	sld [smem:$0x3FD9]  }
0x89: {  	s3 =	sld [smem:$0x3FFE];
	_ =	sdelay $0x1  }
0x8a: {  	s1 =	srdreg.scid  }
0x8b: {  	s0 =	sand.u32 $0x1, s1  }
0x8c: {  	s17 =	sshll.u32 s0, $0xA;
	s2 =	sadd.s32 s3, s2  }
0x8d: {  	s2 =	sadd.s32 s2, s17  }
0x8e: {  	[smem:$0x3FC2] =	sst s2  }
0x8f: {  	_ = 	snop  }
0x90: {  	s2 =	sld [smem:$0x3FD0];
	(tm) =	ssettm $0x1  }
0x91: {  	s18 =	sld [smem:$0x3FFB];
	_ =	sdelay $0x3  }
0x92: {  	_ =	strace s18  }
0x93: {  	s3 =	sld [smem:$0x3FFC];
	_ =	sdelay $0x3  }
0x94: {  	_ =	strace s3  }
0x95: {  	s3 =	sld [smem:$0x3FFD];
	_ =	sdelay $0x3  }
0x96: {  	_ =	strace s3  }
0x97: {  	_ =	strace $0x8FFFFFFF  }
0x98: {  	s19 =	sld [smem:$0x3FDB];
	_ =	sdelay $0x1  }
0x99: {  	s4 =	simm.s32 $_scs_section_size  }
0x9a: {  	s5 =	simm.s32 $_size__tile_overlayer_lowered;
	s6 =	simm.s32 $_tile_overlayer_lowered  }
0x9b: {  	s22 =	simm.s32 $0x1BFF;
	s21 =	sshll.u32 s6, $0x1;
	s3 =	sadd.s32 s4, s19  }
0x9c: {  	s7 =	simm.s32 $0x0;
	s20 =	sshll.u32 s5, $0x1;
	s5 =	sadd.s32 s21, s3  }
0x9d: {  	[timem:s7], [sflag:s22] =	dma.local [hbm:s5], s20  }
0x9e: {  	_ =	swait.ge [sflag:s22], s20  }
0x9f: {  	s4 =	ssub.s32 $0x0, s20;
	[sflag:s22] =	ssyncset.done $0x0  }
0xa0: {  	[sflag:s22] =	ssyncadd.s32 s4;
	_ =	sdelay $0x1  }
0xa1: {  	s23 =	simm.s32 $0x1B8B  }
0xa2: {  	_ =	swait.ge [sflag:s23], $0x1  }
0xa3: {  	[sflag:s23] =	ssyncset.done $0x0  }
0xa4: {  	s25 =	simm.s32 $0x1B8E;
	s24 =	sld [smem:$0x3FFE];
	[sflag:s23] =	ssyncadd.s32 $0xFFFFFFFF  }
0xa5: {  	s26 =	simm.s32 $execute0_lowered;
	[smem:$0x3FD2] =	sst s25  }
0xa6: {  	s5 =	sshll.u32 s26, $0x1;
	_ =	strace $0x8000004C;
	[dreg:$0x1] =	wrdreg $0xFFFFFFFF  }
0xa7: {  	s28 =	simm.s32 $_size_execute0_lowered;
	s3 =	sadd.s32 s3, s5;
	[dreg:$0x0] =	wrdreg $0x0  }
0xa8: {  	s5 =	sshll.u32 s28, $0x1;
	[dreg:$0x2] =	wrdreg s3  }
0xa9: {  	[dreg:$0x3] =	wrdreg s5  }
0xaa: {  	[dreg:$0x4] =	wrdreg $0xC0  }
0xab: {  	_ =	task [dreg:s7], $0x5FFFF  }
0xac: {  	[dreg:$0x1] =	wrdreg $0xFFFFFFFF  }
0xad: {  	[dreg:$0x0] =	wrdreg $0x60  }
0xae: {  	[dreg:$0x2] =	wrdreg s24  }
0xaf: {  	[dreg:$0x3] =	wrdreg s2  }
0xb0: {  	[dreg:$0x4] =	wrdreg $0x9E200  }
0xb1: {  	[dreg:$0x5] =	wrdreg $0x9  }
0xb2: {  	_ =	task.clear_ibuf [dreg:s7], $0x6FFFF;
	_ =	strace $0x9000004C  }
0xb3: {  	s29 =	simm.s32 $0x9;
	_ =	strace $0x8000004E  }
0xb4: {  	_ =	swait.ge [sflag:s29], $0x1  }
0xb5: {  	[sflag:s29] =	ssyncadd.s32 $0xFFFFFFFF  }
0xb6: {  	_ =	strace $0x9000004E  }
0xb7: {  	_ =	sfence  }
0xb8: {  	s30 =	sld [smem:$0x0];
	_ =	sdelay $0x2  }
0xb9: {  	s31 =	sshll.u32 s1, $0xD;
	s1 =	sshrl.u32 s1, $0x2  }
0xba: {  	s3 =	sand.u32 $0x4000, s31;
	s1 =	sadd.s32 s1, s30  }
0xbb: {  	s0 =	sor.u32 s3, s0;
	s1 =	sshll.u32 s1, $0x11  }
0xbc: {  	s0 =	sor.u32 s1, s0  }
0xbd: {  	s0 =	sadd.s32 $0x8F2B, s0  }
0xbe: {  	[sflag:s0] =	ssyncadd.remote.s32 $0x1  }
0xbf: {  	_ =	sfence.sel $0xFFFF  }
0xc0: {  	[dreg:$0x0] =	wrdreg $0xFFFFFFFF;
	(pc) =	sbr.abs _section_cstart, $3  }
0xc1: {  	[dreg:$0x1] =	wrdreg $0xFFFFFFFF  }
0xc2: {  	_ =	task.clear_ibuf [dreg:s7], $0x2FFFF;
	_ =	strace $0x9FFFFFFF  }
0xc3: {  	(tm) =	ssettm $0x7FFFFFFF  }
tec
execute0_lowered:
.L_overlay_start_1:
0x0: {  	(tag) =	ssettag $0x1  }
0x1: {  	s0 =	srdreg.scid;
	s1 =	rddreg [dreg:$0x0]  }
0x2: {  	s2 =	rddreg [dreg:$0x1];
	s8 =	stileid.u32  }
0x3: {  	s3 =	rddreg [dreg:$0x2];
	s28 =	simm.s32 $0x1;
	s29 =	simm.s32 $0x50  }
0x4: {  	s30 =	simm.s32 $0x7620;
	s31 =	simm.s32 $0x2;
	s0 =	sand.u32 $0x1, s0  }
0x5: {  	s14 =	smul.u32 $0x14000, s8;
	s4 =	sshll.u32 s0, $0x4;
	s6 =	ssub.s32 $0x2, s0  }
0x6: {  	s0 =	smul.u32 $0x140000, s0;
	s5 =	sor.u32 s8, s4;
	s4 =	simm.s32 $0x0  }
0x7: {  	s25 =	sshrl.u32 s6, $0x1;
	s15 =	sor.u32 $0x2800, s14;
	s17 =	sadd.s32 $0x5000, s14  }
0x8: {  	s18 =	sadd.s32 $0x7800, s14;
	s19 =	sadd.s32 $0xA000, s14;
	s20 =	sadd.s32 $0xC800, s14  }
0x9: {  	s21 =	sadd.s32 $0xF000, s14;
	s22 =	sadd.s32 $0x11800, s14;
	s5 =	smul.u32 $0x2710, s5  }
0xa: {  	[smem:$0x7FF] =	sst s4;
	s23 =	ssub.s32 s6, s25;
	s8 =	sadd.s32 s15, s3  }
0xb: {  	s9 =	sadd.s32 s17, s3;
	s10 =	sadd.s32 s18, s3;
	s11 =	sadd.s32 s19, s3  }
0xc: {  	s12 =	sadd.s32 s20, s3;
	s13 =	sadd.s32 s21, s3;
	s16 =	sadd.s32 s14, s0  }
0xd: {  	s15 =	sadd.s32 s0, s15;
	s17 =	sadd.s32 s0, s17;
	s18 =	sadd.s32 s0, s18  }
0xe: {  	s19 =	sadd.s32 s0, s19;
	s20 =	sadd.s32 s0, s20;
	s21 =	sadd.s32 s0, s21  }
0xf: {  	s0 =	sadd.s32 s0, s22;
	_ =	strace $0x8000004D;
	s16 =	sshrl.u32 s16, $0x3  }
0x10: {  	s24 =	sshrl.u32 s15, $0x3;
	s17 =	sshrl.u32 s17, $0x3;
	s18 =	sshrl.u32 s18, $0x3  }
0x11: {  	s19 =	sshrl.u32 s19, $0x3;
	s20 =	sshrl.u32 s20, $0x3;
	s5 =	sshrl.u32 s5, $0x3  }
0x12: {  	s21 =	sshrl.u32 s21, $0x3;
	s0 =	sshrl.u32 s0, $0x3;
	s7 =	sadd.s32 s5, s1  }
0x13: {  	s23 =	smax.u32 s23, $0x1;
	s1 =	sadd.s32 $0x16000, s1;
	s26 =	sadd.s32 $0x2600, s7  }
0x14: {  	s6 =	sadd.s32 $0xC240, s7;
	s7 =	sadd.s32 s14, s3;
	s14 =	sadd.s32 s22, s3  }
0x15: {  	s15 =	sadd.s32 s1, s16;
	s16 =	sadd.s32 s1, s24;
	s17 =	sadd.s32 s1, s17  }
0x16: {  	s18 =	sadd.s32 s1, s18;
	s19 =	sadd.s32 s1, s19;
	s20 =	sadd.s32 s1, s20  }
0x17: {  	s21 =	sadd.s32 s1, s21;
	s22 =	sadd.s32 s1, s0;
	s24 =	simm.s32 $0x3  }
0x18: {  	v0 =	vimm.f32 $0.0e+00;
	s0 =	simm.s32 $0x0;
	[dreg:$0x4] =	wrdreg s26;
	s26 =	simm.s32 $0x4E20  }
.LBB2_1:
0x19: {  	s1 =	rddreg [dreg:$0x4]  }
0x1a: {  	[tilespmem:s4], [sflag:$0x3] =	stream.linear.gather [hbm4b:s1+s4], $0x2710, $0x38;
	[tilespmem:$0x1DE20] =	vst v63  }
0x1b: {  	_ =	swait.ge [sflag:s24], $0x2710  }
0x1c: {  	[sflag:s24] =	ssyncset.done $0x0  }
0x1d: {  	s25 =	simm.s32 $0x2710;
	[sflag:s24] =	ssyncadd.s32 $0xFFFFD8F0  }
0x1e: {  	[tilespmem:s25], [sflag:$0x3] =	stream.linear.gather [hbm4b:s6+s4], $0x2710, $0x38;
	[tilespmem:$0x1DE20] =	vst v63  }
0x1f: {  	_ =	swait.ge [sflag:s24], $0x2710  }
0x20: {  	[sflag:s24] =	ssyncset.done $0x0  }
0x21: {  	s1 =	simm.s32 $0x200;
	s25 =	simm.s32 $0x0;
	[sflag:s24] =	ssyncadd.s32 $0xFFFFD8F0  }
.LBB2_2:
0x22: {  	p0 =	sne.s32 s1, $0x9E00;
	[tilespmem:s25+$0x4E90] =	vst v0  }
0x23: {  	[tilespmem:s25+$0x4E20] =	vst v0  }
0x24: {  	[tilespmem:s25+$0x4E30] =	vst v0  }
.Ltmp0:
0x25: {  	[tilespmem:s25+$0x4E40] =	vst v0;
	(pc) =	sbr.rel @p0 .LBB2_2-.Ltmp0, $4  }
0x26: {  	[tilespmem:s25+$0x4E50] =	vst v0  }
0x27: {  	[tilespmem:s25+$0x4E60] =	vst v0  }
0x28: {  	[tilespmem:s25+$0x4E70] =	vst v0  }
0x29: {  	[tilespmem:s25+$0x4E80] =	vst v0;
	s25 =	sshra.s32 s1, $0x2;
	s1 =	sadd.s32 $0x200, s1  }
0x2a: {  	[tilespmem:s25+$0x4E90] =	vst v0  }
0x2b: {  	[tilespmem:s25+$0x4E20] =	vst v0  }
0x2c: {  	[tilespmem:s25+$0x4E30] =	vst v0  }
0x2d: {  	[tilespmem:s25+$0x4E40] =	vst v0  }
0x2e: {  	[tilespmem:s25+$0x4E50] =	vst v0  }
0x2f: {  	[tilespmem:s25+$0x4E60] =	vst v0  }
0x30: {  	[tilespmem:s25+$0x4E70] =	vst v0  }
0x31: {  	[tilespmem:s25+$0x4E80] =	vst v0  }
0x32: {  	[spmem:s7] =	stream.linear.scatter [tilespmem:s26], [sflag:$0x1], $0x2800, $0x38;
	[tilespmem:$0x1DE20] =	vst v63  }
0x33: {  	_ = 	snop  }
0x34: {  	[spmem:s8] =	stream.linear.scatter [tilespmem:s26], [sflag:$0x1], $0x2800, $0x38;
	[tilespmem:$0x1DE20] =	vst v63  }
0x35: {  	_ = 	snop  }
0x36: {  	[spmem:s9] =	stream.linear.scatter [tilespmem:s26], [sflag:$0x1], $0x2800, $0x38;
	[tilespmem:$0x1DE20] =	vst v63  }
0x37: {  	_ = 	snop  }
0x38: {  	[spmem:s10] =	stream.linear.scatter [tilespmem:s26], [sflag:$0x1], $0x2800, $0x38;
	[tilespmem:$0x1DE20] =	vst v63  }
0x39: {  	_ = 	snop  }
0x3a: {  	[spmem:s11] =	stream.linear.scatter [tilespmem:s26], [sflag:$0x1], $0x2800, $0x38;
	[tilespmem:$0x1DE20] =	vst v63  }
0x3b: {  	_ = 	snop  }
0x3c: {  	[spmem:s12] =	stream.linear.scatter [tilespmem:s26], [sflag:$0x1], $0x2800, $0x38;
	[tilespmem:$0x1DE20] =	vst v63  }
0x3d: {  	_ = 	snop  }
0x3e: {  	[spmem:s13] =	stream.linear.scatter [tilespmem:s26], [sflag:$0x1], $0x2800, $0x38;
	[tilespmem:$0x1DE20] =	vst v63  }
0x3f: {  	_ = 	snop  }
0x40: {  	[spmem:s14] =	stream.linear.scatter [tilespmem:s26], [sflag:$0x1], $0x2800, $0x38;
	[tilespmem:$0x1DE20] =	vst v63  }
0x41: {  	_ =	swait.ge [sflag:s28], $0x2800  }
0x42: {  	[sflag:s28] =	ssyncset.done $0x0  }
0x43: {  	[sflag:s28] =	ssyncadd.s32 $0xFFFFD800  }
0x44: {  	_ =	swait.ge [sflag:s28], $0x2800  }
0x45: {  	[sflag:s28] =	ssyncset.done $0x0  }
0x46: {  	[sflag:s28] =	ssyncadd.s32 $0xFFFFD800  }
0x47: {  	_ =	swait.ge [sflag:s28], $0x2800  }
0x48: {  	[sflag:s28] =	ssyncset.done $0x0  }
0x49: {  	[sflag:s28] =	ssyncadd.s32 $0xFFFFD800  }
0x4a: {  	_ =	swait.ge [sflag:s28], $0x2800  }
0x4b: {  	[sflag:s28] =	ssyncset.done $0x0  }
0x4c: {  	[sflag:s28] =	ssyncadd.s32 $0xFFFFD800  }
0x4d: {  	_ =	swait.ge [sflag:s28], $0x2800  }
0x4e: {  	[sflag:s28] =	ssyncset.done $0x0  }
0x4f: {  	[sflag:s28] =	ssyncadd.s32 $0xFFFFD800  }
0x50: {  	_ =	swait.ge [sflag:s28], $0x2800  }
0x51: {  	[sflag:s28] =	ssyncset.done $0x0  }
0x52: {  	[sflag:s28] =	ssyncadd.s32 $0xFFFFD800  }
0x53: {  	_ =	swait.ge [sflag:s28], $0x2800  }
0x54: {  	[sflag:s28] =	ssyncset.done $0x0  }
0x55: {  	[sflag:s28] =	ssyncadd.s32 $0xFFFFD800  }
0x56: {  	_ =	swait.ge [sflag:s28], $0x2800  }
0x57: {  	[sflag:s28] =	ssyncset.done $0x0  }
0x58: {  	[sflag:s28] =	ssyncadd.s32 $0xFFFFD800  }
0x59: {  	s1 =	simm.s32 $0x0;
	[bflag:$0x0] =	sbarrier.arrive $0xFFFF  }
0x5a: {  	[tilespmem:s26], [sflag:$0x1] =	stream.indirect.gather [hbm4b:s2+s29], $0x80, s1, s29, $0xb8;
	[tilespmem:$0x1DE20] =	vst v63  }
0x5b: {  	_ = 	snop  }
0x5c: {  	[tilespmem:s30], [sflag:$0x2] =	stream.indirect.gather [hbm4b:s2+s29], $0x80, s29, s29, $0xb8;
	[tilespmem:$0x1DE20] =	vst v63  }
0x5d: {  	_ =	swait.ge [sflag:s28], $0x2800  }
0x5e: {  	[sflag:s28] =	ssyncset.done $0x0  }
0x5f: {  	s25 =	simm.s32 $0x2710;
	[sflag:s28] =	ssyncadd.s32 $0xFFFFD800  }
0x60: {  	[spmem:s3] =	stream.indirect.scatter.add.f32 [tilespmem:s26], [sflag:$0x3], $0x80, s25, s29, $0xb8;
	[tilespmem:$0x1DE20] =	vst v63  }
0x61: {  	_ =	swait.ge [sflag:s24], $0x2800  }
0x62: {  	[sflag:s24] =	ssyncset.done $0x0  }
0x63: {  	s5 =	simm.s32 $0xA0;
	[sflag:s24] =	ssyncadd.s32 $0xFFFFD800  }
0x64: {  	[tilespmem:s26], [sflag:$0x1] =	stream.indirect.gather [hbm4b:s2+s29], $0x80, s5, s29, $0xb8;
	[tilespmem:$0x1DE20] =	vst v63  }
0x65: {  	_ =	swait.ge [sflag:s31], $0x2800  }
0x66: {  	[sflag:s31] =	ssyncset.done $0x0  }
0x67: {  	s25 =	simm.s32 $0x2760;
	[sflag:s31] =	ssyncadd.s32 $0xFFFFD800  }
0x68: {  	[spmem:s3] =	stream.indirect.scatter.add.f32 [tilespmem:s30], [sflag:$0x3], $0x80, s25, s29, $0xb8;
	[tilespmem:$0x1DE20] =	vst v63  }
0x69: {  	_ =	swait.ge [sflag:s24], $0x2800  }
0x6a: {  	[sflag:s24] =	ssyncset.done $0x0  }
0x6b: {  	s1 =	simm.s32 $0xF0;
	s25 =	simm.s32 $0x280;
	[sflag:s24] =	ssyncadd.s32 $0xFFFFD800  }
.LBB2_4:
0x6c: {  	[tilespmem:s30], [sflag:$0x2] =	stream.indirect.gather [hbm4b:s2+s29], $0x80, s1, s29, $0xb8;
	[tilespmem:$0x1DE20] =	vst v63  }
0x6d: {  	s1 =	smov.u32 s25  }
0x6e: {  	p0 =	sne.s32 s25, $0x9600;
	s25 =	sadd.s32 $0x280, s25;
	_ =	swait.ge [sflag:s28], $0x2800  }
0x6f: {  	s1 =	sshra.s32 s1, $0x2;
	[sflag:s28] =	ssyncset.done $0x0  }
0x70: {  	s5 =	sadd.s32 $0x2710, s1;
	[sflag:s28] =	ssyncadd.s32 $0xFFFFD800  }
0x71: {  	[spmem:s3] =	stream.indirect.scatter.add.f32 [tilespmem:s26], [sflag:$0x3], $0x80, s5, s29, $0xb8;
	[tilespmem:$0x1DE20] =	vst v63  }
0x72: {  	_ =	swait.ge [sflag:s24], $0x2800  }
0x73: {  	[sflag:s24] =	ssyncset.done $0x0  }
0x74: {  	s5 =	sadd.s32 $0xA0, s1;
	[sflag:s24] =	ssyncadd.s32 $0xFFFFD800  }
0x75: {  	[tilespmem:s26], [sflag:$0x1] =	stream.indirect.gather [hbm4b:s2+s29], $0x80, s5, s29, $0xb8;
	[tilespmem:$0x1DE20] =	vst v63  }
0x76: {  	_ =	swait.ge [sflag:s31], $0x2800  }
0x77: {  	[sflag:s31] =	ssyncset.done $0x0  }
.Ltmp1:
0x78: {  	s5 =	sadd.s32 $0x2760, s1;
	[sflag:s31] =	ssyncadd.s32 $0xFFFFD800;
	(pc) =	sbr.rel @p0 .LBB2_4-.Ltmp1, $4  }
0x79: {  	[spmem:s3] =	stream.indirect.scatter.add.f32 [tilespmem:s30], [sflag:$0x3], $0x80, s5, s29, $0xb8;
	[tilespmem:$0x1DE20] =	vst v63  }
0x7a: {  	_ =	swait.ge [sflag:s24], $0x2800  }
0x7b: {  	[sflag:s24] =	ssyncset.done $0x0  }
0x7c: {  	s1 =	sadd.s32 $0xF0, s1;
	[sflag:s24] =	ssyncadd.s32 $0xFFFFD800  }
0x7d: {  	[tilespmem:s30], [sflag:$0x2] =	stream.indirect.gather [hbm4b:s2+s29], $0x80, s1, s29, $0xb8;
	[tilespmem:$0x1DE20] =	vst v63  }
0x7e: {  	_ =	swait.ge [sflag:s28], $0x2800  }
0x7f: {  	[sflag:s28] =	ssyncset.done $0x0  }
0x80: {  	s5 =	simm.s32 $0x4D30;
	[sflag:s28] =	ssyncadd.s32 $0xFFFFD800  }
0x81: {  	[spmem:s3] =	stream.indirect.scatter.add.f32 [tilespmem:s26], [sflag:$0x3], $0x80, s5, s29, $0xb8;
	[tilespmem:$0x1DE20] =	vst v63  }
0x82: {  	_ =	swait.ge [sflag:s24], $0x2800  }
0x83: {  	[sflag:s24] =	ssyncset.done $0x0  }
0x84: {  	s25 =	simm.s32 $0x26C0;
	[sflag:s24] =	ssyncadd.s32 $0xFFFFD800  }
0x85: {  	[tilespmem:s26], [sflag:$0x1] =	stream.indirect.gather [hbm4b:s2+s29], $0x80, s25, s29, $0xb8;
	[tilespmem:$0x1DE20] =	vst v63  }
0x86: {  	_ =	swait.ge [sflag:s31], $0x2800  }
0x87: {  	[sflag:s31] =	ssyncset.done $0x0  }
0x88: {  	s5 =	simm.s32 $0x4D80;
	[sflag:s31] =	ssyncadd.s32 $0xFFFFD800  }
0x89: {  	[spmem:s3] =	stream.indirect.scatter.add.f32 [tilespmem:s30], [sflag:$0x3], $0x80, s5, s29, $0xb8;
	[tilespmem:$0x1DE20] =	vst v63  }
0x8a: {  	_ =	swait.ge [sflag:s24], $0x2800  }
0x8b: {  	[sflag:s24] =	ssyncset.done $0x0  }
0x8c: {  	[sflag:s24] =	ssyncadd.s32 $0xFFFFD800  }
0x8d: {  	_ =	swait.ge [sflag:s28], $0x2800  }
0x8e: {  	[sflag:s28] =	ssyncset.done $0x0  }
0x8f: {  	s25 =	simm.s32 $0x4DD0;
	[sflag:s28] =	ssyncadd.s32 $0xFFFFD800  }
0x90: {  	[spmem:s3] =	stream.indirect.scatter.add.f32 [tilespmem:s26], [sflag:$0x3], $0x80, s25, s29, $0xb8;
	[tilespmem:$0x1DE20] =	vst v63  }
0x91: {  	_ =	swait.ge [sflag:s24], $0x2800  }
0x92: {  	[sflag:s24] =	ssyncset.done $0x0  }
0x93: {  	[sflag:s24] =	ssyncadd.s32 $0xFFFFD800  }
0x94: {  	[bflag:$0x0] =	sbarrier.arrive $0xFFFF  }
0x95: {  	[tilespmem:s26], [sflag:$0x3] =	stream.linear.gather [spmem:s7], $0x2800, $0x38;
	[tilespmem:$0x1DE20] =	vst v63  }
0x96: {  	_ =	swait.ge [sflag:s24], $0x2800  }
0x97: {  	[sflag:s24] =	ssyncset.done $0x0  }
0x98: {  	[sflag:s24] =	ssyncadd.s32 $0xFFFFD800  }
0x99: {  	[hbm4b:s15+s4] =	stream.linear.scatter [tilespmem:s26], [sflag:$0x3], $0x2800, $0x38;
	[tilespmem:$0x1DE20] =	vst v63  }
0x9a: {  	_ =	swait.ge [sflag:s24], $0x2800  }
0x9b: {  	[sflag:s24] =	ssyncset.done $0x0  }
0x9c: {  	[sflag:s24] =	ssyncadd.s32 $0xFFFFD800  }
0x9d: {  	[tilespmem:s30], [sflag:$0x3] =	stream.linear.gather [spmem:s8], $0x2800, $0x38;
	[tilespmem:$0x1DE20] =	vst v63  }
0x9e: {  	_ =	swait.ge [sflag:s24], $0x2800  }
0x9f: {  	[sflag:s24] =	ssyncset.done $0x0  }
0xa0: {  	[sflag:s24] =	ssyncadd.s32 $0xFFFFD800  }
0xa1: {  	[hbm4b:s16+s4] =	stream.linear.scatter [tilespmem:s30], [sflag:$0x3], $0x2800, $0x38;
	[tilespmem:$0x1DE20] =	vst v63  }
0xa2: {  	_ =	swait.ge [sflag:s24], $0x2800  }
0xa3: {  	[sflag:s24] =	ssyncset.done $0x0  }
0xa4: {  	[sflag:s24] =	ssyncadd.s32 $0xFFFFD800  }
0xa5: {  	[tilespmem:s26], [sflag:$0x3] =	stream.linear.gather [spmem:s9], $0x2800, $0x38;
	[tilespmem:$0x1DE20] =	vst v63  }
0xa6: {  	_ =	swait.ge [sflag:s24], $0x2800  }
0xa7: {  	[sflag:s24] =	ssyncset.done $0x0  }
0xa8: {  	[sflag:s24] =	ssyncadd.s32 $0xFFFFD800  }
0xa9: {  	[hbm4b:s17+s4] =	stream.linear.scatter [tilespmem:s26], [sflag:$0x3], $0x2800, $0x38;
	[tilespmem:$0x1DE20] =	vst v63  }
0xaa: {  	_ =	swait.ge [sflag:s24], $0x2800  }
0xab: {  	[sflag:s24] =	ssyncset.done $0x0  }
0xac: {  	[sflag:s24] =	ssyncadd.s32 $0xFFFFD800  }
0xad: {  	[tilespmem:s30], [sflag:$0x3] =	stream.linear.gather [spmem:s10], $0x2800, $0x38;
	[tilespmem:$0x1DE20] =	vst v63  }
0xae: {  	_ =	swait.ge [sflag:s24], $0x2800  }
0xaf: {  	[sflag:s24] =	ssyncset.done $0x0  }
0xb0: {  	[sflag:s24] =	ssyncadd.s32 $0xFFFFD800  }
0xb1: {  	[hbm4b:s18+s4] =	stream.linear.scatter [tilespmem:s30], [sflag:$0x3], $0x2800, $0x38;
	[tilespmem:$0x1DE20] =	vst v63  }
0xb2: {  	_ =	swait.ge [sflag:s24], $0x2800  }
0xb3: {  	[sflag:s24] =	ssyncset.done $0x0  }
0xb4: {  	[sflag:s24] =	ssyncadd.s32 $0xFFFFD800  }
0xb5: {  	[tilespmem:s26], [sflag:$0x3] =	stream.linear.gather [spmem:s11], $0x2800, $0x38;
	[tilespmem:$0x1DE20] =	vst v63  }
0xb6: {  	_ =	swait.ge [sflag:s24], $0x2800  }
0xb7: {  	[sflag:s24] =	ssyncset.done $0x0  }
0xb8: {  	[sflag:s24] =	ssyncadd.s32 $0xFFFFD800  }
0xb9: {  	[hbm4b:s19+s4] =	stream.linear.scatter [tilespmem:s26], [sflag:$0x3], $0x2800, $0x38;
	[tilespmem:$0x1DE20] =	vst v63  }
0xba: {  	_ =	swait.ge [sflag:s24], $0x2800  }
0xbb: {  	[sflag:s24] =	ssyncset.done $0x0  }
0xbc: {  	[sflag:s24] =	ssyncadd.s32 $0xFFFFD800  }
0xbd: {  	[tilespmem:s30], [sflag:$0x3] =	stream.linear.gather [spmem:s12], $0x2800, $0x38;
	[tilespmem:$0x1DE20] =	vst v63  }
0xbe: {  	_ =	swait.ge [sflag:s24], $0x2800  }
0xbf: {  	[sflag:s24] =	ssyncset.done $0x0  }
0xc0: {  	[sflag:s24] =	ssyncadd.s32 $0xFFFFD800  }
0xc1: {  	[hbm4b:s20+s4] =	stream.linear.scatter [tilespmem:s30], [sflag:$0x3], $0x2800, $0x38;
	[tilespmem:$0x1DE20] =	vst v63  }
0xc2: {  	_ =	swait.ge [sflag:s24], $0x2800  }
0xc3: {  	[sflag:s24] =	ssyncset.done $0x0  }
0xc4: {  	[sflag:s24] =	ssyncadd.s32 $0xFFFFD800  }
0xc5: {  	[tilespmem:s26], [sflag:$0x3] =	stream.linear.gather [spmem:s13], $0x2800, $0x38;
	[tilespmem:$0x1DE20] =	vst v63  }
0xc6: {  	_ =	swait.ge [sflag:s24], $0x2800  }
0xc7: {  	[sflag:s24] =	ssyncset.done $0x0  }
0xc8: {  	[sflag:s24] =	ssyncadd.s32 $0xFFFFD800  }
0xc9: {  	[hbm4b:s21+s4] =	stream.linear.scatter [tilespmem:s26], [sflag:$0x3], $0x2800, $0x38;
	[tilespmem:$0x1DE20] =	vst v63  }
0xca: {  	_ =	swait.ge [sflag:s24], $0x2800  }
0xcb: {  	[sflag:s24] =	ssyncset.done $0x0  }
0xcc: {  	[sflag:s24] =	ssyncadd.s32 $0xFFFFD800  }
0xcd: {  	[tilespmem:s30], [sflag:$0x3] =	stream.linear.gather [spmem:s14], $0x2800, $0x38;
	[tilespmem:$0x1DE20] =	vst v63  }
0xce: {  	s0 =	sadd.s32 $0x1, s0;
	_ =	swait.ge [sflag:s24], $0x2800  }
0xcf: {  	p0 =	sne.s32 s0, s23;
	[sflag:s24] =	ssyncset.done $0x0  }
.Ltmp2:
0xd0: {  	[sflag:s24] =	ssyncadd.s32 $0xFFFFD800;
	(pc) =	sbr.rel @p0 .LBB2_1-.Ltmp2, $4  }
0xd1: {  	[hbm4b:s22+s4] =	stream.linear.scatter [tilespmem:s30], [sflag:$0x3], $0x2800, $0x38;
	[tilespmem:$0x1DE20] =	vst v63  }
0xd2: {  	_ =	swait.ge [sflag:s24], $0x2800  }
0xd3: {  	[sflag:s24] =	ssyncset.done $0x0  }
0xd4: {  	[sflag:s24] =	ssyncadd.s32 $0xFFFFD800  }
0xd5: {  	_ =	sfence.sel $0x180000  }
0xd6: {  	[bflag:$0x0] =	sbarrier.arrive $0xFFFF  }
0xd7: {  	_ =	strace $0x9000004D  }
0xd8: {  	s0 =	stileid.u32;
	[bflag:$0x2] =	sbarrier.arrive $0xFFFF  }
0xd9: {  	p0 =	sne.s32 s0, $0x0;
	s0 =	rddreg [dreg:$0x3]  }
0xda: {  	s0 =	sadd.s32 @!p0 $0x100000, s0  }
0xdb: {  	[sflag:s0] =	ssyncadd.tile.s32 @!p0 $0x1;
	_ =	shalt  }
.Lfunc_end2:
_tile_overlayer_lowered:
.L_overlay_start_2:
0xdc: {  	(tag) =	ssettag $0x2  }
0xdd: {  	s0 =	rddreg [dreg:$0x0];
	s2 =	stileid.u32  }
0xde: {  	s1 =	rddreg [dreg:$0x1];
	p0 =	sne.s32 s2, $0x0  }
0xdf: {  	s3 =	rddreg [dreg:$0x2];
	[bflag:$0x3] =	sbarrier.arrive $0xFFFF;
	s2 =	simm.s32 @!p0 $0x1C03  }
0xe0: {  	[timem:s3], [sflag:s2] =	dma.local @!p0 [hbm:s0], s1  }
0xe1: {  	s0 =	simm.s32 @!p0 $0x3  }
0xe2: {  	_ =	swait.ge @!p0 [sflag:s0], s1  }
0xe3: {  	s1 =	ssub.s32 @!p0 $0x0, s1;
	[sflag:s0] =	ssyncset.done @!p0 $0x0  }
0xe4: {  	[sflag:s0] =	ssyncadd.s32 @!p0 s1  }
0xe5: {  	[bflag:$0x3] =	sbarrier.arrive $0xFFFF  }
0xe6: {  	_ =	shalt  }

// kernel: kernel.8.cloned.1.call-start
scs
__scs_entry_jumppad:
0x0: {  	(pc) =	sbr.rel $0x88, $3  }
0x1: {  	(tag) =	ssettag $0x0;
	lr =	simm.s32 $0x1  }
0x2: {  	[smem:$0x3F9B] =	sst lr;
	_ =	strace $0xD0000000  }
0x3: {  	_ = 	snop  }
0x4: {  	_ = 	snop  }
0x5: {  	_ = 	snop  }
0x6: {  	_ = 	snop  }
0x7: {  	_ = 	snop  }
__scs_overlays_trampoline_lowered:
0x8: {  	[smem:$0x3FAA] =	sst s0  }
0x9: {  	[smem:$0x3FAB] =	sst s1  }
0xa: {  	[smem:$0x3FAC] =	sst s2  }
0xb: {  	[smem:$0x3FAD] =	sst s3  }
0xc: {  	[smem:$0x3FAE] =	sst s4  }
0xd: {  	[smem:$0x3FAF] =	sst s5  }
0xe: {  	[smem:$0x3FB0] =	sst s6  }
0xf: {  	[smem:$0x3FB1] =	sst s7  }
0x10: {  	[smem:$0x3FB2] =	sst s8  }
0x11: {  	[smem:$0x3FB3] =	sst s9;
	s0 =	simm.s32 @!p0 $0x0  }
0x12: {  	s1 =	sld [smem:$0x3F99];
	s0 =	simm.s32 @p0 $0x1  }
0x13: {  	[smem:$0x3FB4] =	sst s0;
	s0 =	simm.s32 @!p1 $0x0  }
0x14: {  	s2 =	sld [smem:$0x3F98];
	s0 =	simm.s32 @p1 $0x1  }
0x15: {  	[smem:$0x3FB5] =	sst s0;
	s0 =	simm.s32 @!p2 $0x0  }
0x16: {  	s3 =	sld [smem:$0x3FDB];
	s0 =	simm.s32 @p2 $0x1  }
0x17: {  	s4 =	simm.s32 $0x1BF5;
	[smem:$0x3FB7] =	sst s0  }
0x18: {  	s0 =	sld [smem:$0x3F9A];
	_ =	swait.ge [sflag:s4], $0x0  }
0x19: {  	s7 =	sld [smem:$0x3F9B]  }
0x1a: {  	s8 =	sadd.s32 $0xFFFFE003, lr  }
0x1b: {  	s9 =	sadd.s32 $0xFFFFFEF7, lr;
	s5 =	simm.s32 $0xFFFFFFFF;
	p2 =	slt.u32 s8, $0xFFFFF086  }
0x1c: {  	p1 =	slt.u32 s9, $0xF7A;
	s5 =	simm.s32 @!p2 $0x0  }
0x1d: {  	s5 =	simm.s32 @p1 $0x1;
	p0 =	seq.s32 s7, s2  }
0x1e: {  	s7 =	smul.u32 @!p0 $0xF7A, s2;
	p2 =	seq.s32 @!p0 s5, $0x0  }
0x1f: {  	s9 =	smul.u32 $0xF7A, s1;
	s8 =	simm.s32 @!p0 $0x1BF5;
	p2 =	por !p2, p0  }
0x20: {  	[sflag:s8] =	ssyncset.s32 @!p0 $0xFFFFF086;
	s6 =	sadd.s32 @!p0 s3, s7;
	s7 =	simm.s32 @!p0 $0x108  }
0x21: {  	s3 =	sadd.s32 s3, s9;
	s6 =	sadd.s32 @!p0 $0x88, s6;
	s7 =	simm.s32 @p2 $0x1082  }
0x22: {  	[simem:s7], [sflag:s8] =	dma.local @!p0 [hbm:s6], $0xF7A  }
0x23: {  	s9 =	sor.u32 $0xD0000000, s2;
	s6 =	simm.s32 $0x108;
	_ =	swait.ge @!p0 [sflag:s8], $0x0  }
0x24: {  	s3 =	sadd.s32 $0x88, s3;
	s6 =	simm.s32 @!p1 $0x1082;
	[sflag:s4] =	ssyncset.s32 $0xFFFFF086  }
0x25: {  	[simem:s6], [sflag:s4] =	dma.local [hbm:s3], $0xF7A  }
0x26: {  	[smem:$0x3F9B] =	sst s1;
	(tag) =	ssettag s2;
	_ =	strace s9  }
0x27: {  	s1 =	sld [smem:$0x3FAB]  }
0x28: {  	s2 =	sld [smem:$0x3FAC]  }
0x29: {  	s4 =	sld [smem:$0x3FAE]  }
0x2a: {  	p0 =	seq.s32 s5, $0x0;
	s5 =	sld [smem:$0x3FAF]  }
0x2b: {  	s6 =	sld [smem:$0x3FB0]  }
0x2c: {  	s7 =	sld [smem:$0x3FB1]  }
0x2d: {  	s3 =	simm.s32 $0x108;
	s8 =	sld [smem:$0x3FB2]  }
0x2e: {  	s3 =	simm.s32 @!p0 $0x1082;
	s9 =	sld [smem:$0x3FB3]  }
0x2f: {  	lr =	sadd.s32 s0, s3;
	s0 =	sld [smem:$0x3FAA]  }
0x30: {  	s3 =	sld [smem:$0x3FAD]  }
0x31: {  	[smem:$0x3FB6] =	sst s10  }
0x32: {  	s10 =	sld [smem:$0x3FB4];
	_ =	sdelay $0x3  }
0x33: {  	p0 =	seq.s32 s10, $0x1;
	s10 =	sld [smem:$0x3FB6];
	_ =	sdelay $0x3  }
0x34: {  	[smem:$0x3FB6] =	sst s10  }
0x35: {  	s10 =	sld [smem:$0x3FB5];
	_ =	sdelay $0x3  }
0x36: {  	p1 =	seq.s32 s10, $0x1;
	s10 =	sld [smem:$0x3FB6];
	_ =	sdelay $0x3  }
0x37: {  	[smem:$0x3FB6] =	sst s10  }
0x38: {  	s10 =	sld [smem:$0x3FB7]  }
0x39: {  	_ = 	snop;
	(pc) =	sbr.ind lr, $3  }
0x3a: {  	_ = 	snop  }
0x3b: {  	_ = 	snop  }
0x3c: {  	p2 =	seq.s32 s10, $0x1;
	s10 =	sld [smem:$0x3FB6]  }
0x3d: {  	_ =	shalt  }
0x3e: {  	_ =	shalt  }
0x3f: {  	_ =	shalt  }
0x40: {  	_ =	shalt  }
0x41: {  	_ =	shalt  }
0x42: {  	_ =	shalt  }
0x43: {  	_ =	shalt  }
0x44: {  	_ =	shalt  }
0x45: {  	_ =	shalt  }
0x46: {  	_ =	shalt  }
0x47: {  	_ =	shalt  }
0x48: {  	_ =	shalt  }
0x49: {  	_ =	shalt  }
0x4a: {  	_ =	shalt  }
0x4b: {  	_ =	shalt  }
0x4c: {  	_ =	shalt  }
0x4d: {  	_ =	shalt  }
0x4e: {  	_ =	shalt  }
0x4f: {  	_ =	shalt  }
0x50: {  	_ =	shalt  }
0x51: {  	_ =	shalt  }
0x52: {  	_ =	shalt  }
0x53: {  	_ =	shalt  }
0x54: {  	_ =	shalt  }
0x55: {  	_ =	shalt  }
0x56: {  	_ =	shalt  }
0x57: {  	_ =	shalt  }
0x58: {  	_ =	shalt  }
0x59: {  	_ =	shalt  }
0x5a: {  	_ =	shalt  }
0x5b: {  	_ =	shalt  }
0x5c: {  	_ =	shalt  }
0x5d: {  	_ =	shalt  }
0x5e: {  	_ =	shalt  }
0x5f: {  	_ =	shalt  }
0x60: {  	_ =	shalt  }
0x61: {  	_ =	shalt  }
0x62: {  	_ =	shalt  }
0x63: {  	_ =	shalt  }
0x64: {  	_ =	shalt  }
0x65: {  	_ =	shalt  }
0x66: {  	_ =	shalt  }
0x67: {  	_ =	shalt  }
0x68: {  	_ =	shalt  }
0x69: {  	_ =	shalt  }
0x6a: {  	_ =	shalt  }
0x6b: {  	_ =	shalt  }
0x6c: {  	_ =	shalt  }
0x6d: {  	_ =	shalt  }
0x6e: {  	_ =	shalt  }
0x6f: {  	_ =	shalt  }
0x70: {  	_ =	shalt  }
0x71: {  	_ =	shalt  }
0x72: {  	_ =	shalt  }
0x73: {  	_ =	shalt  }
0x74: {  	_ =	shalt  }
0x75: {  	_ =	shalt  }
0x76: {  	_ =	shalt  }
0x77: {  	_ =	shalt  }
0x78: {  	_ =	shalt  }
0x79: {  	_ =	shalt  }
0x7a: {  	_ =	shalt  }
0x7b: {  	_ =	shalt  }
0x7c: {  	_ =	shalt  }
0x7d: {  	_ =	shalt  }
0x7e: {  	_ =	shalt  }
0x7f: {  	_ =	shalt  }
0x80: {  	_ =	shalt  }
0x81: {  	_ =	shalt  }
0x82: {  	_ =	shalt  }
0x83: {  	_ =	shalt  }
0x84: {  	_ =	shalt  }
0x85: {  	_ =	shalt  }
0x86: {  	_ =	shalt  }
0x87: {  	_ =	shalt  }
.Lfunc_end0:
.L_simem_size_0:
called_computation_lowered:
.L_overlay_start_0:
0x88: {  	s2 =	sld [smem:$0x3FD9]  }
0x89: {  	s3 =	sld [smem:$0x3FFE];
	_ =	sdelay $0x1  }
0x8a: {  	s1 =	srdreg.scid  }
0x8b: {  	s0 =	sand.u32 $0x1, s1  }
0x8c: {  	s17 =	sshll.u32 s0, $0xA;
	s2 =	sadd.s32 s3, s2  }
0x8d: {  	s2 =	sadd.s32 s2, s17  }
0x8e: {  	[smem:$0x3FC2] =	sst s2  }
0x8f: {  	_ = 	snop  }
0x90: {  	s2 =	sld [smem:$0x3FD0];
	(tm) =	ssettm $0x1  }
0x91: {  	s18 =	sld [smem:$0x3FFB];
	_ =	sdelay $0x3  }
0x92: {  	_ =	strace s18  }
0x93: {  	s3 =	sld [smem:$0x3FFC];
	_ =	sdelay $0x3  }
0x94: {  	_ =	strace s3  }
0x95: {  	s3 =	sld [smem:$0x3FFD];
	_ =	sdelay $0x3  }
0x96: {  	_ =	strace s3  }
0x97: {  	_ =	strace $0x8FFFFFFF  }
0x98: {  	s19 =	sld [smem:$0x3FDB];
	_ =	sdelay $0x1  }
0x99: {  	s4 =	simm.s32 $_scs_section_size  }
0x9a: {  	s5 =	simm.s32 $_size__tile_overlayer_lowered;
	s6 =	simm.s32 $_tile_overlayer_lowered  }
0x9b: {  	s22 =	simm.s32 $0x1BFF;
	s21 =	sshll.u32 s6, $0x1;
	s3 =	sadd.s32 s4, s19  }
0x9c: {  	s7 =	simm.s32 $0x0;
	s20 =	sshll.u32 s5, $0x1;
	s5 =	sadd.s32 s21, s3  }
0x9d: {  	[timem:s7], [sflag:s22] =	dma.local [hbm:s5], s20  }
0x9e: {  	_ =	swait.ge [sflag:s22], s20  }
0x9f: {  	s4 =	ssub.s32 $0x0, s20;
	[sflag:s22] =	ssyncset.done $0x0  }
0xa0: {  	[sflag:s22] =	ssyncadd.s32 s4;
	_ =	sdelay $0x1  }
0xa1: {  	s23 =	simm.s32 $0x1B8B  }
0xa2: {  	_ =	swait.ge [sflag:s23], $0x1  }
0xa3: {  	[sflag:s23] =	ssyncset.done $0x0  }
0xa4: {  	s25 =	simm.s32 $0x1B8E;
	s24 =	sld [smem:$0x3FFE];
	[sflag:s23] =	ssyncadd.s32 $0xFFFFFFFF  }
0xa5: {  	s26 =	simm.s32 $execute0_lowered;
	[smem:$0x3FD2] =	sst s25  }
0xa6: {  	s5 =	sshll.u32 s26, $0x1;
	_ =	strace $0x80000046;
	[dreg:$0x1] =	wrdreg $0xFFFFFFFF  }
0xa7: {  	s28 =	simm.s32 $_size_execute0_lowered;
	s3 =	sadd.s32 s3, s5;
	[dreg:$0x0] =	wrdreg $0x0  }
0xa8: {  	s5 =	sshll.u32 s28, $0x1;
	[dreg:$0x2] =	wrdreg s3  }
0xa9: {  	[dreg:$0x3] =	wrdreg s5  }
0xaa: {  	[dreg:$0x4] =	wrdreg $0xC0  }
0xab: {  	_ =	task [dreg:s7], $0x5FFFF  }
0xac: {  	[dreg:$0x1] =	wrdreg $0xFFFFFFFF  }
0xad: {  	[dreg:$0x0] =	wrdreg $0x60  }
0xae: {  	[dreg:$0x2] =	wrdreg s24  }
0xaf: {  	[dreg:$0x3] =	wrdreg s2  }
0xb0: {  	[dreg:$0x4] =	wrdreg $0x2B200  }
0xb1: {  	[dreg:$0x5] =	wrdreg $0x9  }
0xb2: {  	_ =	task.clear_ibuf [dreg:s7], $0x6FFFF;
	_ =	strace $0x90000046  }
0xb3: {  	s29 =	simm.s32 $0x9;
	_ =	strace $0x80000048  }
0xb4: {  	_ =	swait.ge [sflag:s29], $0x1  }
0xb5: {  	[sflag:s29] =	ssyncadd.s32 $0xFFFFFFFF  }
0xb6: {  	_ =	strace $0x90000048  }
0xb7: {  	_ =	sfence  }
0xb8: {  	s30 =	sld [smem:$0x0];
	_ =	sdelay $0x2  }
0xb9: {  	s31 =	sshll.u32 s1, $0xD;
	s1 =	sshrl.u32 s1, $0x2  }
0xba: {  	s3 =	sand.u32 $0x4000, s31;
	s1 =	sadd.s32 s1, s30  }
0xbb: {  	s0 =	sor.u32 s3, s0;
	s1 =	sshll.u32 s1, $0x11  }
0xbc: {  	s0 =	sor.u32 s1, s0  }
0xbd: {  	s0 =	sadd.s32 $0x8F2B, s0  }
0xbe: {  	[sflag:s0] =	ssyncadd.remote.s32 $0x1  }
0xbf: {  	_ =	sfence.sel $0xFFFF  }
0xc0: {  	[dreg:$0x0] =	wrdreg $0xFFFFFFFF;
	(pc) =	sbr.abs _section_cstart, $3  }
0xc1: {  	[dreg:$0x1] =	wrdreg $0xFFFFFFFF  }
0xc2: {  	_ =	task.clear_ibuf [dreg:s7], $0x2FFFF;
	_ =	strace $0x9FFFFFFF  }
0xc3: {  	(tm) =	ssettm $0x7FFFFFFF  }
tec
execute0_lowered:
.L_overlay_start_1:
0x0: {  	(tag) =	ssettag $0x1  }
0x1: {  	s5 =	rddreg [dreg:$0x0]  }
0x2: {  	s6 =	rddreg [dreg:$0x1]  }
0x3: {  	s0 =	srdreg.scid;
	s2 =	rddreg [dreg:$0x2]  }
0x4: {  	s3 =	simm.s32 $0x0;
	s4 =	sand.u32 $0x1, s0;
	s0 =	stileid.u32  }
0x5: {  	s11 =	simm.s32 $0x2710;
	s12 =	simm.s32 $0x0;
	s8 =	smul.u32 $0x280, s0  }
0x6: {  	s1 =	sshll.u32 s4, $0x4;
	s9 =	smul.u32 $0x2800, s4;
	s4 =	ssub.s32 $0x2, s4  }
0x7: {  	[smem:$0x7FF] =	sst s3;
	s1 =	sor.u32 s0, s1;
	s10 =	sshrl.u32 s4, $0x1  }
0x8: {  	s7 =	smul.u32 $0x2710, s1;
	s1 =	rddreg [dreg:$0x3];
	s9 =	sadd.s32 s8, s9  }
0x9: {  	_ =	strace $0x80000047;
	s10 =	ssub.s32 s4, s10;
	s31 =	sshrl.u32 s9, $0x3  }
0xa: {  	s9 =	simm.s32 $0x28A0;
	s7 =	sshrl.u32 s7, $0x3;
	s6 =	sadd.s32 s6, s31  }
0xb: {  	s30 =	sadd.s32 s5, s7;
	s5 =	sadd.s32 s8, s2;
	s7 =	smax.u32 s10, $0x1  }
0xc: {  	v0 =	vimm.f32 $1.000000000e+00;
	v1 =	vimm.f32 $0.0e+00;
	s8 =	simm.s32 $0x1;
	s10 =	simm.s32 $0x190;
	s4 =	sadd.s32 $0xC240, s30  }
.LBB2_1:
0xd: {  	[tilespmem:s3], [sflag:$0x1] =	stream.linear.gather [hbm4b:s4+s3], $0x2710, $0x38;
	[tilespmem:$0x2DA0] =	vst v63  }
0xe: {  	_ =	swait.ge [sflag:s8], $0x2710  }
0xf: {  	[sflag:s8] =	ssyncset.done $0x0  }
0x10: {  	[sflag:s8] =	ssyncadd.s32 $0xFFFFD8F0  }
0x11: {  	[tilespmem:$0x2710] =	vst v0  }
0x12: {  	[tilespmem:$0x2720] =	vst v0  }
0x13: {  	[tilespmem:$0x2730] =	vst v0  }
0x14: {  	[tilespmem:$0x2740] =	vst v0  }
0x15: {  	[tilespmem:$0x2750] =	vst v0  }
0x16: {  	[tilespmem:$0x2760] =	vst v0  }
0x17: {  	[tilespmem:$0x2770] =	vst v0  }
0x18: {  	[tilespmem:$0x2780] =	vst v0  }
0x19: {  	[tilespmem:$0x2790] =	vst v0  }
0x1a: {  	[tilespmem:$0x27A0] =	vst v0  }
0x1b: {  	[tilespmem:$0x27B0] =	vst v0  }
0x1c: {  	[tilespmem:$0x27C0] =	vst v0  }
0x1d: {  	[tilespmem:$0x27D0] =	vst v0  }
0x1e: {  	[tilespmem:$0x27E0] =	vst v0  }
0x1f: {  	[tilespmem:$0x27F0] =	vst v0  }
0x20: {  	[tilespmem:$0x2800] =	vst v0  }
0x21: {  	[tilespmem:$0x2810] =	vst v0  }
0x22: {  	[tilespmem:$0x2820] =	vst v0  }
0x23: {  	[tilespmem:$0x2830] =	vst v0  }
0x24: {  	[tilespmem:$0x2840] =	vst v0  }
0x25: {  	[tilespmem:$0x2850] =	vst v0  }
0x26: {  	[tilespmem:$0x2860] =	vst v0  }
0x27: {  	[tilespmem:$0x2870] =	vst v0  }
0x28: {  	[tilespmem:$0x2880] =	vst v0  }
0x29: {  	[tilespmem:$0x2890] =	vst v0  }
0x2a: {  	[tilespmem:$0x28A0] =	vst v1  }
0x2b: {  	[tilespmem:$0x28B0] =	vst v1  }
0x2c: {  	[tilespmem:$0x28C0] =	vst v1  }
0x2d: {  	[tilespmem:$0x28D0] =	vst v1  }
0x2e: {  	[tilespmem:$0x28E0] =	vst v1  }
0x2f: {  	[tilespmem:$0x28F0] =	vst v1  }
0x30: {  	[tilespmem:$0x2900] =	vst v1  }
0x31: {  	[tilespmem:$0x2910] =	vst v1  }
0x32: {  	[tilespmem:$0x2920] =	vst v1  }
0x33: {  	[tilespmem:$0x2930] =	vst v1  }
0x34: {  	[tilespmem:$0x2940] =	vst v1  }
0x35: {  	[tilespmem:$0x2950] =	vst v1  }
0x36: {  	[tilespmem:$0x2960] =	vst v1  }
0x37: {  	[tilespmem:$0x2970] =	vst v1  }
0x38: {  	[tilespmem:$0x2980] =	vst v1  }
0x39: {  	[tilespmem:$0x2990] =	vst v1  }
0x3a: {  	[tilespmem:$0x29A0] =	vst v1  }
0x3b: {  	[tilespmem:$0x29B0] =	vst v1  }
0x3c: {  	[tilespmem:$0x29C0] =	vst v1  }
0x3d: {  	[tilespmem:$0x29D0] =	vst v1  }
0x3e: {  	[tilespmem:$0x29E0] =	vst v1  }
0x3f: {  	[tilespmem:$0x29F0] =	vst v1  }
0x40: {  	[tilespmem:$0x2A00] =	vst v1  }
0x41: {  	[tilespmem:$0x2A10] =	vst v1  }
0x42: {  	[tilespmem:$0x2A20] =	vst v1  }
0x43: {  	[tilespmem:$0x2A30] =	vst v1  }
0x44: {  	[tilespmem:$0x2A40] =	vst v1  }
0x45: {  	[tilespmem:$0x2A50] =	vst v1  }
0x46: {  	[tilespmem:$0x2A60] =	vst v1  }
0x47: {  	[tilespmem:$0x2A70] =	vst v1  }
0x48: {  	[tilespmem:$0x2A80] =	vst v1  }
0x49: {  	[tilespmem:$0x2A90] =	vst v1  }
0x4a: {  	[tilespmem:$0x2AA0] =	vst v1  }
0x4b: {  	[tilespmem:$0x2AB0] =	vst v1  }
0x4c: {  	[tilespmem:$0x2AC0] =	vst v1  }
0x4d: {  	[tilespmem:$0x2AD0] =	vst v1  }
0x4e: {  	[tilespmem:$0x2AE0] =	vst v1  }
0x4f: {  	[tilespmem:$0x2AF0] =	vst v1  }
0x50: {  	[tilespmem:$0x2B00] =	vst v1  }
0x51: {  	[tilespmem:$0x2B10] =	vst v1  }
0x52: {  	[spmem:s5] =	stream.linear.scatter [tilespmem:s9], [sflag:$0x1], $0x280, $0x38;
	[tilespmem:$0x2DA0] =	vst v63  }
0x53: {  	_ =	swait.ge [sflag:s8], $0x280  }
0x54: {  	[sflag:s8] =	ssyncset.done $0x0  }
0x55: {  	[sflag:s8] =	ssyncadd.s32 $0xFFFFFD80  }
0x56: {  	s13 =	simm.s32 $0x0;
	[bflag:$0x0] =	sbarrier.arrive $0xFFFF  }
0x57: {  	[spmem:s2] =	stream.indirect.scatter.add.f32 [tilespmem:s11], [sflag:$0x1], $0x1, s13, s10, $0xb8;
	[tilespmem:$0x2DA0] =	vst v63  }
0x58: {  	_ =	swait.ge [sflag:s8], $0x190  }
0x59: {  	s13 =	simm.s32 $0x640;
	[sflag:s8] =	ssyncset.done $0x0  }
.LBB2_2:
0x5a: {  	s14 =	sshra.s32 s13, $0x2;
	[sflag:s8] =	ssyncadd.s32 $0xFFFFFE70;
	p0 =	sne.s32 s13, $0x9600  }
0x5b: {  	[spmem:s2] =	stream.indirect.scatter.add.f32 [tilespmem:s11], [sflag:$0x1], $0x1, s14, s10, $0xb8;
	[tilespmem:$0x2DA0] =	vst v63  }
.Ltmp0:
0x5c: {  	_ = 	snop;
	(pc) =	sbr.rel @p0 .LBB2_2-.Ltmp0, $4  }
0x5d: {  	_ = 	snop  }
0x5e: {  	s13 =	sadd.s32 $0x640, s13  }
0x5f: {  	_ =	swait.ge [sflag:s8], $0x190  }
0x60: {  	[sflag:s8] =	ssyncset.done $0x0  }
0x61: {  	[sflag:s8] =	ssyncadd.s32 $0xFFFFFE70  }
0x62: {  	[bflag:$0x0] =	sbarrier.arrive $0xFFFF  }
0x63: {  	[tilespmem:s9], [sflag:$0x1] =	stream.linear.gather [spmem:s5], $0x280, $0x38;
	[tilespmem:$0x2DA0] =	vst v63  }
0x64: {  	s12 =	sadd.s32 $0x1, s12;
	_ =	swait.ge [sflag:s8], $0x280  }
0x65: {  	p0 =	sne.s32 s12, s7;
	[sflag:s8] =	ssyncset.done $0x0  }
.Ltmp1:
0x66: {  	[sflag:s8] =	ssyncadd.s32 $0xFFFFFD80;
	(pc) =	sbr.rel @p0 .LBB2_1-.Ltmp1, $4  }
0x67: {  	[hbm4b:s6+s3] =	stream.linear.scatter [tilespmem:s9], [sflag:$0x1], $0x280, $0x38;
	[tilespmem:$0x2DA0] =	vst v63  }
0x68: {  	_ =	swait.ge [sflag:s8], $0x280  }
0x69: {  	[sflag:s8] =	ssyncset.done $0x0  }
0x6a: {  	[sflag:s8] =	ssyncadd.s32 $0xFFFFFD80  }
0x6b: {  	_ =	sfence.sel $0x180000  }
0x6c: {  	[bflag:$0x0] =	sbarrier.arrive $0xFFFF  }
0x6d: {  	p0 =	sne.s32 s0, $0x0;
	_ =	strace $0x90000047  }
0x6e: {  	s0 =	sadd.s32 @!p0 $0x100000, s1;
	[bflag:$0x2] =	sbarrier.arrive $0xFFFF  }
0x6f: {  	[sflag:s0] =	ssyncadd.tile.s32 @!p0 $0x1;
	_ =	shalt  }
.Lfunc_end2:
_tile_overlayer_lowered:
.L_overlay_start_2:
0x70: {  	(tag) =	ssettag $0x2  }
0x71: {  	s0 =	rddreg [dreg:$0x0];
	s2 =	stileid.u32  }
0x72: {  	s1 =	rddreg [dreg:$0x1];
	p0 =	sne.s32 s2, $0x0  }
0x73: {  	s3 =	rddreg [dreg:$0x2];
	[bflag:$0x3] =	sbarrier.arrive $0xFFFF;
	s2 =	simm.s32 @!p0 $0x1C01  }
0x74: {  	[timem:s3], [sflag:s2] =	dma.local @!p0 [hbm:s0], s1  }
0x75: {  	s0 =	simm.s32 @!p0 $0x1  }
0x76: {  	_ =	swait.ge @!p0 [sflag:s0], s1  }
0x77: {  	s1 =	ssub.s32 @!p0 $0x0, s1;
	[sflag:s0] =	ssyncset.done @!p0 $0x0  }
0x78: {  	[sflag:s0] =	ssyncadd.s32 @!p0 s1  }
0x79: {  	[bflag:$0x3] =	sbarrier.arrive $0xFFFF  }
0x7a: {  	_ =	shalt  }

</sc_bundles>
